<compile_context>
chip_gen: v7x
topology: tpu7x:2x2x1
jax: 0.10.2.dev20260603
libtpu: 0.0.44.dev20260713+nightly
codegen_flags: <defaults>
</compile_context>

<pallas_src>
import functools

import jax
import jax.numpy as jnp
from jax import lax
from jax.experimental import pallas as pl
from jax.experimental.pallas import tpu as pltpu
from jax.experimental.pallas import tpu_sc as plsc

NCOND = 1000
ED = 64
L = 16
D, WD, H = 4, 8, 8
BLANE = 128


def _make_lookup(B: int):
    info = plsc.get_sparse_core_info()
    nc, ns = info.num_cores, info.num_subcores
    nw = nc * ns
    epw = ED // nw
    nbt = B // BLANE
    assert ED % nw == 0 and B % BLANE == 0
    mesh = plsc.VectorSubcoreMesh(core_axis_name="c", subcore_axis_name="s")

    @functools.partial(
        pl.kernel,
        mesh=mesh,
        compiler_params=pltpu.CompilerParams(needs_layout_passes=False),
        out_type=jax.ShapeDtypeStruct((ED, D, WD, nbt, H, BLANE), jnp.float32),
        scratch_types=[
            pltpu.VMEM((epw * NCOND + L, ), jnp.float32),
            pltpu.VMEM((B,), jnp.int32),
            pltpu.VMEM((ED,), jnp.float32),
            pltpu.VMEM((L,), jnp.float32),
            pltpu.VMEM((nbt, H, BLANE), jnp.float32),
            pltpu.VMEM((nbt, H, BLANE), jnp.float32),
            pltpu.SemaphoreType.DMA,
            pltpu.SemaphoreType.DMA,
        ],
    )
    def lookup(w_hbm, idx_hbm, b_hbm, one_hbm, out_hbm,
               w_v, idx_v, b_v, one_v, blk0, blk1, sem0, sem1):
        wid = lax.axis_index("s") * nc + lax.axis_index("c")
        e0 = wid * epw

        cp_w = pltpu.make_async_copy(
            w_hbm.at[pl.ds(e0 * NCOND, epw * NCOND)],
            w_v.at[pl.ds(0, epw * NCOND)], sem0)
        cp_i = pltpu.make_async_copy(idx_hbm, idx_v, sem0)
        cp_b = pltpu.make_async_copy(b_hbm, b_v, sem0)
        cp_o = pltpu.make_async_copy(one_hbm, one_v, sem0)
        for cp in (cp_w, cp_i, cp_b, cp_o):
            cp.start()
        for cp in (cp_w, cp_i, cp_b, cp_o):
            cp.wait()

        ntail = NCOND % L
        nfull = NCOND // L
        lane = lax.iota(jnp.int32, L)
        one = one_v[pl.ds(0, L)]

        def build_block(le, blk):
            rowbase = le * NCOND
            bias = plsc.load_gather(b_v, [jnp.full((L,), e0 + le, jnp.int32)])

            def sbody(c, acc):
                return acc + w_v[pl.ds(rowbase + L * c, L)]
            acc = lax.fori_loop(
                0, nfull, sbody, jnp.zeros((L,), jnp.float32))
            tail = w_v[pl.ds(rowbase + L * nfull, L)]
            acc = acc + jnp.where(lane < ntail, tail, 0.0)
            total = jnp.sum(acc)
            w_e0 = w_v[pl.ds(rowbase, L)][0]
            mh_vec = jnp.full((L,), total - w_e0, jnp.float32) + bias

            def cbody(c, carry):
                cvec = idx_v[pl.ds(L * c, L)]
                g = plsc.load_gather(
                    w_v, [jnp.minimum(cvec, NCOND - 1) + rowbase])
                val = jnp.where(cvec < NCOND, g + bias, mh_vec) * one
                k = c // (BLANE // L)
                lanepos = L * (c % (BLANE // L))
                for h in range(H):
                    blk[k, h, pl.ds(lanepos, L)] = val
                return carry
            lax.fori_loop(0, B // L, cbody, 0)

        def fire(le, blk, sem):
            for d in range(D):
                for w in range(WD):
                    pltpu.make_async_copy(
                        blk, out_hbm.at[e0 + le, d, w], sem).start()

        def drain(le, blk, sem):
            for d in range(D):
                for w in range(WD):
                    pltpu.make_async_copy(
                        blk, out_hbm.at[e0 + le, d, w], sem).wait()

        build_block(0, blk0)
        fire(0, blk0, sem0)
        build_block(1, blk1)
        fire(1, blk1, sem1)
        drain(0, blk0, sem0)
        drain(1, blk1, sem1)

    return lookup


def kernel(condition, spatial_shape, W, b):
    dims = jnp.asarray(spatial_shape)
    one = (dims[0] - D + dims[1] - WD + dims[2] - H + 1).astype(jnp.float32)
    B = condition.shape[0]
    idx = condition.astype(jnp.int32)
    one_arr = jnp.full((L,), one, jnp.float32)
    out6 = _make_lookup(B)(W.reshape(ED * NCOND), idx, b, one_arr)
    out5 = out6.transpose(3, 5, 0, 1, 2, 4).reshape(B, ED, D, WD, H)
    return out5

# --- scband reference (transcript-rebuilt; emitter-appended) ---
"""Pipeline reference for scband-condition-embedding-84104049590553 (READ-ONLY COPY).

The authoritative reference and input builder live on the scoring server;
editing this copy changes nothing except your own understanding.
"""

import jax, jax.numpy as jnp
import numpy as np

NUM_CONDITIONS = 1000
EMBED_DIM = 64
BATCH = 1024


def setup_inputs(seed: int = 0) -> dict:
    key = jax.random.key(seed)
    k1, k2, k3 = jax.random.split(key, 3)
    # condition in [0, NUM_CONDITIONS]; values == NUM_CONDITIONS trigger the all-foreground branch
    condition = jax.random.randint(k1, (BATCH,), 0, NUM_CONDITIONS + 1, dtype=jnp.int64 if jax.config.read('jax_enable_x64') else jnp.int32)
    # nn.Linear(num_conditions, embed_dim): W is (embed_dim, num_conditions), b is (embed_dim,)
    bound = 1.0 / np.sqrt(NUM_CONDITIONS)
    W = jax.random.uniform(k2, (EMBED_DIM, NUM_CONDITIONS), dtype=jnp.float32, minval=-bound, maxval=bound)
    b = jax.random.uniform(k3, (EMBED_DIM,), dtype=jnp.float32, minval=-bound, maxval=bound)
    spatial_shape = (4, 8, 8)  # (D, W, H) 3D latent grid
    return {"condition": condition, "spatial_shape": spatial_shape, "W": W, "b": b}


def _condition_to_vector(condition, num_conditions):
    B = condition.shape[0]
    # normal branch: one-hot (scatter of 1.0 at class index)
    onehot = jax.nn.one_hot(jnp.clip(condition, 0, num_conditions - 1), num_conditions, dtype=jnp.float32)
    # all-foreground branch: multi-hot with 1.0 everywhere except index 0 (background)
    multi = jnp.concatenate([
        jnp.zeros((B, 1), dtype=jnp.float32),
        jnp.ones((B, num_conditions - 1), dtype=jnp.float32),
    ], axis=1)
    normal_mask = (condition < num_conditions)[:, None]
    return jnp.where(normal_mask, onehot, multi)


def reference(condition, spatial_shape, W, b):
    cond_vec = _condition_to_vector(condition, NUM_CONDITIONS)          # (B, num_conditions)
    cond_emb = cond_vec @ W.T + b                                        # (B, embed_dim)
    B = cond_emb.shape[0]
    cond_emb = cond_emb.reshape(B, EMBED_DIM, 1, 1, 1)
    D, Wd, H = 4, 8, 8
    dims = jnp.asarray(spatial_shape)
    one = (dims[0] - D + dims[1] - Wd + dims[2] - H + 1).astype(cond_emb.dtype)
    return jnp.broadcast_to(cond_emb * one, (B, EMBED_DIM, D, Wd, H))

if __name__ == "__main__":
    import jax
    _d = setup_inputs()
    print(jax.jit(kernel)(*tuple(_d.values())))

</pallas_src>

<mosaic_0001>
#map = affine_map<(d0, d1) -> (0)>
#map1 = affine_map<(d0, d1) -> (0, 0, 0, 0, 0, 0)>
module attributes {stable_mosaic.version = 14 : i64} {
  func.func @lookup(%arg0: i32, %arg1: i32, %arg2: memref<64000xf32, #tpu.memory_space<hbm>>, %arg3: memref<1024xi32, #tpu.memory_space<hbm>>, %arg4: memref<64xf32, #tpu.memory_space<hbm>>, %arg5: memref<16xf32, #tpu.memory_space<hbm>>, %arg6: memref<64x4x8x8x8x128xf32, #tpu.memory_space<hbm>>, %arg7: memref<2016xf32, #tpu.memory_space<vmem>>, %arg8: memref<1024xi32, #tpu.memory_space<vmem>>, %arg9: memref<64xf32, #tpu.memory_space<vmem>>, %arg10: memref<16xf32, #tpu.memory_space<vmem>>, %arg11: memref<8x8x128xf32, #tpu.memory_space<vmem>>, %arg12: memref<8x8x128xf32, #tpu.memory_space<vmem>>, %arg13: memref<!tpu.dma_semaphore, #tpu.memory_space<semaphore_mem>>, %arg14: memref<!tpu.dma_semaphore, #tpu.memory_space<semaphore_mem>>) attributes {dimension_semantics = [#tpu.dimension_semantics<core_parallel>, #tpu.dimension_semantics<subcore_parallel>], iteration_bounds = array<i64: 2, 16>, scalar_prefetch = 0 : i64, scratch_operands = 8 : i64, tpu.core_type = #tpu.core_type<sc_vector_subcore>, window_params = [{transform_indices = #map}, {transform_indices = #map}, {transform_indices = #map}, {transform_indices = #map}, {transform_indices = #map1}]} {
    %mul3A = arith.constant 2 : i32
    %mul3A_0 = arith.muli %arg1, %mul3A : i32
    %add3A = arith.addi %mul3A_0, %arg0 : i32
    %mul3A_1 = arith.constant 2 : i32
    %mul3A_2 = arith.muli %add3A, %mul3A_1 : i32
    %mul3A_3 = arith.constant 1000 : i32
    %mul3A_4 = arith.muli %mul3A_2, %mul3A_3 : i32
    %dma_start3A = arith.constant 0 : i32
    %dma_start3A_5 = tpu.memref_slice %arg7[%dma_start3A] : memref<2016xf32, #tpu.memory_space<vmem>> -> memref<2000xf32, #tpu.memory_space<vmem>>
    %dma_start3A_6 = tpu.memref_slice %arg2[%mul3A_4] : memref<64000xf32, #tpu.memory_space<hbm>> -> memref<2000xf32, #tpu.memory_space<hbm>>
    %dma_start3A_7 = arith.constant 0 : i32
    %dma_start3A_8 = tpu.memref_slice %arg7[%dma_start3A_7] : memref<2016xf32, #tpu.memory_space<vmem>> -> memref<2000xf32, #tpu.memory_space<vmem>>
    %dma_start3A_9 = tpu.memref_slice %arg2[%mul3A_4] : memref<64000xf32, #tpu.memory_space<hbm>> -> memref<2000xf32, #tpu.memory_space<hbm>>
    tpu.enqueue_dma source(%dma_start3A_9 : memref<2000xf32, #tpu.memory_space<hbm>>) target(%dma_start3A_8 : memref<2000xf32, #tpu.memory_space<vmem>>) target_semaphore(%arg13 : memref<!tpu.dma_semaphore, #tpu.memory_space<semaphore_mem>>)
    tpu.enqueue_dma source(%arg3 : memref<1024xi32, #tpu.memory_space<hbm>>) target(%arg8 : memref<1024xi32, #tpu.memory_space<vmem>>) target_semaphore(%arg13 : memref<!tpu.dma_semaphore, #tpu.memory_space<semaphore_mem>>)
    tpu.enqueue_dma source(%arg4 : memref<64xf32, #tpu.memory_space<hbm>>) target(%arg9 : memref<64xf32, #tpu.memory_space<vmem>>) target_semaphore(%arg13 : memref<!tpu.dma_semaphore, #tpu.memory_space<semaphore_mem>>)
    tpu.enqueue_dma source(%arg5 : memref<16xf32, #tpu.memory_space<hbm>>) target(%arg10 : memref<16xf32, #tpu.memory_space<vmem>>) target_semaphore(%arg13 : memref<!tpu.dma_semaphore, #tpu.memory_space<semaphore_mem>>)
    %dma_wait3A = arith.constant 0 : i32
    %dma_wait3A_10 = tpu.memref_slice %arg7[%dma_wait3A] : memref<2016xf32, #tpu.memory_space<vmem>> -> memref<2000xf32, #tpu.memory_space<vmem>>
    %dma_wait3A_11 = tpu.memref_slice %arg2[%mul3A_4] : memref<64000xf32, #tpu.memory_space<hbm>> -> memref<2000xf32, #tpu.memory_space<hbm>>
    %dma_wait3A_12 = arith.constant 0 : i32
    %dma_wait3A_13 = tpu.memref_slice %arg7[%dma_wait3A_12] : memref<2016xf32, #tpu.memory_space<vmem>> -> memref<2000xf32, #tpu.memory_space<vmem>>
    %dma_wait3A_14 = tpu.memref_slice %arg2[%mul3A_4] : memref<64000xf32, #tpu.memory_space<hbm>> -> memref<2000xf32, #tpu.memory_space<hbm>>
    tpu.wait_dma2 semaphore(%arg13 : memref<!tpu.dma_semaphore, #tpu.memory_space<semaphore_mem>>) src(%dma_wait3A_14 : memref<2000xf32, #tpu.memory_space<hbm>>) dst(%dma_wait3A_13 : memref<2000xf32, #tpu.memory_space<vmem>>)
    tpu.wait_dma2 semaphore(%arg13 : memref<!tpu.dma_semaphore, #tpu.memory_space<semaphore_mem>>) src(%arg3 : memref<1024xi32, #tpu.memory_space<hbm>>) dst(%arg8 : memref<1024xi32, #tpu.memory_space<vmem>>)
    tpu.wait_dma2 semaphore(%arg13 : memref<!tpu.dma_semaphore, #tpu.memory_space<semaphore_mem>>) src(%arg4 : memref<64xf32, #tpu.memory_space<hbm>>) dst(%arg9 : memref<64xf32, #tpu.memory_space<vmem>>)
    tpu.wait_dma2 semaphore(%arg13 : memref<!tpu.dma_semaphore, #tpu.memory_space<semaphore_mem>>) src(%arg5 : memref<16xf32, #tpu.memory_space<hbm>>) dst(%arg10 : memref<16xf32, #tpu.memory_space<vmem>>)
    %iota3A = tpu.iota {dimensions = array<i32: 0>} : vector<16xi32>
    %get3A = arith.constant 0 : index
    %get3A_15 = tpu.vector_load %arg10[%get3A] {strides = array<i32>} : memref<16xf32, #tpu.memory_space<vmem>>, vector<16xf32>,
    %add3A_16 = arith.constant 0 : i32
    %add3A_17 = arith.addi %mul3A_2, %add3A_16 : i32
    %broadcast_in_dim3A = vector.broadcast %add3A_17 : i32 to vector<16xi32>
    %gather3A = tpu.vector_load_idx %arg9[%broadcast_in_dim3A] : memref<64xf32, #tpu.memory_space<vmem>>[vector<16xi32>], vector<16xf32>,
    %broadcast_in_dim3A_18 = arith.constant 0.000000e+00 : f32
    %broadcast_in_dim3A_19 = vector.broadcast %broadcast_in_dim3A_18 : f32 to vector<16xf32>
    %scan3A = arith.constant 0 : i32
    %scan3A_20 = arith.constant 62 : i32
    %scan3A_21 = arith.addi %scan3A, %scan3A_20 : i32
    %scan3A_22 = arith.constant 1 : i32
    %scan3A_23 = scf.for %scan3A_1874 = %scan3A to %scan3A_21 step %scan3A_22 iter_args(%scan3A_1875 = %broadcast_in_dim3A_19) -> (vector<16xf32>)  : i32 {
      %mul3A_1876 = arith.constant 16 : i32
      %mul3A_1877 = arith.muli %mul3A_1876, %scan3A_1874 : i32
      %add3A_1878 = arith.constant 0 : i32
      %add3A_1879 = arith.addi %add3A_1878, %mul3A_1877 : i32
      %get3A_1880 = arith.index_cast %add3A_1879 : i32 to index
      %get3A_1881 = tpu.vector_load %arg7[%get3A_1880] {strides = array<i32>} : memref<2016xf32, #tpu.memory_space<vmem>>, vector<16xf32>,
      %add3A_1882 = arith.addf %scan3A_1875, %get3A_1881 : vector<16xf32>
      scf.yield %add3A_1882 : vector<16xf32>
    }
    %scan3A_24 = arith.constant 62 : i32
    %get3A_25 = arith.constant 992 : index
    %get3A_26 = tpu.vector_load %arg7[%get3A_25] {strides = array<i32>} : memref<2016xf32, #tpu.memory_space<vmem>>, vector<16xf32>,
    %lt3A = arith.constant 8 : i32
    %lt3A_27 = vector.broadcast %lt3A : i32 to vector<16xi32>
    %lt3A_28 = arith.cmpi slt, %iota3A, %lt3A_27 : vector<16xi32>
    %jit3A = arith.constant 0.000000e+00 : f32
    %broadcast_in_dim3A_29 = vector.broadcast %jit3A : f32 to vector<16xf32>
    %select_n3A = arith.select %lt3A_28, %get3A_26, %broadcast_in_dim3A_29 : vector<16xi1>, vector<16xf32>
    %add3A_30 = arith.addf %scan3A_23, %select_n3A : vector<16xf32>
    %reduce_sum3A = arith.constant true
    %reduce_sum3A_31 = vector.broadcast %reduce_sum3A : i1 to vector<16xi1>
    %reduce_sum3A_32 = tpu.scan <sum>, %add3A_30 masked %reduce_sum3A_31 : vector<16xf32>, vector<16xi1> -> vector<16xf32>
    %reduce_sum3A_33 = vector.extract %reduce_sum3A_32[15] : f32 from vector<16xf32>
    %get3A_34 = arith.constant 0 : index
    %get3A_35 = tpu.vector_load %arg7[%get3A_34] {strides = array<i32>} : memref<2016xf32, #tpu.memory_space<vmem>>, vector<16xf32>,
    %slice3A = vector.extract_strided_slice %get3A_35 {offsets = [0], sizes = [1], strides = [1]} : vector<16xf32> to vector<1xf32>
    %squeeze3A = vector.extract %slice3A[0] : f32 from vector<1xf32>
    %sub3A = arith.subf %reduce_sum3A_33, %squeeze3A : f32
    %broadcast_in_dim3A_36 = vector.broadcast %sub3A : f32 to vector<16xf32>
    %add3A_37 = arith.addf %broadcast_in_dim3A_36, %gather3A : vector<16xf32>
    %scan3A_38 = arith.constant 0 : i32
    %scan3A_39 = arith.constant 0 : i32
    %scan3A_40 = arith.constant 64 : i32
    %scan3A_41 = arith.addi %scan3A_39, %scan3A_40 : i32
    %scan3A_42 = arith.constant 1 : i32
    scf.for %scan3A_1874 = %scan3A_39 to %scan3A_41 step %scan3A_42  : i32 {
      %mul3A_1875 = arith.constant 16 : i32
      %mul3A_1876 = arith.muli %mul3A_1875, %scan3A_1874 : i32
      %get3A_1877 = arith.index_cast %mul3A_1876 : i32 to index
      %get3A_1878 = tpu.vector_load %arg8[%get3A_1877] {strides = array<i32>} : memref<1024xi32, #tpu.memory_space<vmem>>, vector<16xi32>,
      %min3A = arith.constant 999 : i32
      %min3A_1879 = vector.broadcast %min3A : i32 to vector<16xi32>
      %min3A_1880 = arith.minsi %get3A_1878, %min3A_1879 : vector<16xi32>
      %add3A_1881 = arith.constant 0 : i32
      %add3A_1882 = vector.broadcast %add3A_1881 : i32 to vector<16xi32>
      %add3A_1883 = arith.addi %min3A_1880, %add3A_1882 : vector<16xi32>
      %gather3A_1884 = tpu.vector_load_idx %arg7[%add3A_1883] : memref<2016xf32, #tpu.memory_space<vmem>>[vector<16xi32>], vector<16xf32>,
      %lt3A_1885 = arith.constant 1000 : i32
      %lt3A_1886 = vector.broadcast %lt3A_1885 : i32 to vector<16xi32>
      %lt3A_1887 = arith.cmpi slt, %get3A_1878, %lt3A_1886 : vector<16xi32>
      %add3A_1888 = arith.addf %gather3A_1884, %gather3A : vector<16xf32>
      %select_n3A_1889 = arith.select %lt3A_1887, %add3A_1888, %add3A_37 : vector<16xi1>, vector<16xf32>
      %mul3A_1890 = arith.mulf %select_n3A_1889, %get3A_15 : vector<16xf32>
      %jit3A_1891 = arith.constant 8 : i32
      %div3A = arith.divsi %scan3A_1874, %jit3A_1891 : i32
      %sign3A = arith.constant 0 : i32
      %sign3A_1892 = arith.cmpi sgt, %scan3A_1874, %sign3A : i32
      %sign3A_1893 = arith.extui %sign3A_1892 : i1 to i32
      %sign3A_1894 = arith.constant 0 : i32
      %sign3A_1895 = arith.cmpi slt, %scan3A_1874, %sign3A_1894 : i32
      %sign3A_1896 = arith.extui %sign3A_1895 : i1 to i32
      %sign3A_1897 = arith.subi %sign3A_1893, %sign3A_1896 : i32
      %sign3A_1898 = arith.constant 0 : i32
      %sign3A_1899 = arith.cmpi sgt, %jit3A_1891, %sign3A_1898 : i32
      %sign3A_1900 = arith.extui %sign3A_1899 : i1 to i32
      %sign3A_1901 = arith.constant 0 : i32
      %sign3A_1902 = arith.cmpi slt, %jit3A_1891, %sign3A_1901 : i32
      %sign3A_1903 = arith.extui %sign3A_1902 : i1 to i32
      %sign3A_1904 = arith.subi %sign3A_1900, %sign3A_1903 : i32
      %ne3A = arith.cmpi ne, %sign3A_1897, %sign3A_1904 : i32
      %rem3A = arith.remsi %scan3A_1874, %jit3A_1891 : i32
      %ne3A_1905 = arith.constant 0 : i32
      %ne3A_1906 = arith.cmpi ne, %rem3A, %ne3A_1905 : i32
      %and3A = arith.andi %ne3A, %ne3A_1906 : i1
      %sub3A_1907 = arith.constant 1 : i32
      %sub3A_1908 = arith.subi %div3A, %sub3A_1907 : i32
      %select_n3A_1909 = arith.select %and3A, %sub3A_1908, %div3A : i32
      %jit3A_1910 = arith.constant 8 : i32
      %eq3A = arith.constant 0 : i32
      %eq3A_1911 = arith.cmpi eq, %jit3A_1910, %eq3A : i32
      %jit3A_1912 = arith.constant 1 : i32
      %select_n3A_1913 = arith.select %eq3A_1911, %jit3A_1912, %jit3A_1910 : i32
      %rem3A_1914 = arith.remsi %scan3A_1874, %select_n3A_1913 : i32
      %ne3A_1915 = arith.constant 0 : i32
      %ne3A_1916 = arith.cmpi ne, %rem3A_1914, %ne3A_1915 : i32
      %lt3A_1917 = arith.constant 0 : i32
      %lt3A_1918 = arith.cmpi slt, %rem3A_1914, %lt3A_1917 : i32
      %lt3A_1919 = arith.constant 0 : i32
      %lt3A_1920 = arith.cmpi slt, %select_n3A_1913, %lt3A_1919 : i32
      %ne3A_1921 = arith.xori %lt3A_1918, %lt3A_1920 : i1
      %and3A_1922 = arith.andi %ne3A_1921, %ne3A_1916 : i1
      %add3A_1923 = arith.addi %rem3A_1914, %select_n3A_1913 : i32
      %select_n3A_1924 = arith.select %and3A_1922, %add3A_1923, %rem3A_1914 : i32
      %mul3A_1925 = arith.constant 16 : i32
      %mul3A_1926 = arith.muli %mul3A_1925, %select_n3A_1924 : i32
      %swap3A = arith.constant 0 : i32
      %swap3A_1927 = arith.index_cast %select_n3A_1909 : i32 to index
      %swap3A_1928 = arith.index_cast %swap3A : i32 to index
      %swap3A_1929 = arith.index_cast %mul3A_1926 : i32 to index
      %swap3A_1930 = tpu.vector_load %arg11[%swap3A_1927, %swap3A_1928, %swap3A_1929] {strides = array<i32>} : memref<8x8x128xf32, #tpu.memory_space<vmem>>, vector<16xf32>,
      tpu.vector_store %arg11[%swap3A_1927, %swap3A_1928, %swap3A_1929], %mul3A_1890 {strides = array<i32>} : memref<8x8x128xf32, #tpu.memory_space<vmem>>, vector<16xf32>,
      %swap3A_1931 = arith.constant 1 : i32
      %swap3A_1932 = arith.index_cast %select_n3A_1909 : i32 to index
      %swap3A_1933 = arith.index_cast %swap3A_1931 : i32 to index
      %swap3A_1934 = arith.index_cast %mul3A_1926 : i32 to index
      %swap3A_1935 = tpu.vector_load %arg11[%swap3A_1932, %swap3A_1933, %swap3A_1934] {strides = array<i32>} : memref<8x8x128xf32, #tpu.memory_space<vmem>>, vector<16xf32>,
      tpu.vector_store %arg11[%swap3A_1932, %swap3A_1933, %swap3A_1934], %mul3A_1890 {strides = array<i32>} : memref<8x8x128xf32, #tpu.memory_space<vmem>>, vector<16xf32>,
      %swap3A_1936 = arith.constant 2 : i32
      %swap3A_1937 = arith.index_cast %select_n3A_1909 : i32 to index
      %swap3A_1938 = arith.index_cast %swap3A_1936 : i32 to index
      %swap3A_1939 = arith.index_cast %mul3A_1926 : i32 to index
      %swap3A_1940 = tpu.vector_load %arg11[%swap3A_1937, %swap3A_1938, %swap3A_1939] {strides = array<i32>} : memref<8x8x128xf32, #tpu.memory_space<vmem>>, vector<16xf32>,
      tpu.vector_store %arg11[%swap3A_1937, %swap3A_1938, %swap3A_1939], %mul3A_1890 {strides = array<i32>} : memref<8x8x128xf32, #tpu.memory_space<vmem>>, vector<16xf32>,
      %swap3A_1941 = arith.constant 3 : i32
      %swap3A_1942 = arith.index_cast %select_n3A_1909 : i32 to index
      %swap3A_1943 = arith.index_cast %swap3A_1941 : i32 to index
      %swap3A_1944 = arith.index_cast %mul3A_1926 : i32 to index
      %swap3A_1945 = tpu.vector_load %arg11[%swap3A_1942, %swap3A_1943, %swap3A_1944] {strides = array<i32>} : memref<8x8x128xf32, #tpu.memory_space<vmem>>, vector<16xf32>,
      tpu.vector_store %arg11[%swap3A_1942, %swap3A_1943, %swap3A_1944], %mul3A_1890 {strides = array<i32>} : memref<8x8x128xf32, #tpu.memory_space<vmem>>, vector<16xf32>,
      %swap3A_1946 = arith.constant 4 : i32
      %swap3A_1947 = arith.index_cast %select_n3A_1909 : i32 to index
      %swap3A_1948 = arith.index_cast %swap3A_1946 : i32 to index
      %swap3A_1949 = arith.index_cast %mul3A_1926 : i32 to index
      %swap3A_1950 = tpu.vector_load %arg11[%swap3A_1947, %swap3A_1948, %swap3A_1949] {strides = array<i32>} : memref<8x8x128xf32, #tpu.memory_space<vmem>>, vector<16xf32>,
      tpu.vector_store %arg11[%swap3A_1947, %swap3A_1948, %swap3A_1949], %mul3A_1890 {strides = array<i32>} : memref<8x8x128xf32, #tpu.memory_space<vmem>>, vector<16xf32>,
      %swap3A_1951 = arith.constant 5 : i32
      %swap3A_1952 = arith.index_cast %select_n3A_1909 : i32 to index
      %swap3A_1953 = arith.index_cast %swap3A_1951 : i32 to index
      %swap3A_1954 = arith.index_cast %mul3A_1926 : i32 to index
      %swap3A_1955 = tpu.vector_load %arg11[%swap3A_1952, %swap3A_1953, %swap3A_1954] {strides = array<i32>} : memref<8x8x128xf32, #tpu.memory_space<vmem>>, vector<16xf32>,
      tpu.vector_store %arg11[%swap3A_1952, %swap3A_1953, %swap3A_1954], %mul3A_1890 {strides = array<i32>} : memref<8x8x128xf32, #tpu.memory_space<vmem>>, vector<16xf32>,
      %swap3A_1956 = arith.constant 6 : i32
      %swap3A_1957 = arith.index_cast %select_n3A_1909 : i32 to index
      %swap3A_1958 = arith.index_cast %swap3A_1956 : i32 to index
      %swap3A_1959 = arith.index_cast %mul3A_1926 : i32 to index
      %swap3A_1960 = tpu.vector_load %arg11[%swap3A_1957, %swap3A_1958, %swap3A_1959] {strides = array<i32>} : memref<8x8x128xf32, #tpu.memory_space<vmem>>, vector<16xf32>,
      tpu.vector_store %arg11[%swap3A_1957, %swap3A_1958, %swap3A_1959], %mul3A_1890 {strides = array<i32>} : memref<8x8x128xf32, #tpu.memory_space<vmem>>, vector<16xf32>,
      %swap3A_1961 = arith.constant 7 : i32
      %swap3A_1962 = arith.index_cast %select_n3A_1909 : i32 to index
      %swap3A_1963 = arith.index_cast %swap3A_1961 : i32 to index
      %swap3A_1964 = arith.index_cast %mul3A_1926 : i32 to index
      %swap3A_1965 = tpu.vector_load %arg11[%swap3A_1962, %swap3A_1963, %swap3A_1964] {strides = array<i32>} : memref<8x8x128xf32, #tpu.memory_space<vmem>>, vector<16xf32>,
      tpu.vector_store %arg11[%swap3A_1962, %swap3A_1963, %swap3A_1964], %mul3A_1890 {strides = array<i32>} : memref<8x8x128xf32, #tpu.memory_space<vmem>>, vector<16xf32>,
    }
    %scan3A_43 = arith.constant 64 : i32
    %add3A_44 = arith.constant 0 : i32
    %add3A_45 = arith.addi %mul3A_2, %add3A_44 : i32
    %dma_start3A_46 = arith.constant 0 : i32
    %dma_start3A_47 = arith.constant 0 : i32
    %dma_start3A_48 = arith.constant 0 : i32
    %dma_start3A_49 = arith.constant 0 : i32
    %dma_start3A_50 = arith.constant 0 : i32
    %dma_start3A_51 = tpu.memref_slice %arg6[%add3A_45, %dma_start3A_46, %dma_start3A_47, %dma_start3A_48, %dma_start3A_49, %dma_start3A_50] : memref<64x4x8x8x8x128xf32, #tpu.memory_space<hbm>> -> memref<1x1x1x8x8x128xf32, #tpu.memory_space<hbm>>
    %dma_start3A_52 = tpu.memref_squeeze %dma_start3A_51 : memref<1x1x1x8x8x128xf32, #tpu.memory_space<hbm>> -> memref<8x8x128xf32, #tpu.memory_space<hbm>>
    %dma_start3A_53 = arith.constant 0 : i32
    %dma_start3A_54 = arith.constant 0 : i32
    %dma_start3A_55 = arith.constant 0 : i32
    %dma_start3A_56 = tpu.memref_slice %arg6[%add3A_45, %dma_start3A_46, %dma_start3A_47, %dma_start3A_53, %dma_start3A_54, %dma_start3A_55] : memref<64x4x8x8x8x128xf32, #tpu.memory_space<hbm>> -> memref<1x1x1x8x8x128xf32, #tpu.memory_space<hbm>>
    %dma_start3A_57 = tpu.memref_squeeze %dma_start3A_56 : memref<1x1x1x8x8x128xf32, #tpu.memory_space<hbm>> -> memref<8x8x128xf32, #tpu.memory_space<hbm>>
    tpu.enqueue_dma source(%arg11 : memref<8x8x128xf32, #tpu.memory_space<vmem>>) target(%dma_start3A_57 : memref<8x8x128xf32, #tpu.memory_space<hbm>>) target_semaphore(%arg13 : memref<!tpu.dma_semaphore, #tpu.memory_space<semaphore_mem>>)
    %add3A_58 = arith.constant 0 : i32
    %add3A_59 = arith.addi %mul3A_2, %add3A_58 : i32
    %dma_start3A_60 = arith.constant 0 : i32
    %dma_start3A_61 = arith.constant 1 : i32
    %dma_start3A_62 = arith.constant 0 : i32
    %dma_start3A_63 = arith.constant 0 : i32
    %dma_start3A_64 = arith.constant 0 : i32
    %dma_start3A_65 = tpu.memref_slice %arg6[%add3A_59, %dma_start3A_60, %dma_start3A_61, %dma_start3A_62, %dma_start3A_63, %dma_start3A_64] : memref<64x4x8x8x8x128xf32, #tpu.memory_space<hbm>> -> memref<1x1x1x8x8x128xf32, #tpu.memory_space<hbm>>
    %dma_start3A_66 = tpu.memref_squeeze %dma_start3A_65 : memref<1x1x1x8x8x128xf32, #tpu.memory_space<hbm>> -> memref<8x8x128xf32, #tpu.memory_space<hbm>>
    %dma_start3A_67 = arith.constant 0 : i32
    %dma_start3A_68 = arith.constant 0 : i32
    %dma_start3A_69 = arith.constant 0 : i32
    %dma_start3A_70 = tpu.memref_slice %arg6[%add3A_59, %dma_start3A_60, %dma_start3A_61, %dma_start3A_67, %dma_start3A_68, %dma_start3A_69] : memref<64x4x8x8x8x128xf32, #tpu.memory_space<hbm>> -> memref<1x1x1x8x8x128xf32, #tpu.memory_space<hbm>>
    %dma_start3A_71 = tpu.memref_squeeze %dma_start3A_70 : memref<1x1x1x8x8x128xf32, #tpu.memory_space<hbm>> -> memref<8x8x128xf32, #tpu.memory_space<hbm>>
    tpu.enqueue_dma source(%arg11 : memref<8x8x128xf32, #tpu.memory_space<vmem>>) target(%dma_start3A_71 : memref<8x8x128xf32, #tpu.memory_space<hbm>>) target_semaphore(%arg13 : memref<!tpu.dma_semaphore, #tpu.memory_space<semaphore_mem>>)
    %add3A_72 = arith.constant 0 : i32
    %add3A_73 = arith.addi %mul3A_2, %add3A_72 : i32
    %dma_start3A_74 = arith.constant 0 : i32
    %dma_start3A_75 = arith.constant 2 : i32
    %dma_start3A_76 = arith.constant 0 : i32
    %dma_start3A_77 = arith.constant 0 : i32
    %dma_start3A_78 = arith.constant 0 : i32
    %dma_start3A_79 = tpu.memref_slice %arg6[%add3A_73, %dma_start3A_74, %dma_start3A_75, %dma_start3A_76, %dma_start3A_77, %dma_start3A_78] : memref<64x4x8x8x8x128xf32, #tpu.memory_space<hbm>> -> memref<1x1x1x8x8x128xf32, #tpu.memory_space<hbm>>
    %dma_start3A_80 = tpu.memref_squeeze %dma_start3A_79 : memref<1x1x1x8x8x128xf32, #tpu.memory_space<hbm>> -> memref<8x8x128xf32, #tpu.memory_space<hbm>>
    %dma_start3A_81 = arith.constant 0 : i32
    %dma_start3A_82 = arith.constant 0 : i32
    %dma_start3A_83 = arith.constant 0 : i32
    %dma_start3A_84 = tpu.memref_slice %arg6[%add3A_73, %dma_start3A_74, %dma_start3A_75, %dma_start3A_81, %dma_start3A_82, %dma_start3A_83] : memref<64x4x8x8x8x128xf32, #tpu.memory_space<hbm>> -> memref<1x1x1x8x8x128xf32, #tpu.memory_space<hbm>>
    %dma_start3A_85 = tpu.memref_squeeze %dma_start3A_84 : memref<1x1x1x8x8x128xf32, #tpu.memory_space<hbm>> -> memref<8x8x128xf32, #tpu.memory_space<hbm>>
    tpu.enqueue_dma source(%arg11 : memref<8x8x128xf32, #tpu.memory_space<vmem>>) target(%dma_start3A_85 : memref<8x8x128xf32, #tpu.memory_space<hbm>>) target_semaphore(%arg13 : memref<!tpu.dma_semaphore, #tpu.memory_space<semaphore_mem>>)
    %add3A_86 = arith.constant 0 : i32
    %add3A_87 = arith.addi %mul3A_2, %add3A_86 : i32
    %dma_start3A_88 = arith.constant 0 : i32
    %dma_start3A_89 = arith.constant 3 : i32
    %dma_start3A_90 = arith.constant 0 : i32
    %dma_start3A_91 = arith.constant 0 : i32
    %dma_start3A_92 = arith.constant 0 : i32
    %dma_start3A_93 = tpu.memref_slice %arg6[%add3A_87, %dma_start3A_88, %dma_start3A_89, %dma_start3A_90, %dma_start3A_91, %dma_start3A_92] : memref<64x4x8x8x8x128xf32, #tpu.memory_space<hbm>> -> memref<1x1x1x8x8x128xf32, #tpu.memory_space<hbm>>
    %dma_start3A_94 = tpu.memref_squeeze %dma_start3A_93 : memref<1x1x1x8x8x128xf32, #tpu.memory_space<hbm>> -> memref<8x8x128xf32, #tpu.memory_space<hbm>>
    %dma_start3A_95 = arith.constant 0 : i32
    %dma_start3A_96 = arith.constant 0 : i32
    %dma_start3A_97 = arith.constant 0 : i32
    %dma_start3A_98 = tpu.memref_slice %arg6[%add3A_87, %dma_start3A_88, %dma_start3A_89, %dma_start3A_95, %dma_start3A_96, %dma_start3A_97] : memref<64x4x8x8x8x128xf32, #tpu.memory_space<hbm>> -> memref<1x1x1x8x8x128xf32, #tpu.memory_space<hbm>>
    %dma_start3A_99 = tpu.memref_squeeze %dma_start3A_98 : memref<1x1x1x8x8x128xf32, #tpu.memory_space<hbm>> -> memref<8x8x128xf32, #tpu.memory_space<hbm>>
    tpu.enqueue_dma source(%arg11 : memref<8x8x128xf32, #tpu.memory_space<vmem>>) target(%dma_start3A_99 : memref<8x8x128xf32, #tpu.memory_space<hbm>>) target_semaphore(%arg13 : memref<!tpu.dma_semaphore, #tpu.memory_space<semaphore_mem>>)
    %add3A_100 = arith.constant 0 : i32
    %add3A_101 = arith.addi %mul3A_2, %add3A_100 : i32
    %dma_start3A_102 = arith.constant 0 : i32
    %dma_start3A_103 = arith.constant 4 : i32
    %dma_start3A_104 = arith.constant 0 : i32
    %dma_start3A_105 = arith.constant 0 : i32
    %dma_start3A_106 = arith.constant 0 : i32
    %dma_start3A_107 = tpu.memref_slice %arg6[%add3A_101, %dma_start3A_102, %dma_start3A_103, %dma_start3A_104, %dma_start3A_105, %dma_start3A_106] : memref<64x4x8x8x8x128xf32, #tpu.memory_space<hbm>> -> memref<1x1x1x8x8x128xf32, #tpu.memory_space<hbm>>
    %dma_start3A_108 = tpu.memref_squeeze %dma_start3A_107 : memref<1x1x1x8x8x128xf32, #tpu.memory_space<hbm>> -> memref<8x8x128xf32, #tpu.memory_space<hbm>>
    %dma_start3A_109 = arith.constant 0 : i32
    %dma_start3A_110 = arith.constant 0 : i32
    %dma_start3A_111 = arith.constant 0 : i32
    %dma_start3A_112 = tpu.memref_slice %arg6[%add3A_101, %dma_start3A_102, %dma_start3A_103, %dma_start3A_109, %dma_start3A_110, %dma_start3A_111] : memref<64x4x8x8x8x128xf32, #tpu.memory_space<hbm>> -> memref<1x1x1x8x8x128xf32, #tpu.memory_space<hbm>>
    %dma_start3A_113 = tpu.memref_squeeze %dma_start3A_112 : memref<1x1x1x8x8x128xf32, #tpu.memory_space<hbm>> -> memref<8x8x128xf32, #tpu.memory_space<hbm>>
    tpu.enqueue_dma source(%arg11 : memref<8x8x128xf32, #tpu.memory_space<vmem>>) target(%dma_start3A_113 : memref<8x8x128xf32, #tpu.memory_space<hbm>>) target_semaphore(%arg13 : memref<!tpu.dma_semaphore, #tpu.memory_space<semaphore_mem>>)
    %add3A_114 = arith.constant 0 : i32
    %add3A_115 = arith.addi %mul3A_2, %add3A_114 : i32
    %dma_start3A_116 = arith.constant 0 : i32
    %dma_start3A_117 = arith.constant 5 : i32
    %dma_start3A_118 = arith.constant 0 : i32
    %dma_start3A_119 = arith.constant 0 : i32
    %dma_start3A_120 = arith.constant 0 : i32
    %dma_start3A_121 = tpu.memref_slice %arg6[%add3A_115, %dma_start3A_116, %dma_start3A_117, %dma_start3A_118, %dma_start3A_119, %dma_start3A_120] : memref<64x4x8x8x8x128xf32, #tpu.memory_space<hbm>> -> memref<1x1x1x8x8x128xf32, #tpu.memory_space<hbm>>
    %dma_start3A_122 = tpu.memref_squeeze %dma_start3A_121 : memref<1x1x1x8x8x128xf32, #tpu.memory_space<hbm>> -> memref<8x8x128xf32, #tpu.memory_space<hbm>>
    %dma_start3A_123 = arith.constant 0 : i32
    %dma_start3A_124 = arith.constant 0 : i32
    %dma_start3A_125 = arith.constant 0 : i32
    %dma_start3A_126 = tpu.memref_slice %arg6[%add3A_115, %dma_start3A_116, %dma_start3A_117, %dma_start3A_123, %dma_start3A_124, %dma_start3A_125] : memref<64x4x8x8x8x128xf32, #tpu.memory_space<hbm>> -> memref<1x1x1x8x8x128xf32, #tpu.memory_space<hbm>>
    %dma_start3A_127 = tpu.memref_squeeze %dma_start3A_126 : memref<1x1x1x8x8x128xf32, #tpu.memory_space<hbm>> -> memref<8x8x128xf32, #tpu.memory_space<hbm>>
    tpu.enqueue_dma source(%arg11 : memref<8x8x128xf32, #tpu.memory_space<vmem>>) target(%dma_start3A_127 : memref<8x8x128xf32, #tpu.memory_space<hbm>>) target_semaphore(%arg13 : memref<!tpu.dma_semaphore, #tpu.memory_space<semaphore_mem>>)
    %add3A_128 = arith.constant 0 : i32
    %add3A_129 = arith.addi %mul3A_2, %add3A_128 : i32
    %dma_start3A_130 = arith.constant 0 : i32
    %dma_start3A_131 = arith.constant 6 : i32
    %dma_start3A_132 = arith.constant 0 : i32
    %dma_start3A_133 = arith.constant 0 : i32
    %dma_start3A_134 = arith.constant 0 : i32
    %dma_start3A_135 = tpu.memref_slice %arg6[%add3A_129, %dma_start3A_130, %dma_start3A_131, %dma_start3A_132, %dma_start3A_133, %dma_start3A_134] : memref<64x4x8x8x8x128xf32, #tpu.memory_space<hbm>> -> memref<1x1x1x8x8x128xf32, #tpu.memory_space<hbm>>
    %dma_start3A_136 = tpu.memref_squeeze %dma_start3A_135 : memref<1x1x1x8x8x128xf32, #tpu.memory_space<hbm>> -> memref<8x8x128xf32, #tpu.memory_space<hbm>>
    %dma_start3A_137 = arith.constant 0 : i32
    %dma_start3A_138 = arith.constant 0 : i32
    %dma_start3A_139 = arith.constant 0 : i32
    %dma_start3A_140 = tpu.memref_slice %arg6[%add3A_129, %dma_start3A_130, %dma_start3A_131, %dma_start3A_137, %dma_start3A_138, %dma_start3A_139] : memref<64x4x8x8x8x128xf32, #tpu.memory_space<hbm>> -> memref<1x1x1x8x8x128xf32, #tpu.memory_space<hbm>>
    %dma_start3A_141 = tpu.memref_squeeze %dma_start3A_140 : memref<1x1x1x8x8x128xf32, #tpu.memory_space<hbm>> -> memref<8x8x128xf32, #tpu.memory_space<hbm>>
    tpu.enqueue_dma source(%arg11 : memref<8x8x128xf32, #tpu.memory_space<vmem>>) target(%dma_start3A_141 : memref<8x8x128xf32, #tpu.memory_space<hbm>>) target_semaphore(%arg13 : memref<!tpu.dma_semaphore, #tpu.memory_space<semaphore_mem>>)
    %add3A_142 = arith.constant 0 : i32
    %add3A_143 = arith.addi %mul3A_2, %add3A_142 : i32
    %dma_start3A_144 = arith.constant 0 : i32
    %dma_start3A_145 = arith.constant 7 : i32
    %dma_start3A_146 = arith.constant 0 : i32
    %dma_start3A_147 = arith.constant 0 : i32
    %dma_start3A_148 = arith.constant 0 : i32
    %dma_start3A_149 = tpu.memref_slice %arg6[%add3A_143, %dma_start3A_144, %dma_start3A_145, %dma_start3A_146, %dma_start3A_147, %dma_start3A_148] : memref<64x4x8x8x8x128xf32, #tpu.memory_space<hbm>> -> memref<1x1x1x8x8x128xf32, #tpu.memory_space<hbm>>
    %dma_start3A_150 = tpu.memref_squeeze %dma_start3A_149 : memref<1x1x1x8x8x128xf32, #tpu.memory_space<hbm>> -> memref<8x8x128xf32, #tpu.memory_space<hbm>>
    %dma_start3A_151 = arith.constant 0 : i32
    %dma_start3A_152 = arith.constant 0 : i32
    %dma_start3A_153 = arith.constant 0 : i32
    %dma_start3A_154 = tpu.memref_slice %arg6[%add3A_143, %dma_start3A_144, %dma_start3A_145, %dma_start3A_151, %dma_start3A_152, %dma_start3A_153] : memref<64x4x8x8x8x128xf32, #tpu.memory_space<hbm>> -> memref<1x1x1x8x8x128xf32, #tpu.memory_space<hbm>>
    %dma_start3A_155 = tpu.memref_squeeze %dma_start3A_154 : memref<1x1x1x8x8x128xf32, #tpu.memory_space<hbm>> -> memref<8x8x128xf32, #tpu.memory_space<hbm>>
    tpu.enqueue_dma source(%arg11 : memref<8x8x128xf32, #tpu.memory_space<vmem>>) target(%dma_start3A_155 : memref<8x8x128xf32, #tpu.memory_space<hbm>>) target_semaphore(%arg13 : memref<!tpu.dma_semaphore, #tpu.memory_space<semaphore_mem>>)
    %add3A_156 = arith.constant 0 : i32
    %add3A_157 = arith.addi %mul3A_2, %add3A_156 : i32
    %dma_start3A_158 = arith.constant 1 : i32
    %dma_start3A_159 = arith.constant 0 : i32
    %dma_start3A_160 = arith.constant 0 : i32
    %dma_start3A_161 = arith.constant 0 : i32
    %dma_start3A_162 = arith.constant 0 : i32
    %dma_start3A_163 = tpu.memref_slice %arg6[%add3A_157, %dma_start3A_158, %dma_start3A_159, %dma_start3A_160, %dma_start3A_161, %dma_start3A_162] : memref<64x4x8x8x8x128xf32, #tpu.memory_space<hbm>> -> memref<1x1x1x8x8x128xf32, #tpu.memory_space<hbm>>
    %dma_start3A_164 = tpu.memref_squeeze %dma_start3A_163 : memref<1x1x1x8x8x128xf32, #tpu.memory_space<hbm>> -> memref<8x8x128xf32, #tpu.memory_space<hbm>>
    %dma_start3A_165 = arith.constant 0 : i32
    %dma_start3A_166 = arith.constant 0 : i32
    %dma_start3A_167 = arith.constant 0 : i32
    %dma_start3A_168 = tpu.memref_slice %arg6[%add3A_157, %dma_start3A_158, %dma_start3A_159, %dma_start3A_165, %dma_start3A_166, %dma_start3A_167] : memref<64x4x8x8x8x128xf32, #tpu.memory_space<hbm>> -> memref<1x1x1x8x8x128xf32, #tpu.memory_space<hbm>>
    %dma_start3A_169 = tpu.memref_squeeze %dma_start3A_168 : memref<1x1x1x8x8x128xf32, #tpu.memory_space<hbm>> -> memref<8x8x128xf32, #tpu.memory_space<hbm>>
    tpu.enqueue_dma source(%arg11 : memref<8x8x128xf32, #tpu.memory_space<vmem>>) target(%dma_start3A_169 : memref<8x8x128xf32, #tpu.memory_space<hbm>>) target_semaphore(%arg13 : memref<!tpu.dma_semaphore, #tpu.memory_space<semaphore_mem>>)
    %add3A_170 = arith.constant 0 : i32
    %add3A_171 = arith.addi %mul3A_2, %add3A_170 : i32
    %dma_start3A_172 = arith.constant 1 : i32
    %dma_start3A_173 = arith.constant 1 : i32
    %dma_start3A_174 = arith.constant 0 : i32
    %dma_start3A_175 = arith.constant 0 : i32
    %dma_start3A_176 = arith.constant 0 : i32
    %dma_start3A_177 = tpu.memref_slice %arg6[%add3A_171, %dma_start3A_172, %dma_start3A_173, %dma_start3A_174, %dma_start3A_175, %dma_start3A_176] : memref<64x4x8x8x8x128xf32, #tpu.memory_space<hbm>> -> memref<1x1x1x8x8x128xf32, #tpu.memory_space<hbm>>
    %dma_start3A_178 = tpu.memref_squeeze %dma_start3A_177 : memref<1x1x1x8x8x128xf32, #tpu.memory_space<hbm>> -> memref<8x8x128xf32, #tpu.memory_space<hbm>>
    %dma_start3A_179 = arith.constant 0 : i32
    %dma_start3A_180 = arith.constant 0 : i32
    %dma_start3A_181 = arith.constant 0 : i32
    %dma_start3A_182 = tpu.memref_slice %arg6[%add3A_171, %dma_start3A_172, %dma_start3A_173, %dma_start3A_179, %dma_start3A_180, %dma_start3A_181] : memref<64x4x8x8x8x128xf32, #tpu.memory_space<hbm>> -> memref<1x1x1x8x8x128xf32, #tpu.memory_space<hbm>>
    %dma_start3A_183 = tpu.memref_squeeze %dma_start3A_182 : memref<1x1x1x8x8x128xf32, #tpu.memory_space<hbm>> -> memref<8x8x128xf32, #tpu.memory_space<hbm>>
    tpu.enqueue_dma source(%arg11 : memref<8x8x128xf32, #tpu.memory_space<vmem>>) target(%dma_start3A_183 : memref<8x8x128xf32, #tpu.memory_space<hbm>>) target_semaphore(%arg13 : memref<!tpu.dma_semaphore, #tpu.memory_space<semaphore_mem>>)
    %add3A_184 = arith.constant 0 : i32
    %add3A_185 = arith.addi %mul3A_2, %add3A_184 : i32
    %dma_start3A_186 = arith.constant 1 : i32
    %dma_start3A_187 = arith.constant 2 : i32
    %dma_start3A_188 = arith.constant 0 : i32
    %dma_start3A_189 = arith.constant 0 : i32
    %dma_start3A_190 = arith.constant 0 : i32
    %dma_start3A_191 = tpu.memref_slice %arg6[%add3A_185, %dma_start3A_186, %dma_start3A_187, %dma_start3A_188, %dma_start3A_189, %dma_start3A_190] : memref<64x4x8x8x8x128xf32, #tpu.memory_space<hbm>> -> memref<1x1x1x8x8x128xf32, #tpu.memory_space<hbm>>
    %dma_start3A_192 = tpu.memref_squeeze %dma_start3A_191 : memref<1x1x1x8x8x128xf32, #tpu.memory_space<hbm>> -> memref<8x8x128xf32, #tpu.memory_space<hbm>>
    %dma_start3A_193 = arith.constant 0 : i32
    %dma_start3A_194 = arith.constant 0 : i32
    %dma_start3A_195 = arith.constant 0 : i32
    %dma_start3A_196 = tpu.memref_slice %arg6[%add3A_185, %dma_start3A_186, %dma_start3A_187, %dma_start3A_193, %dma_start3A_194, %dma_start3A_195] : memref<64x4x8x8x8x128xf32, #tpu.memory_space<hbm>> -> memref<1x1x1x8x8x128xf32, #tpu.memory_space<hbm>>
    %dma_start3A_197 = tpu.memref_squeeze %dma_start3A_196 : memref<1x1x1x8x8x128xf32, #tpu.memory_space<hbm>> -> memref<8x8x128xf32, #tpu.memory_space<hbm>>
    tpu.enqueue_dma source(%arg11 : memref<8x8x128xf32, #tpu.memory_space<vmem>>) target(%dma_start3A_197 : memref<8x8x128xf32, #tpu.memory_space<hbm>>) target_semaphore(%arg13 : memref<!tpu.dma_semaphore, #tpu.memory_space<semaphore_mem>>)
    %add3A_198 = arith.constant 0 : i32
    %add3A_199 = arith.addi %mul3A_2, %add3A_198 : i32
    %dma_start3A_200 = arith.constant 1 : i32
    %dma_start3A_201 = arith.constant 3 : i32
    %dma_start3A_202 = arith.constant 0 : i32
    %dma_start3A_203 = arith.constant 0 : i32
    %dma_start3A_204 = arith.constant 0 : i32
    %dma_start3A_205 = tpu.memref_slice %arg6[%add3A_199, %dma_start3A_200, %dma_start3A_201, %dma_start3A_202, %dma_start3A_203, %dma_start3A_204] : memref<64x4x8x8x8x128xf32, #tpu.memory_space<hbm>> -> memref<1x1x1x8x8x128xf32, #tpu.memory_space<hbm>>
    %dma_start3A_206 = tpu.memref_squeeze %dma_start3A_205 : memref<1x1x1x8x8x128xf32, #tpu.memory_space<hbm>> -> memref<8x8x128xf32, #tpu.memory_space<hbm>>
    %dma_start3A_207 = arith.constant 0 : i32
    %dma_start3A_208 = arith.constant 0 : i32
    %dma_start3A_209 = arith.constant 0 : i32
    %dma_start3A_210 = tpu.memref_slice %arg6[%add3A_199, %dma_start3A_200, %dma_start3A_201, %dma_start3A_207, %dma_start3A_208, %dma_start3A_209] : memref<64x4x8x8x8x128xf32, #tpu.memory_space<hbm>> -> memref<1x1x1x8x8x128xf32, #tpu.memory_space<hbm>>
    %dma_start3A_211 = tpu.memref_squeeze %dma_start3A_210 : memref<1x1x1x8x8x128xf32, #tpu.memory_space<hbm>> -> memref<8x8x128xf32, #tpu.memory_space<hbm>>
    tpu.enqueue_dma source(%arg11 : memref<8x8x128xf32, #tpu.memory_space<vmem>>) target(%dma_start3A_211 : memref<8x8x128xf32, #tpu.memory_space<hbm>>) target_semaphore(%arg13 : memref<!tpu.dma_semaphore, #tpu.memory_space<semaphore_mem>>)
    %add3A_212 = arith.constant 0 : i32
    %add3A_213 = arith.addi %mul3A_2, %add3A_212 : i32
    %dma_start3A_214 = arith.constant 1 : i32
    %dma_start3A_215 = arith.constant 4 : i32
    %dma_start3A_216 = arith.constant 0 : i32
    %dma_start3A_217 = arith.constant 0 : i32
    %dma_start3A_218 = arith.constant 0 : i32
    %dma_start3A_219 = tpu.memref_slice %arg6[%add3A_213, %dma_start3A_214, %dma_start3A_215, %dma_start3A_216, %dma_start3A_217, %dma_start3A_218] : memref<64x4x8x8x8x128xf32, #tpu.memory_space<hbm>> -> memref<1x1x1x8x8x128xf32, #tpu.memory_space<hbm>>
    %dma_start3A_220 = tpu.memref_squeeze %dma_start3A_219 : memref<1x1x1x8x8x128xf32, #tpu.memory_space<hbm>> -> memref<8x8x128xf32, #tpu.memory_space<hbm>>
    %dma_start3A_221 = arith.constant 0 : i32
    %dma_start3A_222 = arith.constant 0 : i32
    %dma_start3A_223 = arith.constant 0 : i32
    %dma_start3A_224 = tpu.memref_slice %arg6[%add3A_213, %dma_start3A_214, %dma_start3A_215, %dma_start3A_221, %dma_start3A_222, %dma_start3A_223] : memref<64x4x8x8x8x128xf32, #tpu.memory_space<hbm>> -> memref<1x1x1x8x8x128xf32, #tpu.memory_space<hbm>>
    %dma_start3A_225 = tpu.memref_squeeze %dma_start3A_224 : memref<1x1x1x8x8x128xf32, #tpu.memory_space<hbm>> -> memref<8x8x128xf32, #tpu.memory_space<hbm>>
    tpu.enqueue_dma source(%arg11 : memref<8x8x128xf32, #tpu.memory_space<vmem>>) target(%dma_start3A_225 : memref<8x8x128xf32, #tpu.memory_space<hbm>>) target_semaphore(%arg13 : memref<!tpu.dma_semaphore, #tpu.memory_space<semaphore_mem>>)
    %add3A_226 = arith.constant 0 : i32
    %add3A_227 = arith.addi %mul3A_2, %add3A_226 : i32
    %dma_start3A_228 = arith.constant 1 : i32
    %dma_start3A_229 = arith.constant 5 : i32
    %dma_start3A_230 = arith.constant 0 : i32
    %dma_start3A_231 = arith.constant 0 : i32
    %dma_start3A_232 = arith.constant 0 : i32
    %dma_start3A_233 = tpu.memref_slice %arg6[%add3A_227, %dma_start3A_228, %dma_start3A_229, %dma_start3A_230, %dma_start3A_231, %dma_start3A_232] : memref<64x4x8x8x8x128xf32, #tpu.memory_space<hbm>> -> memref<1x1x1x8x8x128xf32, #tpu.memory_space<hbm>>
    %dma_start3A_234 = tpu.memref_squeeze %dma_start3A_233 : memref<1x1x1x8x8x128xf32, #tpu.memory_space<hbm>> -> memref<8x8x128xf32, #tpu.memory_space<hbm>>
    %dma_start3A_235 = arith.constant 0 : i32
    %dma_start3A_236 = arith.constant 0 : i32
    %dma_start3A_237 = arith.constant 0 : i32
    %dma_start3A_238 = tpu.memref_slice %arg6[%add3A_227, %dma_start3A_228, %dma_start3A_229, %dma_start3A_235, %dma_start3A_236, %dma_start3A_237] : memref<64x4x8x8x8x128xf32, #tpu.memory_space<hbm>> -> memref<1x1x1x8x8x128xf32, #tpu.memory_space<hbm>>
    %dma_start3A_239 = tpu.memref_squeeze %dma_start3A_238 : memref<1x1x1x8x8x128xf32, #tpu.memory_space<hbm>> -> memref<8x8x128xf32, #tpu.memory_space<hbm>>
    tpu.enqueue_dma source(%arg11 : memref<8x8x128xf32, #tpu.memory_space<vmem>>) target(%dma_start3A_239 : memref<8x8x128xf32, #tpu.memory_space<hbm>>) target_semaphore(%arg13 : memref<!tpu.dma_semaphore, #tpu.memory_space<semaphore_mem>>)
    %add3A_240 = arith.constant 0 : i32
    %add3A_241 = arith.addi %mul3A_2, %add3A_240 : i32
    %dma_start3A_242 = arith.constant 1 : i32
    %dma_start3A_243 = arith.constant 6 : i32
    %dma_start3A_244 = arith.constant 0 : i32
    %dma_start3A_245 = arith.constant 0 : i32
    %dma_start3A_246 = arith.constant 0 : i32
    %dma_start3A_247 = tpu.memref_slice %arg6[%add3A_241, %dma_start3A_242, %dma_start3A_243, %dma_start3A_244, %dma_start3A_245, %dma_start3A_246] : memref<64x4x8x8x8x128xf32, #tpu.memory_space<hbm>> -> memref<1x1x1x8x8x128xf32, #tpu.memory_space<hbm>>
    %dma_start3A_248 = tpu.memref_squeeze %dma_start3A_247 : memref<1x1x1x8x8x128xf32, #tpu.memory_space<hbm>> -> memref<8x8x128xf32, #tpu.memory_space<hbm>>
    %dma_start3A_249 = arith.constant 0 : i32
    %dma_start3A_250 = arith.constant 0 : i32
    %dma_start3A_251 = arith.constant 0 : i32
    %dma_start3A_252 = tpu.memref_slice %arg6[%add3A_241, %dma_start3A_242, %dma_start3A_243, %dma_start3A_249, %dma_start3A_250, %dma_start3A_251] : memref<64x4x8x8x8x128xf32, #tpu.memory_space<hbm>> -> memref<1x1x1x8x8x128xf32, #tpu.memory_space<hbm>>
    %dma_start3A_253 = tpu.memref_squeeze %dma_start3A_252 : memref<1x1x1x8x8x128xf32, #tpu.memory_space<hbm>> -> memref<8x8x128xf32, #tpu.memory_space<hbm>>
    tpu.enqueue_dma source(%arg11 : memref<8x8x128xf32, #tpu.memory_space<vmem>>) target(%dma_start3A_253 : memref<8x8x128xf32, #tpu.memory_space<hbm>>) target_semaphore(%arg13 : memref<!tpu.dma_semaphore, #tpu.memory_space<semaphore_mem>>)
    %add3A_254 = arith.constant 0 : i32
    %add3A_255 = arith.addi %mul3A_2, %add3A_254 : i32
    %dma_start3A_256 = arith.constant 1 : i32
    %dma_start3A_257 = arith.constant 7 : i32
    %dma_start3A_258 = arith.constant 0 : i32
    %dma_start3A_259 = arith.constant 0 : i32
    %dma_start3A_260 = arith.constant 0 : i32
    %dma_start3A_261 = tpu.memref_slice %arg6[%add3A_255, %dma_start3A_256, %dma_start3A_257, %dma_start3A_258, %dma_start3A_259, %dma_start3A_260] : memref<64x4x8x8x8x128xf32, #tpu.memory_space<hbm>> -> memref<1x1x1x8x8x128xf32, #tpu.memory_space<hbm>>
    %dma_start3A_262 = tpu.memref_squeeze %dma_start3A_261 : memref<1x1x1x8x8x128xf32, #tpu.memory_space<hbm>> -> memref<8x8x128xf32, #tpu.memory_space<hbm>>
    %dma_start3A_263 = arith.constant 0 : i32
    %dma_start3A_264 = arith.constant 0 : i32
    %dma_start3A_265 = arith.constant 0 : i32
    %dma_start3A_266 = tpu.memref_slice %arg6[%add3A_255, %dma_start3A_256, %dma_start3A_257, %dma_start3A_263, %dma_start3A_264, %dma_start3A_265] : memref<64x4x8x8x8x128xf32, #tpu.memory_space<hbm>> -> memref<1x1x1x8x8x128xf32, #tpu.memory_space<hbm>>
    %dma_start3A_267 = tpu.memref_squeeze %dma_start3A_266 : memref<1x1x1x8x8x128xf32, #tpu.memory_space<hbm>> -> memref<8x8x128xf32, #tpu.memory_space<hbm>>
    tpu.enqueue_dma source(%arg11 : memref<8x8x128xf32, #tpu.memory_space<vmem>>) target(%dma_start3A_267 : memref<8x8x128xf32, #tpu.memory_space<hbm>>) target_semaphore(%arg13 : memref<!tpu.dma_semaphore, #tpu.memory_space<semaphore_mem>>)
    %add3A_268 = arith.constant 0 : i32
    %add3A_269 = arith.addi %mul3A_2, %add3A_268 : i32
    %dma_start3A_270 = arith.constant 2 : i32
    %dma_start3A_271 = arith.constant 0 : i32
    %dma_start3A_272 = arith.constant 0 : i32
    %dma_start3A_273 = arith.constant 0 : i32
    %dma_start3A_274 = arith.constant 0 : i32
    %dma_start3A_275 = tpu.memref_slice %arg6[%add3A_269, %dma_start3A_270, %dma_start3A_271, %dma_start3A_272, %dma_start3A_273, %dma_start3A_274] : memref<64x4x8x8x8x128xf32, #tpu.memory_space<hbm>> -> memref<1x1x1x8x8x128xf32, #tpu.memory_space<hbm>>
    %dma_start3A_276 = tpu.memref_squeeze %dma_start3A_275 : memref<1x1x1x8x8x128xf32, #tpu.memory_space<hbm>> -> memref<8x8x128xf32, #tpu.memory_space<hbm>>
    %dma_start3A_277 = arith.constant 0 : i32
    %dma_start3A_278 = arith.constant 0 : i32
    %dma_start3A_279 = arith.constant 0 : i32
    %dma_start3A_280 = tpu.memref_slice %arg6[%add3A_269, %dma_start3A_270, %dma_start3A_271, %dma_start3A_277, %dma_start3A_278, %dma_start3A_279] : memref<64x4x8x8x8x128xf32, #tpu.memory_space<hbm>> -> memref<1x1x1x8x8x128xf32, #tpu.memory_space<hbm>>
    %dma_start3A_281 = tpu.memref_squeeze %dma_start3A_280 : memref<1x1x1x8x8x128xf32, #tpu.memory_space<hbm>> -> memref<8x8x128xf32, #tpu.memory_space<hbm>>
    tpu.enqueue_dma source(%arg11 : memref<8x8x128xf32, #tpu.memory_space<vmem>>) target(%dma_start3A_281 : memref<8x8x128xf32, #tpu.memory_space<hbm>>) target_semaphore(%arg13 : memref<!tpu.dma_semaphore, #tpu.memory_space<semaphore_mem>>)
    %add3A_282 = arith.constant 0 : i32
    %add3A_283 = arith.addi %mul3A_2, %add3A_282 : i32
    %dma_start3A_284 = arith.constant 2 : i32
    %dma_start3A_285 = arith.constant 1 : i32
    %dma_start3A_286 = arith.constant 0 : i32
    %dma_start3A_287 = arith.constant 0 : i32
    %dma_start3A_288 = arith.constant 0 : i32
    %dma_start3A_289 = tpu.memref_slice %arg6[%add3A_283, %dma_start3A_284, %dma_start3A_285, %dma_start3A_286, %dma_start3A_287, %dma_start3A_288] : memref<64x4x8x8x8x128xf32, #tpu.memory_space<hbm>> -> memref<1x1x1x8x8x128xf32, #tpu.memory_space<hbm>>
    %dma_start3A_290 = tpu.memref_squeeze %dma_start3A_289 : memref<1x1x1x8x8x128xf32, #tpu.memory_space<hbm>> -> memref<8x8x128xf32, #tpu.memory_space<hbm>>
    %dma_start3A_291 = arith.constant 0 : i32
    %dma_start3A_292 = arith.constant 0 : i32
    %dma_start3A_293 = arith.constant 0 : i32
    %dma_start3A_294 = tpu.memref_slice %arg6[%add3A_283, %dma_start3A_284, %dma_start3A_285, %dma_start3A_291, %dma_start3A_292, %dma_start3A_293] : memref<64x4x8x8x8x128xf32, #tpu.memory_space<hbm>> -> memref<1x1x1x8x8x128xf32, #tpu.memory_space<hbm>>
    %dma_start3A_295 = tpu.memref_squeeze %dma_start3A_294 : memref<1x1x1x8x8x128xf32, #tpu.memory_space<hbm>> -> memref<8x8x128xf32, #tpu.memory_space<hbm>>
    tpu.enqueue_dma source(%arg11 : memref<8x8x128xf32, #tpu.memory_space<vmem>>) target(%dma_start3A_295 : memref<8x8x128xf32, #tpu.memory_space<hbm>>) target_semaphore(%arg13 : memref<!tpu.dma_semaphore, #tpu.memory_space<semaphore_mem>>)
    %add3A_296 = arith.constant 0 : i32
    %add3A_297 = arith.addi %mul3A_2, %add3A_296 : i32
    %dma_start3A_298 = arith.constant 2 : i32
    %dma_start3A_299 = arith.constant 2 : i32
    %dma_start3A_300 = arith.constant 0 : i32
    %dma_start3A_301 = arith.constant 0 : i32
    %dma_start3A_302 = arith.constant 0 : i32
    %dma_start3A_303 = tpu.memref_slice %arg6[%add3A_297, %dma_start3A_298, %dma_start3A_299, %dma_start3A_300, %dma_start3A_301, %dma_start3A_302] : memref<64x4x8x8x8x128xf32, #tpu.memory_space<hbm>> -> memref<1x1x1x8x8x128xf32, #tpu.memory_space<hbm>>
    %dma_start3A_304 = tpu.memref_squeeze %dma_start3A_303 : memref<1x1x1x8x8x128xf32, #tpu.memory_space<hbm>> -> memref<8x8x128xf32, #tpu.memory_space<hbm>>
    %dma_start3A_305 = arith.constant 0 : i32
    %dma_start3A_306 = arith.constant 0 : i32
    %dma_start3A_307 = arith.constant 0 : i32
    %dma_start3A_308 = tpu.memref_slice %arg6[%add3A_297, %dma_start3A_298, %dma_start3A_299, %dma_start3A_305, %dma_start3A_306, %dma_start3A_307] : memref<64x4x8x8x8x128xf32, #tpu.memory_space<hbm>> -> memref<1x1x1x8x8x128xf32, #tpu.memory_space<hbm>>
    %dma_start3A_309 = tpu.memref_squeeze %dma_start3A_308 : memref<1x1x1x8x8x128xf32, #tpu.memory_space<hbm>> -> memref<8x8x128xf32, #tpu.memory_space<hbm>>
    tpu.enqueue_dma source(%arg11 : memref<8x8x128xf32, #tpu.memory_space<vmem>>) target(%dma_start3A_309 : memref<8x8x128xf32, #tpu.memory_space<hbm>>) target_semaphore(%arg13 : memref<!tpu.dma_semaphore, #tpu.memory_space<semaphore_mem>>)
    %add3A_310 = arith.constant 0 : i32
    %add3A_311 = arith.addi %mul3A_2, %add3A_310 : i32
    %dma_start3A_312 = arith.constant 2 : i32
    %dma_start3A_313 = arith.constant 3 : i32
    %dma_start3A_314 = arith.constant 0 : i32
    %dma_start3A_315 = arith.constant 0 : i32
    %dma_start3A_316 = arith.constant 0 : i32
    %dma_start3A_317 = tpu.memref_slice %arg6[%add3A_311, %dma_start3A_312, %dma_start3A_313, %dma_start3A_314, %dma_start3A_315, %dma_start3A_316] : memref<64x4x8x8x8x128xf32, #tpu.memory_space<hbm>> -> memref<1x1x1x8x8x128xf32, #tpu.memory_space<hbm>>
    %dma_start3A_318 = tpu.memref_squeeze %dma_start3A_317 : memref<1x1x1x8x8x128xf32, #tpu.memory_space<hbm>> -> memref<8x8x128xf32, #tpu.memory_space<hbm>>
    %dma_start3A_319 = arith.constant 0 : i32
    %dma_start3A_320 = arith.constant 0 : i32
    %dma_start3A_321 = arith.constant 0 : i32
    %dma_start3A_322 = tpu.memref_slice %arg6[%add3A_311, %dma_start3A_312, %dma_start3A_313, %dma_start3A_319, %dma_start3A_320, %dma_start3A_321] : memref<64x4x8x8x8x128xf32, #tpu.memory_space<hbm>> -> memref<1x1x1x8x8x128xf32, #tpu.memory_space<hbm>>
    %dma_start3A_323 = tpu.memref_squeeze %dma_start3A_322 : memref<1x1x1x8x8x128xf32, #tpu.memory_space<hbm>> -> memref<8x8x128xf32, #tpu.memory_space<hbm>>
    tpu.enqueue_dma source(%arg11 : memref<8x8x128xf32, #tpu.memory_space<vmem>>) target(%dma_start3A_323 : memref<8x8x128xf32, #tpu.memory_space<hbm>>) target_semaphore(%arg13 : memref<!tpu.dma_semaphore, #tpu.memory_space<semaphore_mem>>)
    %add3A_324 = arith.constant 0 : i32
    %add3A_325 = arith.addi %mul3A_2, %add3A_324 : i32
    %dma_start3A_326 = arith.constant 2 : i32
    %dma_start3A_327 = arith.constant 4 : i32
    %dma_start3A_328 = arith.constant 0 : i32
    %dma_start3A_329 = arith.constant 0 : i32
    %dma_start3A_330 = arith.constant 0 : i32
    %dma_start3A_331 = tpu.memref_slice %arg6[%add3A_325, %dma_start3A_326, %dma_start3A_327, %dma_start3A_328, %dma_start3A_329, %dma_start3A_330] : memref<64x4x8x8x8x128xf32, #tpu.memory_space<hbm>> -> memref<1x1x1x8x8x128xf32, #tpu.memory_space<hbm>>
    %dma_start3A_332 = tpu.memref_squeeze %dma_start3A_331 : memref<1x1x1x8x8x128xf32, #tpu.memory_space<hbm>> -> memref<8x8x128xf32, #tpu.memory_space<hbm>>
    %dma_start3A_333 = arith.constant 0 : i32
    %dma_start3A_334 = arith.constant 0 : i32
    %dma_start3A_335 = arith.constant 0 : i32
    %dma_start3A_336 = tpu.memref_slice %arg6[%add3A_325, %dma_start3A_326, %dma_start3A_327, %dma_start3A_333, %dma_start3A_334, %dma_start3A_335] : memref<64x4x8x8x8x128xf32, #tpu.memory_space<hbm>> -> memref<1x1x1x8x8x128xf32, #tpu.memory_space<hbm>>
    %dma_start3A_337 = tpu.memref_squeeze %dma_start3A_336 : memref<1x1x1x8x8x128xf32, #tpu.memory_space<hbm>> -> memref<8x8x128xf32, #tpu.memory_space<hbm>>
    tpu.enqueue_dma source(%arg11 : memref<8x8x128xf32, #tpu.memory_space<vmem>>) target(%dma_start3A_337 : memref<8x8x128xf32, #tpu.memory_space<hbm>>) target_semaphore(%arg13 : memref<!tpu.dma_semaphore, #tpu.memory_space<semaphore_mem>>)
    %add3A_338 = arith.constant 0 : i32
    %add3A_339 = arith.addi %mul3A_2, %add3A_338 : i32
    %dma_start3A_340 = arith.constant 2 : i32
    %dma_start3A_341 = arith.constant 5 : i32
    %dma_start3A_342 = arith.constant 0 : i32
    %dma_start3A_343 = arith.constant 0 : i32
    %dma_start3A_344 = arith.constant 0 : i32
    %dma_start3A_345 = tpu.memref_slice %arg6[%add3A_339, %dma_start3A_340, %dma_start3A_341, %dma_start3A_342, %dma_start3A_343, %dma_start3A_344] : memref<64x4x8x8x8x128xf32, #tpu.memory_space<hbm>> -> memref<1x1x1x8x8x128xf32, #tpu.memory_space<hbm>>
    %dma_start3A_346 = tpu.memref_squeeze %dma_start3A_345 : memref<1x1x1x8x8x128xf32, #tpu.memory_space<hbm>> -> memref<8x8x128xf32, #tpu.memory_space<hbm>>
    %dma_start3A_347 = arith.constant 0 : i32
    %dma_start3A_348 = arith.constant 0 : i32
    %dma_start3A_349 = arith.constant 0 : i32
    %dma_start3A_350 = tpu.memref_slice %arg6[%add3A_339, %dma_start3A_340, %dma_start3A_341, %dma_start3A_347, %dma_start3A_348, %dma_start3A_349] : memref<64x4x8x8x8x128xf32, #tpu.memory_space<hbm>> -> memref<1x1x1x8x8x128xf32, #tpu.memory_space<hbm>>
    %dma_start3A_351 = tpu.memref_squeeze %dma_start3A_350 : memref<1x1x1x8x8x128xf32, #tpu.memory_space<hbm>> -> memref<8x8x128xf32, #tpu.memory_space<hbm>>
    tpu.enqueue_dma source(%arg11 : memref<8x8x128xf32, #tpu.memory_space<vmem>>) target(%dma_start3A_351 : memref<8x8x128xf32, #tpu.memory_space<hbm>>) target_semaphore(%arg13 : memref<!tpu.dma_semaphore, #tpu.memory_space<semaphore_mem>>)
    %add3A_352 = arith.constant 0 : i32
    %add3A_353 = arith.addi %mul3A_2, %add3A_352 : i32
    %dma_start3A_354 = arith.constant 2 : i32
    %dma_start3A_355 = arith.constant 6 : i32
    %dma_start3A_356 = arith.constant 0 : i32
    %dma_start3A_357 = arith.constant 0 : i32
    %dma_start3A_358 = arith.constant 0 : i32
    %dma_start3A_359 = tpu.memref_slice %arg6[%add3A_353, %dma_start3A_354, %dma_start3A_355, %dma_start3A_356, %dma_start3A_357, %dma_start3A_358] : memref<64x4x8x8x8x128xf32, #tpu.memory_space<hbm>> -> memref<1x1x1x8x8x128xf32, #tpu.memory_space<hbm>>
    %dma_start3A_360 = tpu.memref_squeeze %dma_start3A_359 : memref<1x1x1x8x8x128xf32, #tpu.memory_space<hbm>> -> memref<8x8x128xf32, #tpu.memory_space<hbm>>
    %dma_start3A_361 = arith.constant 0 : i32
    %dma_start3A_362 = arith.constant 0 : i32
    %dma_start3A_363 = arith.constant 0 : i32
    %dma_start3A_364 = tpu.memref_slice %arg6[%add3A_353, %dma_start3A_354, %dma_start3A_355, %dma_start3A_361, %dma_start3A_362, %dma_start3A_363] : memref<64x4x8x8x8x128xf32, #tpu.memory_space<hbm>> -> memref<1x1x1x8x8x128xf32, #tpu.memory_space<hbm>>
    %dma_start3A_365 = tpu.memref_squeeze %dma_start3A_364 : memref<1x1x1x8x8x128xf32, #tpu.memory_space<hbm>> -> memref<8x8x128xf32, #tpu.memory_space<hbm>>
    tpu.enqueue_dma source(%arg11 : memref<8x8x128xf32, #tpu.memory_space<vmem>>) target(%dma_start3A_365 : memref<8x8x128xf32, #tpu.memory_space<hbm>>) target_semaphore(%arg13 : memref<!tpu.dma_semaphore, #tpu.memory_space<semaphore_mem>>)
    %add3A_366 = arith.constant 0 : i32
    %add3A_367 = arith.addi %mul3A_2, %add3A_366 : i32
    %dma_start3A_368 = arith.constant 2 : i32
    %dma_start3A_369 = arith.constant 7 : i32
    %dma_start3A_370 = arith.constant 0 : i32
    %dma_start3A_371 = arith.constant 0 : i32
    %dma_start3A_372 = arith.constant 0 : i32
    %dma_start3A_373 = tpu.memref_slice %arg6[%add3A_367, %dma_start3A_368, %dma_start3A_369, %dma_start3A_370, %dma_start3A_371, %dma_start3A_372] : memref<64x4x8x8x8x128xf32, #tpu.memory_space<hbm>> -> memref<1x1x1x8x8x128xf32, #tpu.memory_space<hbm>>
    %dma_start3A_374 = tpu.memref_squeeze %dma_start3A_373 : memref<1x1x1x8x8x128xf32, #tpu.memory_space<hbm>> -> memref<8x8x128xf32, #tpu.memory_space<hbm>>
    %dma_start3A_375 = arith.constant 0 : i32
    %dma_start3A_376 = arith.constant 0 : i32
    %dma_start3A_377 = arith.constant 0 : i32
    %dma_start3A_378 = tpu.memref_slice %arg6[%add3A_367, %dma_start3A_368, %dma_start3A_369, %dma_start3A_375, %dma_start3A_376, %dma_start3A_377] : memref<64x4x8x8x8x128xf32, #tpu.memory_space<hbm>> -> memref<1x1x1x8x8x128xf32, #tpu.memory_space<hbm>>
    %dma_start3A_379 = tpu.memref_squeeze %dma_start3A_378 : memref<1x1x1x8x8x128xf32, #tpu.memory_space<hbm>> -> memref<8x8x128xf32, #tpu.memory_space<hbm>>
    tpu.enqueue_dma source(%arg11 : memref<8x8x128xf32, #tpu.memory_space<vmem>>) target(%dma_start3A_379 : memref<8x8x128xf32, #tpu.memory_space<hbm>>) target_semaphore(%arg13 : memref<!tpu.dma_semaphore, #tpu.memory_space<semaphore_mem>>)
    %add3A_380 = arith.constant 0 : i32
    %add3A_381 = arith.addi %mul3A_2, %add3A_380 : i32
    %dma_start3A_382 = arith.constant 3 : i32
    %dma_start3A_383 = arith.constant 0 : i32
    %dma_start3A_384 = arith.constant 0 : i32
    %dma_start3A_385 = arith.constant 0 : i32
    %dma_start3A_386 = arith.constant 0 : i32
    %dma_start3A_387 = tpu.memref_slice %arg6[%add3A_381, %dma_start3A_382, %dma_start3A_383, %dma_start3A_384, %dma_start3A_385, %dma_start3A_386] : memref<64x4x8x8x8x128xf32, #tpu.memory_space<hbm>> -> memref<1x1x1x8x8x128xf32, #tpu.memory_space<hbm>>
    %dma_start3A_388 = tpu.memref_squeeze %dma_start3A_387 : memref<1x1x1x8x8x128xf32, #tpu.memory_space<hbm>> -> memref<8x8x128xf32, #tpu.memory_space<hbm>>
    %dma_start3A_389 = arith.constant 0 : i32
    %dma_start3A_390 = arith.constant 0 : i32
    %dma_start3A_391 = arith.constant 0 : i32
    %dma_start3A_392 = tpu.memref_slice %arg6[%add3A_381, %dma_start3A_382, %dma_start3A_383, %dma_start3A_389, %dma_start3A_390, %dma_start3A_391] : memref<64x4x8x8x8x128xf32, #tpu.memory_space<hbm>> -> memref<1x1x1x8x8x128xf32, #tpu.memory_space<hbm>>
    %dma_start3A_393 = tpu.memref_squeeze %dma_start3A_392 : memref<1x1x1x8x8x128xf32, #tpu.memory_space<hbm>> -> memref<8x8x128xf32, #tpu.memory_space<hbm>>
    tpu.enqueue_dma source(%arg11 : memref<8x8x128xf32, #tpu.memory_space<vmem>>) target(%dma_start3A_393 : memref<8x8x128xf32, #tpu.memory_space<hbm>>) target_semaphore(%arg13 : memref<!tpu.dma_semaphore, #tpu.memory_space<semaphore_mem>>)
    %add3A_394 = arith.constant 0 : i32
    %add3A_395 = arith.addi %mul3A_2, %add3A_394 : i32
    %dma_start3A_396 = arith.constant 3 : i32
    %dma_start3A_397 = arith.constant 1 : i32
    %dma_start3A_398 = arith.constant 0 : i32
    %dma_start3A_399 = arith.constant 0 : i32
    %dma_start3A_400 = arith.constant 0 : i32
    %dma_start3A_401 = tpu.memref_slice %arg6[%add3A_395, %dma_start3A_396, %dma_start3A_397, %dma_start3A_398, %dma_start3A_399, %dma_start3A_400] : memref<64x4x8x8x8x128xf32, #tpu.memory_space<hbm>> -> memref<1x1x1x8x8x128xf32, #tpu.memory_space<hbm>>
    %dma_start3A_402 = tpu.memref_squeeze %dma_start3A_401 : memref<1x1x1x8x8x128xf32, #tpu.memory_space<hbm>> -> memref<8x8x128xf32, #tpu.memory_space<hbm>>
    %dma_start3A_403 = arith.constant 0 : i32
    %dma_start3A_404 = arith.constant 0 : i32
    %dma_start3A_405 = arith.constant 0 : i32
    %dma_start3A_406 = tpu.memref_slice %arg6[%add3A_395, %dma_start3A_396, %dma_start3A_397, %dma_start3A_403, %dma_start3A_404, %dma_start3A_405] : memref<64x4x8x8x8x128xf32, #tpu.memory_space<hbm>> -> memref<1x1x1x8x8x128xf32, #tpu.memory_space<hbm>>
    %dma_start3A_407 = tpu.memref_squeeze %dma_start3A_406 : memref<1x1x1x8x8x128xf32, #tpu.memory_space<hbm>> -> memref<8x8x128xf32, #tpu.memory_space<hbm>>
    tpu.enqueue_dma source(%arg11 : memref<8x8x128xf32, #tpu.memory_space<vmem>>) target(%dma_start3A_407 : memref<8x8x128xf32, #tpu.memory_space<hbm>>) target_semaphore(%arg13 : memref<!tpu.dma_semaphore, #tpu.memory_space<semaphore_mem>>)
    %add3A_408 = arith.constant 0 : i32
    %add3A_409 = arith.addi %mul3A_2, %add3A_408 : i32
    %dma_start3A_410 = arith.constant 3 : i32
    %dma_start3A_411 = arith.constant 2 : i32
    %dma_start3A_412 = arith.constant 0 : i32
    %dma_start3A_413 = arith.constant 0 : i32
    %dma_start3A_414 = arith.constant 0 : i32
    %dma_start3A_415 = tpu.memref_slice %arg6[%add3A_409, %dma_start3A_410, %dma_start3A_411, %dma_start3A_412, %dma_start3A_413, %dma_start3A_414] : memref<64x4x8x8x8x128xf32, #tpu.memory_space<hbm>> -> memref<1x1x1x8x8x128xf32, #tpu.memory_space<hbm>>
    %dma_start3A_416 = tpu.memref_squeeze %dma_start3A_415 : memref<1x1x1x8x8x128xf32, #tpu.memory_space<hbm>> -> memref<8x8x128xf32, #tpu.memory_space<hbm>>
    %dma_start3A_417 = arith.constant 0 : i32
    %dma_start3A_418 = arith.constant 0 : i32
    %dma_start3A_419 = arith.constant 0 : i32
    %dma_start3A_420 = tpu.memref_slice %arg6[%add3A_409, %dma_start3A_410, %dma_start3A_411, %dma_start3A_417, %dma_start3A_418, %dma_start3A_419] : memref<64x4x8x8x8x128xf32, #tpu.memory_space<hbm>> -> memref<1x1x1x8x8x128xf32, #tpu.memory_space<hbm>>
    %dma_start3A_421 = tpu.memref_squeeze %dma_start3A_420 : memref<1x1x1x8x8x128xf32, #tpu.memory_space<hbm>> -> memref<8x8x128xf32, #tpu.memory_space<hbm>>
    tpu.enqueue_dma source(%arg11 : memref<8x8x128xf32, #tpu.memory_space<vmem>>) target(%dma_start3A_421 : memref<8x8x128xf32, #tpu.memory_space<hbm>>) target_semaphore(%arg13 : memref<!tpu.dma_semaphore, #tpu.memory_space<semaphore_mem>>)
    %add3A_422 = arith.constant 0 : i32
    %add3A_423 = arith.addi %mul3A_2, %add3A_422 : i32
    %dma_start3A_424 = arith.constant 3 : i32
    %dma_start3A_425 = arith.constant 3 : i32
    %dma_start3A_426 = arith.constant 0 : i32
    %dma_start3A_427 = arith.constant 0 : i32
    %dma_start3A_428 = arith.constant 0 : i32
    %dma_start3A_429 = tpu.memref_slice %arg6[%add3A_423, %dma_start3A_424, %dma_start3A_425, %dma_start3A_426, %dma_start3A_427, %dma_start3A_428] : memref<64x4x8x8x8x128xf32, #tpu.memory_space<hbm>> -> memref<1x1x1x8x8x128xf32, #tpu.memory_space<hbm>>
    %dma_start3A_430 = tpu.memref_squeeze %dma_start3A_429 : memref<1x1x1x8x8x128xf32, #tpu.memory_space<hbm>> -> memref<8x8x128xf32, #tpu.memory_space<hbm>>
    %dma_start3A_431 = arith.constant 0 : i32
    %dma_start3A_432 = arith.constant 0 : i32
    %dma_start3A_433 = arith.constant 0 : i32
    %dma_start3A_434 = tpu.memref_slice %arg6[%add3A_423, %dma_start3A_424, %dma_start3A_425, %dma_start3A_431, %dma_start3A_432, %dma_start3A_433] : memref<64x4x8x8x8x128xf32, #tpu.memory_space<hbm>> -> memref<1x1x1x8x8x128xf32, #tpu.memory_space<hbm>>
    %dma_start3A_435 = tpu.memref_squeeze %dma_start3A_434 : memref<1x1x1x8x8x128xf32, #tpu.memory_space<hbm>> -> memref<8x8x128xf32, #tpu.memory_space<hbm>>
    tpu.enqueue_dma source(%arg11 : memref<8x8x128xf32, #tpu.memory_space<vmem>>) target(%dma_start3A_435 : memref<8x8x128xf32, #tpu.memory_space<hbm>>) target_semaphore(%arg13 : memref<!tpu.dma_semaphore, #tpu.memory_space<semaphore_mem>>)
    %add3A_436 = arith.constant 0 : i32
    %add3A_437 = arith.addi %mul3A_2, %add3A_436 : i32
    %dma_start3A_438 = arith.constant 3 : i32
    %dma_start3A_439 = arith.constant 4 : i32
    %dma_start3A_440 = arith.constant 0 : i32
    %dma_start3A_441 = arith.constant 0 : i32
    %dma_start3A_442 = arith.constant 0 : i32
    %dma_start3A_443 = tpu.memref_slice %arg6[%add3A_437, %dma_start3A_438, %dma_start3A_439, %dma_start3A_440, %dma_start3A_441, %dma_start3A_442] : memref<64x4x8x8x8x128xf32, #tpu.memory_space<hbm>> -> memref<1x1x1x8x8x128xf32, #tpu.memory_space<hbm>>
    %dma_start3A_444 = tpu.memref_squeeze %dma_start3A_443 : memref<1x1x1x8x8x128xf32, #tpu.memory_space<hbm>> -> memref<8x8x128xf32, #tpu.memory_space<hbm>>
    %dma_start3A_445 = arith.constant 0 : i32
    %dma_start3A_446 = arith.constant 0 : i32
    %dma_start3A_447 = arith.constant 0 : i32
    %dma_start3A_448 = tpu.memref_slice %arg6[%add3A_437, %dma_start3A_438, %dma_start3A_439, %dma_start3A_445, %dma_start3A_446, %dma_start3A_447] : memref<64x4x8x8x8x128xf32, #tpu.memory_space<hbm>> -> memref<1x1x1x8x8x128xf32, #tpu.memory_space<hbm>>
    %dma_start3A_449 = tpu.memref_squeeze %dma_start3A_448 : memref<1x1x1x8x8x128xf32, #tpu.memory_space<hbm>> -> memref<8x8x128xf32, #tpu.memory_space<hbm>>
    tpu.enqueue_dma source(%arg11 : memref<8x8x128xf32, #tpu.memory_space<vmem>>) target(%dma_start3A_449 : memref<8x8x128xf32, #tpu.memory_space<hbm>>) target_semaphore(%arg13 : memref<!tpu.dma_semaphore, #tpu.memory_space<semaphore_mem>>)
    %add3A_450 = arith.constant 0 : i32
    %add3A_451 = arith.addi %mul3A_2, %add3A_450 : i32
    %dma_start3A_452 = arith.constant 3 : i32
    %dma_start3A_453 = arith.constant 5 : i32
    %dma_start3A_454 = arith.constant 0 : i32
    %dma_start3A_455 = arith.constant 0 : i32
    %dma_start3A_456 = arith.constant 0 : i32
    %dma_start3A_457 = tpu.memref_slice %arg6[%add3A_451, %dma_start3A_452, %dma_start3A_453, %dma_start3A_454, %dma_start3A_455, %dma_start3A_456] : memref<64x4x8x8x8x128xf32, #tpu.memory_space<hbm>> -> memref<1x1x1x8x8x128xf32, #tpu.memory_space<hbm>>
    %dma_start3A_458 = tpu.memref_squeeze %dma_start3A_457 : memref<1x1x1x8x8x128xf32, #tpu.memory_space<hbm>> -> memref<8x8x128xf32, #tpu.memory_space<hbm>>
    %dma_start3A_459 = arith.constant 0 : i32
    %dma_start3A_460 = arith.constant 0 : i32
    %dma_start3A_461 = arith.constant 0 : i32
    %dma_start3A_462 = tpu.memref_slice %arg6[%add3A_451, %dma_start3A_452, %dma_start3A_453, %dma_start3A_459, %dma_start3A_460, %dma_start3A_461] : memref<64x4x8x8x8x128xf32, #tpu.memory_space<hbm>> -> memref<1x1x1x8x8x128xf32, #tpu.memory_space<hbm>>
    %dma_start3A_463 = tpu.memref_squeeze %dma_start3A_462 : memref<1x1x1x8x8x128xf32, #tpu.memory_space<hbm>> -> memref<8x8x128xf32, #tpu.memory_space<hbm>>
    tpu.enqueue_dma source(%arg11 : memref<8x8x128xf32, #tpu.memory_space<vmem>>) target(%dma_start3A_463 : memref<8x8x128xf32, #tpu.memory_space<hbm>>) target_semaphore(%arg13 : memref<!tpu.dma_semaphore, #tpu.memory_space<semaphore_mem>>)
    %add3A_464 = arith.constant 0 : i32
    %add3A_465 = arith.addi %mul3A_2, %add3A_464 : i32
    %dma_start3A_466 = arith.constant 3 : i32
    %dma_start3A_467 = arith.constant 6 : i32
    %dma_start3A_468 = arith.constant 0 : i32
    %dma_start3A_469 = arith.constant 0 : i32
    %dma_start3A_470 = arith.constant 0 : i32
    %dma_start3A_471 = tpu.memref_slice %arg6[%add3A_465, %dma_start3A_466, %dma_start3A_467, %dma_start3A_468, %dma_start3A_469, %dma_start3A_470] : memref<64x4x8x8x8x128xf32, #tpu.memory_space<hbm>> -> memref<1x1x1x8x8x128xf32, #tpu.memory_space<hbm>>
    %dma_start3A_472 = tpu.memref_squeeze %dma_start3A_471 : memref<1x1x1x8x8x128xf32, #tpu.memory_space<hbm>> -> memref<8x8x128xf32, #tpu.memory_space<hbm>>
    %dma_start3A_473 = arith.constant 0 : i32
    %dma_start3A_474 = arith.constant 0 : i32
    %dma_start3A_475 = arith.constant 0 : i32
    %dma_start3A_476 = tpu.memref_slice %arg6[%add3A_465, %dma_start3A_466, %dma_start3A_467, %dma_start3A_473, %dma_start3A_474, %dma_start3A_475] : memref<64x4x8x8x8x128xf32, #tpu.memory_space<hbm>> -> memref<1x1x1x8x8x128xf32, #tpu.memory_space<hbm>>
    %dma_start3A_477 = tpu.memref_squeeze %dma_start3A_476 : memref<1x1x1x8x8x128xf32, #tpu.memory_space<hbm>> -> memref<8x8x128xf32, #tpu.memory_space<hbm>>
    tpu.enqueue_dma source(%arg11 : memref<8x8x128xf32, #tpu.memory_space<vmem>>) target(%dma_start3A_477 : memref<8x8x128xf32, #tpu.memory_space<hbm>>) target_semaphore(%arg13 : memref<!tpu.dma_semaphore, #tpu.memory_space<semaphore_mem>>)
    %add3A_478 = arith.constant 0 : i32
    %add3A_479 = arith.addi %mul3A_2, %add3A_478 : i32
    %dma_start3A_480 = arith.constant 3 : i32
    %dma_start3A_481 = arith.constant 7 : i32
    %dma_start3A_482 = arith.constant 0 : i32
    %dma_start3A_483 = arith.constant 0 : i32
    %dma_start3A_484 = arith.constant 0 : i32
    %dma_start3A_485 = tpu.memref_slice %arg6[%add3A_479, %dma_start3A_480, %dma_start3A_481, %dma_start3A_482, %dma_start3A_483, %dma_start3A_484] : memref<64x4x8x8x8x128xf32, #tpu.memory_space<hbm>> -> memref<1x1x1x8x8x128xf32, #tpu.memory_space<hbm>>
    %dma_start3A_486 = tpu.memref_squeeze %dma_start3A_485 : memref<1x1x1x8x8x128xf32, #tpu.memory_space<hbm>> -> memref<8x8x128xf32, #tpu.memory_space<hbm>>
    %dma_start3A_487 = arith.constant 0 : i32
    %dma_start3A_488 = arith.constant 0 : i32
    %dma_start3A_489 = arith.constant 0 : i32
    %dma_start3A_490 = tpu.memref_slice %arg6[%add3A_479, %dma_start3A_480, %dma_start3A_481, %dma_start3A_487, %dma_start3A_488, %dma_start3A_489] : memref<64x4x8x8x8x128xf32, #tpu.memory_space<hbm>> -> memref<1x1x1x8x8x128xf32, #tpu.memory_space<hbm>>
    %dma_start3A_491 = tpu.memref_squeeze %dma_start3A_490 : memref<1x1x1x8x8x128xf32, #tpu.memory_space<hbm>> -> memref<8x8x128xf32, #tpu.memory_space<hbm>>
    tpu.enqueue_dma source(%arg11 : memref<8x8x128xf32, #tpu.memory_space<vmem>>) target(%dma_start3A_491 : memref<8x8x128xf32, #tpu.memory_space<hbm>>) target_semaphore(%arg13 : memref<!tpu.dma_semaphore, #tpu.memory_space<semaphore_mem>>)
    %add3A_492 = arith.constant 1 : i32
    %add3A_493 = arith.addi %mul3A_2, %add3A_492 : i32
    %broadcast_in_dim3A_494 = vector.broadcast %add3A_493 : i32 to vector<16xi32>
    %gather3A_495 = tpu.vector_load_idx %arg9[%broadcast_in_dim3A_494] : memref<64xf32, #tpu.memory_space<vmem>>[vector<16xi32>], vector<16xf32>,
    %broadcast_in_dim3A_496 = arith.constant 0.000000e+00 : f32
    %broadcast_in_dim3A_497 = vector.broadcast %broadcast_in_dim3A_496 : f32 to vector<16xf32>
    %scan3A_498 = arith.constant 0 : i32
    %scan3A_499 = arith.constant 62 : i32
    %scan3A_500 = arith.addi %scan3A_498, %scan3A_499 : i32
    %scan3A_501 = arith.constant 1 : i32
    %scan3A_502 = scf.for %scan3A_1874 = %scan3A_498 to %scan3A_500 step %scan3A_501 iter_args(%scan3A_1875 = %broadcast_in_dim3A_497) -> (vector<16xf32>)  : i32 {
      %mul3A_1876 = arith.constant 16 : i32
      %mul3A_1877 = arith.muli %mul3A_1876, %scan3A_1874 : i32
      %add3A_1878 = arith.constant 1000 : i32
      %add3A_1879 = arith.addi %add3A_1878, %mul3A_1877 : i32
      %get3A_1880 = arith.index_cast %add3A_1879 : i32 to index
      %get3A_1881 = tpu.vector_load %arg7[%get3A_1880] {strides = array<i32>} : memref<2016xf32, #tpu.memory_space<vmem>>, vector<16xf32>,
      %add3A_1882 = arith.addf %scan3A_1875, %get3A_1881 : vector<16xf32>
      scf.yield %add3A_1882 : vector<16xf32>
    }
    %scan3A_503 = arith.constant 62 : i32
    %get3A_504 = arith.constant 1992 : index
    %get3A_505 = tpu.vector_load %arg7[%get3A_504] {strides = array<i32>} : memref<2016xf32, #tpu.memory_space<vmem>>, vector<16xf32>,
    %lt3A_506 = arith.constant 8 : i32
    %lt3A_507 = vector.broadcast %lt3A_506 : i32 to vector<16xi32>
    %lt3A_508 = arith.cmpi slt, %iota3A, %lt3A_507 : vector<16xi32>
    %jit3A_509 = arith.constant 0.000000e+00 : f32
    %broadcast_in_dim3A_510 = vector.broadcast %jit3A_509 : f32 to vector<16xf32>
    %select_n3A_511 = arith.select %lt3A_508, %get3A_505, %broadcast_in_dim3A_510 : vector<16xi1>, vector<16xf32>
    %add3A_512 = arith.addf %scan3A_502, %select_n3A_511 : vector<16xf32>
    %reduce_sum3A_513 = arith.constant true
    %reduce_sum3A_514 = vector.broadcast %reduce_sum3A_513 : i1 to vector<16xi1>
    %reduce_sum3A_515 = tpu.scan <sum>, %add3A_512 masked %reduce_sum3A_514 : vector<16xf32>, vector<16xi1> -> vector<16xf32>
    %reduce_sum3A_516 = vector.extract %reduce_sum3A_515[15] : f32 from vector<16xf32>
    %get3A_517 = arith.constant 1000 : index
    %get3A_518 = tpu.vector_load %arg7[%get3A_517] {strides = array<i32>} : memref<2016xf32, #tpu.memory_space<vmem>>, vector<16xf32>,
    %slice3A_519 = vector.extract_strided_slice %get3A_518 {offsets = [0], sizes = [1], strides = [1]} : vector<16xf32> to vector<1xf32>
    %squeeze3A_520 = vector.extract %slice3A_519[0] : f32 from vector<1xf32>
    %sub3A_521 = arith.subf %reduce_sum3A_516, %squeeze3A_520 : f32
    %broadcast_in_dim3A_522 = vector.broadcast %sub3A_521 : f32 to vector<16xf32>
    %add3A_523 = arith.addf %broadcast_in_dim3A_522, %gather3A_495 : vector<16xf32>
    %scan3A_524 = arith.constant 0 : i32
    %scan3A_525 = arith.constant 0 : i32
    %scan3A_526 = arith.constant 64 : i32
    %scan3A_527 = arith.addi %scan3A_525, %scan3A_526 : i32
    %scan3A_528 = arith.constant 1 : i32
    scf.for %scan3A_1874 = %scan3A_525 to %scan3A_527 step %scan3A_528  : i32 {
      %mul3A_1875 = arith.constant 16 : i32
      %mul3A_1876 = arith.muli %mul3A_1875, %scan3A_1874 : i32
      %get3A_1877 = arith.index_cast %mul3A_1876 : i32 to index
      %get3A_1878 = tpu.vector_load %arg8[%get3A_1877] {strides = array<i32>} : memref<1024xi32, #tpu.memory_space<vmem>>, vector<16xi32>,
      %min3A = arith.constant 999 : i32
      %min3A_1879 = vector.broadcast %min3A : i32 to vector<16xi32>
      %min3A_1880 = arith.minsi %get3A_1878, %min3A_1879 : vector<16xi32>
      %add3A_1881 = arith.constant 1000 : i32
      %add3A_1882 = vector.broadcast %add3A_1881 : i32 to vector<16xi32>
      %add3A_1883 = arith.addi %min3A_1880, %add3A_1882 : vector<16xi32>
      %gather3A_1884 = tpu.vector_load_idx %arg7[%add3A_1883] : memref<2016xf32, #tpu.memory_space<vmem>>[vector<16xi32>], vector<16xf32>,
      %lt3A_1885 = arith.constant 1000 : i32
      %lt3A_1886 = vector.broadcast %lt3A_1885 : i32 to vector<16xi32>
      %lt3A_1887 = arith.cmpi slt, %get3A_1878, %lt3A_1886 : vector<16xi32>
      %add3A_1888 = arith.addf %gather3A_1884, %gather3A_495 : vector<16xf32>
      %select_n3A_1889 = arith.select %lt3A_1887, %add3A_1888, %add3A_523 : vector<16xi1>, vector<16xf32>
      %mul3A_1890 = arith.mulf %select_n3A_1889, %get3A_15 : vector<16xf32>
      %jit3A_1891 = arith.constant 8 : i32
      %div3A = arith.divsi %scan3A_1874, %jit3A_1891 : i32
      %sign3A = arith.constant 0 : i32
      %sign3A_1892 = arith.cmpi sgt, %scan3A_1874, %sign3A : i32
      %sign3A_1893 = arith.extui %sign3A_1892 : i1 to i32
      %sign3A_1894 = arith.constant 0 : i32
      %sign3A_1895 = arith.cmpi slt, %scan3A_1874, %sign3A_1894 : i32
      %sign3A_1896 = arith.extui %sign3A_1895 : i1 to i32
      %sign3A_1897 = arith.subi %sign3A_1893, %sign3A_1896 : i32
      %sign3A_1898 = arith.constant 0 : i32
      %sign3A_1899 = arith.cmpi sgt, %jit3A_1891, %sign3A_1898 : i32
      %sign3A_1900 = arith.extui %sign3A_1899 : i1 to i32
      %sign3A_1901 = arith.constant 0 : i32
      %sign3A_1902 = arith.cmpi slt, %jit3A_1891, %sign3A_1901 : i32
      %sign3A_1903 = arith.extui %sign3A_1902 : i1 to i32
      %sign3A_1904 = arith.subi %sign3A_1900, %sign3A_1903 : i32
      %ne3A = arith.cmpi ne, %sign3A_1897, %sign3A_1904 : i32
      %rem3A = arith.remsi %scan3A_1874, %jit3A_1891 : i32
      %ne3A_1905 = arith.constant 0 : i32
      %ne3A_1906 = arith.cmpi ne, %rem3A, %ne3A_1905 : i32
      %and3A = arith.andi %ne3A, %ne3A_1906 : i1
      %sub3A_1907 = arith.constant 1 : i32
      %sub3A_1908 = arith.subi %div3A, %sub3A_1907 : i32
      %select_n3A_1909 = arith.select %and3A, %sub3A_1908, %div3A : i32
      %jit3A_1910 = arith.constant 8 : i32
      %eq3A = arith.constant 0 : i32
      %eq3A_1911 = arith.cmpi eq, %jit3A_1910, %eq3A : i32
      %jit3A_1912 = arith.constant 1 : i32
      %select_n3A_1913 = arith.select %eq3A_1911, %jit3A_1912, %jit3A_1910 : i32
      %rem3A_1914 = arith.remsi %scan3A_1874, %select_n3A_1913 : i32
      %ne3A_1915 = arith.constant 0 : i32
      %ne3A_1916 = arith.cmpi ne, %rem3A_1914, %ne3A_1915 : i32
      %lt3A_1917 = arith.constant 0 : i32
      %lt3A_1918 = arith.cmpi slt, %rem3A_1914, %lt3A_1917 : i32
      %lt3A_1919 = arith.constant 0 : i32
      %lt3A_1920 = arith.cmpi slt, %select_n3A_1913, %lt3A_1919 : i32
      %ne3A_1921 = arith.xori %lt3A_1918, %lt3A_1920 : i1
      %and3A_1922 = arith.andi %ne3A_1921, %ne3A_1916 : i1
      %add3A_1923 = arith.addi %rem3A_1914, %select_n3A_1913 : i32
      %select_n3A_1924 = arith.select %and3A_1922, %add3A_1923, %rem3A_1914 : i32
      %mul3A_1925 = arith.constant 16 : i32
      %mul3A_1926 = arith.muli %mul3A_1925, %select_n3A_1924 : i32
      %swap3A = arith.constant 0 : i32
      %swap3A_1927 = arith.index_cast %select_n3A_1909 : i32 to index
      %swap3A_1928 = arith.index_cast %swap3A : i32 to index
      %swap3A_1929 = arith.index_cast %mul3A_1926 : i32 to index
      %swap3A_1930 = tpu.vector_load %arg12[%swap3A_1927, %swap3A_1928, %swap3A_1929] {strides = array<i32>} : memref<8x8x128xf32, #tpu.memory_space<vmem>>, vector<16xf32>,
      tpu.vector_store %arg12[%swap3A_1927, %swap3A_1928, %swap3A_1929], %mul3A_1890 {strides = array<i32>} : memref<8x8x128xf32, #tpu.memory_space<vmem>>, vector<16xf32>,
      %swap3A_1931 = arith.constant 1 : i32
      %swap3A_1932 = arith.index_cast %select_n3A_1909 : i32 to index
      %swap3A_1933 = arith.index_cast %swap3A_1931 : i32 to index
      %swap3A_1934 = arith.index_cast %mul3A_1926 : i32 to index
      %swap3A_1935 = tpu.vector_load %arg12[%swap3A_1932, %swap3A_1933, %swap3A_1934] {strides = array<i32>} : memref<8x8x128xf32, #tpu.memory_space<vmem>>, vector<16xf32>,
      tpu.vector_store %arg12[%swap3A_1932, %swap3A_1933, %swap3A_1934], %mul3A_1890 {strides = array<i32>} : memref<8x8x128xf32, #tpu.memory_space<vmem>>, vector<16xf32>,
      %swap3A_1936 = arith.constant 2 : i32
      %swap3A_1937 = arith.index_cast %select_n3A_1909 : i32 to index
      %swap3A_1938 = arith.index_cast %swap3A_1936 : i32 to index
      %swap3A_1939 = arith.index_cast %mul3A_1926 : i32 to index
      %swap3A_1940 = tpu.vector_load %arg12[%swap3A_1937, %swap3A_1938, %swap3A_1939] {strides = array<i32>} : memref<8x8x128xf32, #tpu.memory_space<vmem>>, vector<16xf32>,
      tpu.vector_store %arg12[%swap3A_1937, %swap3A_1938, %swap3A_1939], %mul3A_1890 {strides = array<i32>} : memref<8x8x128xf32, #tpu.memory_space<vmem>>, vector<16xf32>,
      %swap3A_1941 = arith.constant 3 : i32
      %swap3A_1942 = arith.index_cast %select_n3A_1909 : i32 to index
      %swap3A_1943 = arith.index_cast %swap3A_1941 : i32 to index
      %swap3A_1944 = arith.index_cast %mul3A_1926 : i32 to index
      %swap3A_1945 = tpu.vector_load %arg12[%swap3A_1942, %swap3A_1943, %swap3A_1944] {strides = array<i32>} : memref<8x8x128xf32, #tpu.memory_space<vmem>>, vector<16xf32>,
      tpu.vector_store %arg12[%swap3A_1942, %swap3A_1943, %swap3A_1944], %mul3A_1890 {strides = array<i32>} : memref<8x8x128xf32, #tpu.memory_space<vmem>>, vector<16xf32>,
      %swap3A_1946 = arith.constant 4 : i32
      %swap3A_1947 = arith.index_cast %select_n3A_1909 : i32 to index
      %swap3A_1948 = arith.index_cast %swap3A_1946 : i32 to index
      %swap3A_1949 = arith.index_cast %mul3A_1926 : i32 to index
      %swap3A_1950 = tpu.vector_load %arg12[%swap3A_1947, %swap3A_1948, %swap3A_1949] {strides = array<i32>} : memref<8x8x128xf32, #tpu.memory_space<vmem>>, vector<16xf32>,
      tpu.vector_store %arg12[%swap3A_1947, %swap3A_1948, %swap3A_1949], %mul3A_1890 {strides = array<i32>} : memref<8x8x128xf32, #tpu.memory_space<vmem>>, vector<16xf32>,
      %swap3A_1951 = arith.constant 5 : i32
      %swap3A_1952 = arith.index_cast %select_n3A_1909 : i32 to index
      %swap3A_1953 = arith.index_cast %swap3A_1951 : i32 to index
      %swap3A_1954 = arith.index_cast %mul3A_1926 : i32 to index
      %swap3A_1955 = tpu.vector_load %arg12[%swap3A_1952, %swap3A_1953, %swap3A_1954] {strides = array<i32>} : memref<8x8x128xf32, #tpu.memory_space<vmem>>, vector<16xf32>,
      tpu.vector_store %arg12[%swap3A_1952, %swap3A_1953, %swap3A_1954], %mul3A_1890 {strides = array<i32>} : memref<8x8x128xf32, #tpu.memory_space<vmem>>, vector<16xf32>,
      %swap3A_1956 = arith.constant 6 : i32
      %swap3A_1957 = arith.index_cast %select_n3A_1909 : i32 to index
      %swap3A_1958 = arith.index_cast %swap3A_1956 : i32 to index
      %swap3A_1959 = arith.index_cast %mul3A_1926 : i32 to index
      %swap3A_1960 = tpu.vector_load %arg12[%swap3A_1957, %swap3A_1958, %swap3A_1959] {strides = array<i32>} : memref<8x8x128xf32, #tpu.memory_space<vmem>>, vector<16xf32>,
      tpu.vector_store %arg12[%swap3A_1957, %swap3A_1958, %swap3A_1959], %mul3A_1890 {strides = array<i32>} : memref<8x8x128xf32, #tpu.memory_space<vmem>>, vector<16xf32>,
      %swap3A_1961 = arith.constant 7 : i32
      %swap3A_1962 = arith.index_cast %select_n3A_1909 : i32 to index
      %swap3A_1963 = arith.index_cast %swap3A_1961 : i32 to index
      %swap3A_1964 = arith.index_cast %mul3A_1926 : i32 to index
      %swap3A_1965 = tpu.vector_load %arg12[%swap3A_1962, %swap3A_1963, %swap3A_1964] {strides = array<i32>} : memref<8x8x128xf32, #tpu.memory_space<vmem>>, vector<16xf32>,
      tpu.vector_store %arg12[%swap3A_1962, %swap3A_1963, %swap3A_1964], %mul3A_1890 {strides = array<i32>} : memref<8x8x128xf32, #tpu.memory_space<vmem>>, vector<16xf32>,
    }
    %scan3A_529 = arith.constant 64 : i32
    %add3A_530 = arith.constant 1 : i32
    %add3A_531 = arith.addi %mul3A_2, %add3A_530 : i32
    %dma_start3A_532 = arith.constant 0 : i32
    %dma_start3A_533 = arith.constant 0 : i32
    %dma_start3A_534 = arith.constant 0 : i32
    %dma_start3A_535 = arith.constant 0 : i32
    %dma_start3A_536 = arith.constant 0 : i32
    %dma_start3A_537 = tpu.memref_slice %arg6[%add3A_531, %dma_start3A_532, %dma_start3A_533, %dma_start3A_534, %dma_start3A_535, %dma_start3A_536] : memref<64x4x8x8x8x128xf32, #tpu.memory_space<hbm>> -> memref<1x1x1x8x8x128xf32, #tpu.memory_space<hbm>>
    %dma_start3A_538 = tpu.memref_squeeze %dma_start3A_537 : memref<1x1x1x8x8x128xf32, #tpu.memory_space<hbm>> -> memref<8x8x128xf32, #tpu.memory_space<hbm>>
    %dma_start3A_539 = arith.constant 0 : i32
    %dma_start3A_540 = arith.constant 0 : i32
    %dma_start3A_541 = arith.constant 0 : i32
    %dma_start3A_542 = tpu.memref_slice %arg6[%add3A_531, %dma_start3A_532, %dma_start3A_533, %dma_start3A_539, %dma_start3A_540, %dma_start3A_541] : memref<64x4x8x8x8x128xf32, #tpu.memory_space<hbm>> -> memref<1x1x1x8x8x128xf32, #tpu.memory_space<hbm>>
    %dma_start3A_543 = tpu.memref_squeeze %dma_start3A_542 : memref<1x1x1x8x8x128xf32, #tpu.memory_space<hbm>> -> memref<8x8x128xf32, #tpu.memory_space<hbm>>
    tpu.enqueue_dma source(%arg12 : memref<8x8x128xf32, #tpu.memory_space<vmem>>) target(%dma_start3A_543 : memref<8x8x128xf32, #tpu.memory_space<hbm>>) target_semaphore(%arg14 : memref<!tpu.dma_semaphore, #tpu.memory_space<semaphore_mem>>)
    %add3A_544 = arith.constant 1 : i32
    %add3A_545 = arith.addi %mul3A_2, %add3A_544 : i32
    %dma_start3A_546 = arith.constant 0 : i32
    %dma_start3A_547 = arith.constant 1 : i32
    %dma_start3A_548 = arith.constant 0 : i32
    %dma_start3A_549 = arith.constant 0 : i32
    %dma_start3A_550 = arith.constant 0 : i32
    %dma_start3A_551 = tpu.memref_slice %arg6[%add3A_545, %dma_start3A_546, %dma_start3A_547, %dma_start3A_548, %dma_start3A_549, %dma_start3A_550] : memref<64x4x8x8x8x128xf32, #tpu.memory_space<hbm>> -> memref<1x1x1x8x8x128xf32, #tpu.memory_space<hbm>>
    %dma_start3A_552 = tpu.memref_squeeze %dma_start3A_551 : memref<1x1x1x8x8x128xf32, #tpu.memory_space<hbm>> -> memref<8x8x128xf32, #tpu.memory_space<hbm>>
    %dma_start3A_553 = arith.constant 0 : i32
    %dma_start3A_554 = arith.constant 0 : i32
    %dma_start3A_555 = arith.constant 0 : i32
    %dma_start3A_556 = tpu.memref_slice %arg6[%add3A_545, %dma_start3A_546, %dma_start3A_547, %dma_start3A_553, %dma_start3A_554, %dma_start3A_555] : memref<64x4x8x8x8x128xf32, #tpu.memory_space<hbm>> -> memref<1x1x1x8x8x128xf32, #tpu.memory_space<hbm>>
    %dma_start3A_557 = tpu.memref_squeeze %dma_start3A_556 : memref<1x1x1x8x8x128xf32, #tpu.memory_space<hbm>> -> memref<8x8x128xf32, #tpu.memory_space<hbm>>
    tpu.enqueue_dma source(%arg12 : memref<8x8x128xf32, #tpu.memory_space<vmem>>) target(%dma_start3A_557 : memref<8x8x128xf32, #tpu.memory_space<hbm>>) target_semaphore(%arg14 : memref<!tpu.dma_semaphore, #tpu.memory_space<semaphore_mem>>)
    %add3A_558 = arith.constant 1 : i32
    %add3A_559 = arith.addi %mul3A_2, %add3A_558 : i32
    %dma_start3A_560 = arith.constant 0 : i32
    %dma_start3A_561 = arith.constant 2 : i32
    %dma_start3A_562 = arith.constant 0 : i32
    %dma_start3A_563 = arith.constant 0 : i32
    %dma_start3A_564 = arith.constant 0 : i32
    %dma_start3A_565 = tpu.memref_slice %arg6[%add3A_559, %dma_start3A_560, %dma_start3A_561, %dma_start3A_562, %dma_start3A_563, %dma_start3A_564] : memref<64x4x8x8x8x128xf32, #tpu.memory_space<hbm>> -> memref<1x1x1x8x8x128xf32, #tpu.memory_space<hbm>>
    %dma_start3A_566 = tpu.memref_squeeze %dma_start3A_565 : memref<1x1x1x8x8x128xf32, #tpu.memory_space<hbm>> -> memref<8x8x128xf32, #tpu.memory_space<hbm>>
    %dma_start3A_567 = arith.constant 0 : i32
    %dma_start3A_568 = arith.constant 0 : i32
    %dma_start3A_569 = arith.constant 0 : i32
    %dma_start3A_570 = tpu.memref_slice %arg6[%add3A_559, %dma_start3A_560, %dma_start3A_561, %dma_start3A_567, %dma_start3A_568, %dma_start3A_569] : memref<64x4x8x8x8x128xf32, #tpu.memory_space<hbm>> -> memref<1x1x1x8x8x128xf32, #tpu.memory_space<hbm>>
    %dma_start3A_571 = tpu.memref_squeeze %dma_start3A_570 : memref<1x1x1x8x8x128xf32, #tpu.memory_space<hbm>> -> memref<8x8x128xf32, #tpu.memory_space<hbm>>
    tpu.enqueue_dma source(%arg12 : memref<8x8x128xf32, #tpu.memory_space<vmem>>) target(%dma_start3A_571 : memref<8x8x128xf32, #tpu.memory_space<hbm>>) target_semaphore(%arg14 : memref<!tpu.dma_semaphore, #tpu.memory_space<semaphore_mem>>)
    %add3A_572 = arith.constant 1 : i32
    %add3A_573 = arith.addi %mul3A_2, %add3A_572 : i32
    %dma_start3A_574 = arith.constant 0 : i32
    %dma_start3A_575 = arith.constant 3 : i32
    %dma_start3A_576 = arith.constant 0 : i32
    %dma_start3A_577 = arith.constant 0 : i32
    %dma_start3A_578 = arith.constant 0 : i32
    %dma_start3A_579 = tpu.memref_slice %arg6[%add3A_573, %dma_start3A_574, %dma_start3A_575, %dma_start3A_576, %dma_start3A_577, %dma_start3A_578] : memref<64x4x8x8x8x128xf32, #tpu.memory_space<hbm>> -> memref<1x1x1x8x8x128xf32, #tpu.memory_space<hbm>>
    %dma_start3A_580 = tpu.memref_squeeze %dma_start3A_579 : memref<1x1x1x8x8x128xf32, #tpu.memory_space<hbm>> -> memref<8x8x128xf32, #tpu.memory_space<hbm>>
    %dma_start3A_581 = arith.constant 0 : i32
    %dma_start3A_582 = arith.constant 0 : i32
    %dma_start3A_583 = arith.constant 0 : i32
    %dma_start3A_584 = tpu.memref_slice %arg6[%add3A_573, %dma_start3A_574, %dma_start3A_575, %dma_start3A_581, %dma_start3A_582, %dma_start3A_583] : memref<64x4x8x8x8x128xf32, #tpu.memory_space<hbm>> -> memref<1x1x1x8x8x128xf32, #tpu.memory_space<hbm>>
    %dma_start3A_585 = tpu.memref_squeeze %dma_start3A_584 : memref<1x1x1x8x8x128xf32, #tpu.memory_space<hbm>> -> memref<8x8x128xf32, #tpu.memory_space<hbm>>
    tpu.enqueue_dma source(%arg12 : memref<8x8x128xf32, #tpu.memory_space<vmem>>) target(%dma_start3A_585 : memref<8x8x128xf32, #tpu.memory_space<hbm>>) target_semaphore(%arg14 : memref<!tpu.dma_semaphore, #tpu.memory_space<semaphore_mem>>)
    %add3A_586 = arith.constant 1 : i32
    %add3A_587 = arith.addi %mul3A_2, %add3A_586 : i32
    %dma_start3A_588 = arith.constant 0 : i32
    %dma_start3A_589 = arith.constant 4 : i32
    %dma_start3A_590 = arith.constant 0 : i32
    %dma_start3A_591 = arith.constant 0 : i32
    %dma_start3A_592 = arith.constant 0 : i32
    %dma_start3A_593 = tpu.memref_slice %arg6[%add3A_587, %dma_start3A_588, %dma_start3A_589, %dma_start3A_590, %dma_start3A_591, %dma_start3A_592] : memref<64x4x8x8x8x128xf32, #tpu.memory_space<hbm>> -> memref<1x1x1x8x8x128xf32, #tpu.memory_space<hbm>>
    %dma_start3A_594 = tpu.memref_squeeze %dma_start3A_593 : memref<1x1x1x8x8x128xf32, #tpu.memory_space<hbm>> -> memref<8x8x128xf32, #tpu.memory_space<hbm>>
    %dma_start3A_595 = arith.constant 0 : i32
    %dma_start3A_596 = arith.constant 0 : i32
    %dma_start3A_597 = arith.constant 0 : i32
    %dma_start3A_598 = tpu.memref_slice %arg6[%add3A_587, %dma_start3A_588, %dma_start3A_589, %dma_start3A_595, %dma_start3A_596, %dma_start3A_597] : memref<64x4x8x8x8x128xf32, #tpu.memory_space<hbm>> -> memref<1x1x1x8x8x128xf32, #tpu.memory_space<hbm>>
    %dma_start3A_599 = tpu.memref_squeeze %dma_start3A_598 : memref<1x1x1x8x8x128xf32, #tpu.memory_space<hbm>> -> memref<8x8x128xf32, #tpu.memory_space<hbm>>
    tpu.enqueue_dma source(%arg12 : memref<8x8x128xf32, #tpu.memory_space<vmem>>) target(%dma_start3A_599 : memref<8x8x128xf32, #tpu.memory_space<hbm>>) target_semaphore(%arg14 : memref<!tpu.dma_semaphore, #tpu.memory_space<semaphore_mem>>)
    %add3A_600 = arith.constant 1 : i32
    %add3A_601 = arith.addi %mul3A_2, %add3A_600 : i32
    %dma_start3A_602 = arith.constant 0 : i32
    %dma_start3A_603 = arith.constant 5 : i32
    %dma_start3A_604 = arith.constant 0 : i32
    %dma_start3A_605 = arith.constant 0 : i32
    %dma_start3A_606 = arith.constant 0 : i32
    %dma_start3A_607 = tpu.memref_slice %arg6[%add3A_601, %dma_start3A_602, %dma_start3A_603, %dma_start3A_604, %dma_start3A_605, %dma_start3A_606] : memref<64x4x8x8x8x128xf32, #tpu.memory_space<hbm>> -> memref<1x1x1x8x8x128xf32, #tpu.memory_space<hbm>>
    %dma_start3A_608 = tpu.memref_squeeze %dma_start3A_607 : memref<1x1x1x8x8x128xf32, #tpu.memory_space<hbm>> -> memref<8x8x128xf32, #tpu.memory_space<hbm>>
    %dma_start3A_609 = arith.constant 0 : i32
    %dma_start3A_610 = arith.constant 0 : i32
    %dma_start3A_611 = arith.constant 0 : i32
    %dma_start3A_612 = tpu.memref_slice %arg6[%add3A_601, %dma_start3A_602, %dma_start3A_603, %dma_start3A_609, %dma_start3A_610, %dma_start3A_611] : memref<64x4x8x8x8x128xf32, #tpu.memory_space<hbm>> -> memref<1x1x1x8x8x128xf32, #tpu.memory_space<hbm>>
    %dma_start3A_613 = tpu.memref_squeeze %dma_start3A_612 : memref<1x1x1x8x8x128xf32, #tpu.memory_space<hbm>> -> memref<8x8x128xf32, #tpu.memory_space<hbm>>
    tpu.enqueue_dma source(%arg12 : memref<8x8x128xf32, #tpu.memory_space<vmem>>) target(%dma_start3A_613 : memref<8x8x128xf32, #tpu.memory_space<hbm>>) target_semaphore(%arg14 : memref<!tpu.dma_semaphore, #tpu.memory_space<semaphore_mem>>)
    %add3A_614 = arith.constant 1 : i32
    %add3A_615 = arith.addi %mul3A_2, %add3A_614 : i32
    %dma_start3A_616 = arith.constant 0 : i32
    %dma_start3A_617 = arith.constant 6 : i32
    %dma_start3A_618 = arith.constant 0 : i32
    %dma_start3A_619 = arith.constant 0 : i32
    %dma_start3A_620 = arith.constant 0 : i32
    %dma_start3A_621 = tpu.memref_slice %arg6[%add3A_615, %dma_start3A_616, %dma_start3A_617, %dma_start3A_618, %dma_start3A_619, %dma_start3A_620] : memref<64x4x8x8x8x128xf32, #tpu.memory_space<hbm>> -> memref<1x1x1x8x8x128xf32, #tpu.memory_space<hbm>>
    %dma_start3A_622 = tpu.memref_squeeze %dma_start3A_621 : memref<1x1x1x8x8x128xf32, #tpu.memory_space<hbm>> -> memref<8x8x128xf32, #tpu.memory_space<hbm>>
    %dma_start3A_623 = arith.constant 0 : i32
    %dma_start3A_624 = arith.constant 0 : i32
    %dma_start3A_625 = arith.constant 0 : i32
    %dma_start3A_626 = tpu.memref_slice %arg6[%add3A_615, %dma_start3A_616, %dma_start3A_617, %dma_start3A_623, %dma_start3A_624, %dma_start3A_625] : memref<64x4x8x8x8x128xf32, #tpu.memory_space<hbm>> -> memref<1x1x1x8x8x128xf32, #tpu.memory_space<hbm>>
    %dma_start3A_627 = tpu.memref_squeeze %dma_start3A_626 : memref<1x1x1x8x8x128xf32, #tpu.memory_space<hbm>> -> memref<8x8x128xf32, #tpu.memory_space<hbm>>
    tpu.enqueue_dma source(%arg12 : memref<8x8x128xf32, #tpu.memory_space<vmem>>) target(%dma_start3A_627 : memref<8x8x128xf32, #tpu.memory_space<hbm>>) target_semaphore(%arg14 : memref<!tpu.dma_semaphore, #tpu.memory_space<semaphore_mem>>)
    %add3A_628 = arith.constant 1 : i32
    %add3A_629 = arith.addi %mul3A_2, %add3A_628 : i32
    %dma_start3A_630 = arith.constant 0 : i32
    %dma_start3A_631 = arith.constant 7 : i32
    %dma_start3A_632 = arith.constant 0 : i32
    %dma_start3A_633 = arith.constant 0 : i32
    %dma_start3A_634 = arith.constant 0 : i32
    %dma_start3A_635 = tpu.memref_slice %arg6[%add3A_629, %dma_start3A_630, %dma_start3A_631, %dma_start3A_632, %dma_start3A_633, %dma_start3A_634] : memref<64x4x8x8x8x128xf32, #tpu.memory_space<hbm>> -> memref<1x1x1x8x8x128xf32, #tpu.memory_space<hbm>>
    %dma_start3A_636 = tpu.memref_squeeze %dma_start3A_635 : memref<1x1x1x8x8x128xf32, #tpu.memory_space<hbm>> -> memref<8x8x128xf32, #tpu.memory_space<hbm>>
    %dma_start3A_637 = arith.constant 0 : i32
    %dma_start3A_638 = arith.constant 0 : i32
    %dma_start3A_639 = arith.constant 0 : i32
    %dma_start3A_640 = tpu.memref_slice %arg6[%add3A_629, %dma_start3A_630, %dma_start3A_631, %dma_start3A_637, %dma_start3A_638, %dma_start3A_639] : memref<64x4x8x8x8x128xf32, #tpu.memory_space<hbm>> -> memref<1x1x1x8x8x128xf32, #tpu.memory_space<hbm>>
    %dma_start3A_641 = tpu.memref_squeeze %dma_start3A_640 : memref<1x1x1x8x8x128xf32, #tpu.memory_space<hbm>> -> memref<8x8x128xf32, #tpu.memory_space<hbm>>
    tpu.enqueue_dma source(%arg12 : memref<8x8x128xf32, #tpu.memory_space<vmem>>) target(%dma_start3A_641 : memref<8x8x128xf32, #tpu.memory_space<hbm>>) target_semaphore(%arg14 : memref<!tpu.dma_semaphore, #tpu.memory_space<semaphore_mem>>)
    %add3A_642 = arith.constant 1 : i32
    %add3A_643 = arith.addi %mul3A_2, %add3A_642 : i32
    %dma_start3A_644 = arith.constant 1 : i32
    %dma_start3A_645 = arith.constant 0 : i32
    %dma_start3A_646 = arith.constant 0 : i32
    %dma_start3A_647 = arith.constant 0 : i32
    %dma_start3A_648 = arith.constant 0 : i32
    %dma_start3A_649 = tpu.memref_slice %arg6[%add3A_643, %dma_start3A_644, %dma_start3A_645, %dma_start3A_646, %dma_start3A_647, %dma_start3A_648] : memref<64x4x8x8x8x128xf32, #tpu.memory_space<hbm>> -> memref<1x1x1x8x8x128xf32, #tpu.memory_space<hbm>>
    %dma_start3A_650 = tpu.memref_squeeze %dma_start3A_649 : memref<1x1x1x8x8x128xf32, #tpu.memory_space<hbm>> -> memref<8x8x128xf32, #tpu.memory_space<hbm>>
    %dma_start3A_651 = arith.constant 0 : i32
    %dma_start3A_652 = arith.constant 0 : i32
    %dma_start3A_653 = arith.constant 0 : i32
    %dma_start3A_654 = tpu.memref_slice %arg6[%add3A_643, %dma_start3A_644, %dma_start3A_645, %dma_start3A_651, %dma_start3A_652, %dma_start3A_653] : memref<64x4x8x8x8x128xf32, #tpu.memory_space<hbm>> -> memref<1x1x1x8x8x128xf32, #tpu.memory_space<hbm>>
    %dma_start3A_655 = tpu.memref_squeeze %dma_start3A_654 : memref<1x1x1x8x8x128xf32, #tpu.memory_space<hbm>> -> memref<8x8x128xf32, #tpu.memory_space<hbm>>
    tpu.enqueue_dma source(%arg12 : memref<8x8x128xf32, #tpu.memory_space<vmem>>) target(%dma_start3A_655 : memref<8x8x128xf32, #tpu.memory_space<hbm>>) target_semaphore(%arg14 : memref<!tpu.dma_semaphore, #tpu.memory_space<semaphore_mem>>)
    %add3A_656 = arith.constant 1 : i32
    %add3A_657 = arith.addi %mul3A_2, %add3A_656 : i32
    %dma_start3A_658 = arith.constant 1 : i32
    %dma_start3A_659 = arith.constant 1 : i32
    %dma_start3A_660 = arith.constant 0 : i32
    %dma_start3A_661 = arith.constant 0 : i32
    %dma_start3A_662 = arith.constant 0 : i32
    %dma_start3A_663 = tpu.memref_slice %arg6[%add3A_657, %dma_start3A_658, %dma_start3A_659, %dma_start3A_660, %dma_start3A_661, %dma_start3A_662] : memref<64x4x8x8x8x128xf32, #tpu.memory_space<hbm>> -> memref<1x1x1x8x8x128xf32, #tpu.memory_space<hbm>>
    %dma_start3A_664 = tpu.memref_squeeze %dma_start3A_663 : memref<1x1x1x8x8x128xf32, #tpu.memory_space<hbm>> -> memref<8x8x128xf32, #tpu.memory_space<hbm>>
    %dma_start3A_665 = arith.constant 0 : i32
    %dma_start3A_666 = arith.constant 0 : i32
    %dma_start3A_667 = arith.constant 0 : i32
    %dma_start3A_668 = tpu.memref_slice %arg6[%add3A_657, %dma_start3A_658, %dma_start3A_659, %dma_start3A_665, %dma_start3A_666, %dma_start3A_667] : memref<64x4x8x8x8x128xf32, #tpu.memory_space<hbm>> -> memref<1x1x1x8x8x128xf32, #tpu.memory_space<hbm>>
    %dma_start3A_669 = tpu.memref_squeeze %dma_start3A_668 : memref<1x1x1x8x8x128xf32, #tpu.memory_space<hbm>> -> memref<8x8x128xf32, #tpu.memory_space<hbm>>
    tpu.enqueue_dma source(%arg12 : memref<8x8x128xf32, #tpu.memory_space<vmem>>) target(%dma_start3A_669 : memref<8x8x128xf32, #tpu.memory_space<hbm>>) target_semaphore(%arg14 : memref<!tpu.dma_semaphore, #tpu.memory_space<semaphore_mem>>)
    %add3A_670 = arith.constant 1 : i32
    %add3A_671 = arith.addi %mul3A_2, %add3A_670 : i32
    %dma_start3A_672 = arith.constant 1 : i32
    %dma_start3A_673 = arith.constant 2 : i32
    %dma_start3A_674 = arith.constant 0 : i32
    %dma_start3A_675 = arith.constant 0 : i32
    %dma_start3A_676 = arith.constant 0 : i32
    %dma_start3A_677 = tpu.memref_slice %arg6[%add3A_671, %dma_start3A_672, %dma_start3A_673, %dma_start3A_674, %dma_start3A_675, %dma_start3A_676] : memref<64x4x8x8x8x128xf32, #tpu.memory_space<hbm>> -> memref<1x1x1x8x8x128xf32, #tpu.memory_space<hbm>>
    %dma_start3A_678 = tpu.memref_squeeze %dma_start3A_677 : memref<1x1x1x8x8x128xf32, #tpu.memory_space<hbm>> -> memref<8x8x128xf32, #tpu.memory_space<hbm>>
    %dma_start3A_679 = arith.constant 0 : i32
    %dma_start3A_680 = arith.constant 0 : i32
    %dma_start3A_681 = arith.constant 0 : i32
    %dma_start3A_682 = tpu.memref_slice %arg6[%add3A_671, %dma_start3A_672, %dma_start3A_673, %dma_start3A_679, %dma_start3A_680, %dma_start3A_681] : memref<64x4x8x8x8x128xf32, #tpu.memory_space<hbm>> -> memref<1x1x1x8x8x128xf32, #tpu.memory_space<hbm>>
    %dma_start3A_683 = tpu.memref_squeeze %dma_start3A_682 : memref<1x1x1x8x8x128xf32, #tpu.memory_space<hbm>> -> memref<8x8x128xf32, #tpu.memory_space<hbm>>
    tpu.enqueue_dma source(%arg12 : memref<8x8x128xf32, #tpu.memory_space<vmem>>) target(%dma_start3A_683 : memref<8x8x128xf32, #tpu.memory_space<hbm>>) target_semaphore(%arg14 : memref<!tpu.dma_semaphore, #tpu.memory_space<semaphore_mem>>)
    %add3A_684 = arith.constant 1 : i32
    %add3A_685 = arith.addi %mul3A_2, %add3A_684 : i32
    %dma_start3A_686 = arith.constant 1 : i32
    %dma_start3A_687 = arith.constant 3 : i32
    %dma_start3A_688 = arith.constant 0 : i32
    %dma_start3A_689 = arith.constant 0 : i32
    %dma_start3A_690 = arith.constant 0 : i32
    %dma_start3A_691 = tpu.memref_slice %arg6[%add3A_685, %dma_start3A_686, %dma_start3A_687, %dma_start3A_688, %dma_start3A_689, %dma_start3A_690] : memref<64x4x8x8x8x128xf32, #tpu.memory_space<hbm>> -> memref<1x1x1x8x8x128xf32, #tpu.memory_space<hbm>>
    %dma_start3A_692 = tpu.memref_squeeze %dma_start3A_691 : memref<1x1x1x8x8x128xf32, #tpu.memory_space<hbm>> -> memref<8x8x128xf32, #tpu.memory_space<hbm>>
    %dma_start3A_693 = arith.constant 0 : i32
    %dma_start3A_694 = arith.constant 0 : i32
    %dma_start3A_695 = arith.constant 0 : i32
    %dma_start3A_696 = tpu.memref_slice %arg6[%add3A_685, %dma_start3A_686, %dma_start3A_687, %dma_start3A_693, %dma_start3A_694, %dma_start3A_695] : memref<64x4x8x8x8x128xf32, #tpu.memory_space<hbm>> -> memref<1x1x1x8x8x128xf32, #tpu.memory_space<hbm>>
    %dma_start3A_697 = tpu.memref_squeeze %dma_start3A_696 : memref<1x1x1x8x8x128xf32, #tpu.memory_space<hbm>> -> memref<8x8x128xf32, #tpu.memory_space<hbm>>
    tpu.enqueue_dma source(%arg12 : memref<8x8x128xf32, #tpu.memory_space<vmem>>) target(%dma_start3A_697 : memref<8x8x128xf32, #tpu.memory_space<hbm>>) target_semaphore(%arg14 : memref<!tpu.dma_semaphore, #tpu.memory_space<semaphore_mem>>)
    %add3A_698 = arith.constant 1 : i32
    %add3A_699 = arith.addi %mul3A_2, %add3A_698 : i32
    %dma_start3A_700 = arith.constant 1 : i32
    %dma_start3A_701 = arith.constant 4 : i32
    %dma_start3A_702 = arith.constant 0 : i32
    %dma_start3A_703 = arith.constant 0 : i32
    %dma_start3A_704 = arith.constant 0 : i32
    %dma_start3A_705 = tpu.memref_slice %arg6[%add3A_699, %dma_start3A_700, %dma_start3A_701, %dma_start3A_702, %dma_start3A_703, %dma_start3A_704] : memref<64x4x8x8x8x128xf32, #tpu.memory_space<hbm>> -> memref<1x1x1x8x8x128xf32, #tpu.memory_space<hbm>>
    %dma_start3A_706 = tpu.memref_squeeze %dma_start3A_705 : memref<1x1x1x8x8x128xf32, #tpu.memory_space<hbm>> -> memref<8x8x128xf32, #tpu.memory_space<hbm>>
    %dma_start3A_707 = arith.constant 0 : i32
    %dma_start3A_708 = arith.constant 0 : i32
    %dma_start3A_709 = arith.constant 0 : i32
    %dma_start3A_710 = tpu.memref_slice %arg6[%add3A_699, %dma_start3A_700, %dma_start3A_701, %dma_start3A_707, %dma_start3A_708, %dma_start3A_709] : memref<64x4x8x8x8x128xf32, #tpu.memory_space<hbm>> -> memref<1x1x1x8x8x128xf32, #tpu.memory_space<hbm>>
    %dma_start3A_711 = tpu.memref_squeeze %dma_start3A_710 : memref<1x1x1x8x8x128xf32, #tpu.memory_space<hbm>> -> memref<8x8x128xf32, #tpu.memory_space<hbm>>
    tpu.enqueue_dma source(%arg12 : memref<8x8x128xf32, #tpu.memory_space<vmem>>) target(%dma_start3A_711 : memref<8x8x128xf32, #tpu.memory_space<hbm>>) target_semaphore(%arg14 : memref<!tpu.dma_semaphore, #tpu.memory_space<semaphore_mem>>)
    %add3A_712 = arith.constant 1 : i32
    %add3A_713 = arith.addi %mul3A_2, %add3A_712 : i32
    %dma_start3A_714 = arith.constant 1 : i32
    %dma_start3A_715 = arith.constant 5 : i32
    %dma_start3A_716 = arith.constant 0 : i32
    %dma_start3A_717 = arith.constant 0 : i32
    %dma_start3A_718 = arith.constant 0 : i32
    %dma_start3A_719 = tpu.memref_slice %arg6[%add3A_713, %dma_start3A_714, %dma_start3A_715, %dma_start3A_716, %dma_start3A_717, %dma_start3A_718] : memref<64x4x8x8x8x128xf32, #tpu.memory_space<hbm>> -> memref<1x1x1x8x8x128xf32, #tpu.memory_space<hbm>>
    %dma_start3A_720 = tpu.memref_squeeze %dma_start3A_719 : memref<1x1x1x8x8x128xf32, #tpu.memory_space<hbm>> -> memref<8x8x128xf32, #tpu.memory_space<hbm>>
    %dma_start3A_721 = arith.constant 0 : i32
    %dma_start3A_722 = arith.constant 0 : i32
    %dma_start3A_723 = arith.constant 0 : i32
    %dma_start3A_724 = tpu.memref_slice %arg6[%add3A_713, %dma_start3A_714, %dma_start3A_715, %dma_start3A_721, %dma_start3A_722, %dma_start3A_723] : memref<64x4x8x8x8x128xf32, #tpu.memory_space<hbm>> -> memref<1x1x1x8x8x128xf32, #tpu.memory_space<hbm>>
    %dma_start3A_725 = tpu.memref_squeeze %dma_start3A_724 : memref<1x1x1x8x8x128xf32, #tpu.memory_space<hbm>> -> memref<8x8x128xf32, #tpu.memory_space<hbm>>
    tpu.enqueue_dma source(%arg12 : memref<8x8x128xf32, #tpu.memory_space<vmem>>) target(%dma_start3A_725 : memref<8x8x128xf32, #tpu.memory_space<hbm>>) target_semaphore(%arg14 : memref<!tpu.dma_semaphore, #tpu.memory_space<semaphore_mem>>)
    %add3A_726 = arith.constant 1 : i32
    %add3A_727 = arith.addi %mul3A_2, %add3A_726 : i32
    %dma_start3A_728 = arith.constant 1 : i32
    %dma_start3A_729 = arith.constant 6 : i32
    %dma_start3A_730 = arith.constant 0 : i32
    %dma_start3A_731 = arith.constant 0 : i32
    %dma_start3A_732 = arith.constant 0 : i32
    %dma_start3A_733 = tpu.memref_slice %arg6[%add3A_727, %dma_start3A_728, %dma_start3A_729, %dma_start3A_730, %dma_start3A_731, %dma_start3A_732] : memref<64x4x8x8x8x128xf32, #tpu.memory_space<hbm>> -> memref<1x1x1x8x8x128xf32, #tpu.memory_space<hbm>>
    %dma_start3A_734 = tpu.memref_squeeze %dma_start3A_733 : memref<1x1x1x8x8x128xf32, #tpu.memory_space<hbm>> -> memref<8x8x128xf32, #tpu.memory_space<hbm>>
    %dma_start3A_735 = arith.constant 0 : i32
    %dma_start3A_736 = arith.constant 0 : i32
    %dma_start3A_737 = arith.constant 0 : i32
    %dma_start3A_738 = tpu.memref_slice %arg6[%add3A_727, %dma_start3A_728, %dma_start3A_729, %dma_start3A_735, %dma_start3A_736, %dma_start3A_737] : memref<64x4x8x8x8x128xf32, #tpu.memory_space<hbm>> -> memref<1x1x1x8x8x128xf32, #tpu.memory_space<hbm>>
    %dma_start3A_739 = tpu.memref_squeeze %dma_start3A_738 : memref<1x1x1x8x8x128xf32, #tpu.memory_space<hbm>> -> memref<8x8x128xf32, #tpu.memory_space<hbm>>
    tpu.enqueue_dma source(%arg12 : memref<8x8x128xf32, #tpu.memory_space<vmem>>) target(%dma_start3A_739 : memref<8x8x128xf32, #tpu.memory_space<hbm>>) target_semaphore(%arg14 : memref<!tpu.dma_semaphore, #tpu.memory_space<semaphore_mem>>)
    %add3A_740 = arith.constant 1 : i32
    %add3A_741 = arith.addi %mul3A_2, %add3A_740 : i32
    %dma_start3A_742 = arith.constant 1 : i32
    %dma_start3A_743 = arith.constant 7 : i32
    %dma_start3A_744 = arith.constant 0 : i32
    %dma_start3A_745 = arith.constant 0 : i32
    %dma_start3A_746 = arith.constant 0 : i32
    %dma_start3A_747 = tpu.memref_slice %arg6[%add3A_741, %dma_start3A_742, %dma_start3A_743, %dma_start3A_744, %dma_start3A_745, %dma_start3A_746] : memref<64x4x8x8x8x128xf32, #tpu.memory_space<hbm>> -> memref<1x1x1x8x8x128xf32, #tpu.memory_space<hbm>>
    %dma_start3A_748 = tpu.memref_squeeze %dma_start3A_747 : memref<1x1x1x8x8x128xf32, #tpu.memory_space<hbm>> -> memref<8x8x128xf32, #tpu.memory_space<hbm>>
    %dma_start3A_749 = arith.constant 0 : i32
    %dma_start3A_750 = arith.constant 0 : i32
    %dma_start3A_751 = arith.constant 0 : i32
    %dma_start3A_752 = tpu.memref_slice %arg6[%add3A_741, %dma_start3A_742, %dma_start3A_743, %dma_start3A_749, %dma_start3A_750, %dma_start3A_751] : memref<64x4x8x8x8x128xf32, #tpu.memory_space<hbm>> -> memref<1x1x1x8x8x128xf32, #tpu.memory_space<hbm>>
    %dma_start3A_753 = tpu.memref_squeeze %dma_start3A_752 : memref<1x1x1x8x8x128xf32, #tpu.memory_space<hbm>> -> memref<8x8x128xf32, #tpu.memory_space<hbm>>
    tpu.enqueue_dma source(%arg12 : memref<8x8x128xf32, #tpu.memory_space<vmem>>) target(%dma_start3A_753 : memref<8x8x128xf32, #tpu.memory_space<hbm>>) target_semaphore(%arg14 : memref<!tpu.dma_semaphore, #tpu.memory_space<semaphore_mem>>)
    %add3A_754 = arith.constant 1 : i32
    %add3A_755 = arith.addi %mul3A_2, %add3A_754 : i32
    %dma_start3A_756 = arith.constant 2 : i32
    %dma_start3A_757 = arith.constant 0 : i32
    %dma_start3A_758 = arith.constant 0 : i32
    %dma_start3A_759 = arith.constant 0 : i32
    %dma_start3A_760 = arith.constant 0 : i32
    %dma_start3A_761 = tpu.memref_slice %arg6[%add3A_755, %dma_start3A_756, %dma_start3A_757, %dma_start3A_758, %dma_start3A_759, %dma_start3A_760] : memref<64x4x8x8x8x128xf32, #tpu.memory_space<hbm>> -> memref<1x1x1x8x8x128xf32, #tpu.memory_space<hbm>>
    %dma_start3A_762 = tpu.memref_squeeze %dma_start3A_761 : memref<1x1x1x8x8x128xf32, #tpu.memory_space<hbm>> -> memref<8x8x128xf32, #tpu.memory_space<hbm>>
    %dma_start3A_763 = arith.constant 0 : i32
    %dma_start3A_764 = arith.constant 0 : i32
    %dma_start3A_765 = arith.constant 0 : i32
    %dma_start3A_766 = tpu.memref_slice %arg6[%add3A_755, %dma_start3A_756, %dma_start3A_757, %dma_start3A_763, %dma_start3A_764, %dma_start3A_765] : memref<64x4x8x8x8x128xf32, #tpu.memory_space<hbm>> -> memref<1x1x1x8x8x128xf32, #tpu.memory_space<hbm>>
    %dma_start3A_767 = tpu.memref_squeeze %dma_start3A_766 : memref<1x1x1x8x8x128xf32, #tpu.memory_space<hbm>> -> memref<8x8x128xf32, #tpu.memory_space<hbm>>
    tpu.enqueue_dma source(%arg12 : memref<8x8x128xf32, #tpu.memory_space<vmem>>) target(%dma_start3A_767 : memref<8x8x128xf32, #tpu.memory_space<hbm>>) target_semaphore(%arg14 : memref<!tpu.dma_semaphore, #tpu.memory_space<semaphore_mem>>)
    %add3A_768 = arith.constant 1 : i32
    %add3A_769 = arith.addi %mul3A_2, %add3A_768 : i32
    %dma_start3A_770 = arith.constant 2 : i32
    %dma_start3A_771 = arith.constant 1 : i32
    %dma_start3A_772 = arith.constant 0 : i32
    %dma_start3A_773 = arith.constant 0 : i32
    %dma_start3A_774 = arith.constant 0 : i32
    %dma_start3A_775 = tpu.memref_slice %arg6[%add3A_769, %dma_start3A_770, %dma_start3A_771, %dma_start3A_772, %dma_start3A_773, %dma_start3A_774] : memref<64x4x8x8x8x128xf32, #tpu.memory_space<hbm>> -> memref<1x1x1x8x8x128xf32, #tpu.memory_space<hbm>>
    %dma_start3A_776 = tpu.memref_squeeze %dma_start3A_775 : memref<1x1x1x8x8x128xf32, #tpu.memory_space<hbm>> -> memref<8x8x128xf32, #tpu.memory_space<hbm>>
    %dma_start3A_777 = arith.constant 0 : i32
    %dma_start3A_778 = arith.constant 0 : i32
    %dma_start3A_779 = arith.constant 0 : i32
    %dma_start3A_780 = tpu.memref_slice %arg6[%add3A_769, %dma_start3A_770, %dma_start3A_771, %dma_start3A_777, %dma_start3A_778, %dma_start3A_779] : memref<64x4x8x8x8x128xf32, #tpu.memory_space<hbm>> -> memref<1x1x1x8x8x128xf32, #tpu.memory_space<hbm>>
    %dma_start3A_781 = tpu.memref_squeeze %dma_start3A_780 : memref<1x1x1x8x8x128xf32, #tpu.memory_space<hbm>> -> memref<8x8x128xf32, #tpu.memory_space<hbm>>
    tpu.enqueue_dma source(%arg12 : memref<8x8x128xf32, #tpu.memory_space<vmem>>) target(%dma_start3A_781 : memref<8x8x128xf32, #tpu.memory_space<hbm>>) target_semaphore(%arg14 : memref<!tpu.dma_semaphore, #tpu.memory_space<semaphore_mem>>)
    %add3A_782 = arith.constant 1 : i32
    %add3A_783 = arith.addi %mul3A_2, %add3A_782 : i32
    %dma_start3A_784 = arith.constant 2 : i32
    %dma_start3A_785 = arith.constant 2 : i32
    %dma_start3A_786 = arith.constant 0 : i32
    %dma_start3A_787 = arith.constant 0 : i32
    %dma_start3A_788 = arith.constant 0 : i32
    %dma_start3A_789 = tpu.memref_slice %arg6[%add3A_783, %dma_start3A_784, %dma_start3A_785, %dma_start3A_786, %dma_start3A_787, %dma_start3A_788] : memref<64x4x8x8x8x128xf32, #tpu.memory_space<hbm>> -> memref<1x1x1x8x8x128xf32, #tpu.memory_space<hbm>>
    %dma_start3A_790 = tpu.memref_squeeze %dma_start3A_789 : memref<1x1x1x8x8x128xf32, #tpu.memory_space<hbm>> -> memref<8x8x128xf32, #tpu.memory_space<hbm>>
    %dma_start3A_791 = arith.constant 0 : i32
    %dma_start3A_792 = arith.constant 0 : i32
    %dma_start3A_793 = arith.constant 0 : i32
    %dma_start3A_794 = tpu.memref_slice %arg6[%add3A_783, %dma_start3A_784, %dma_start3A_785, %dma_start3A_791, %dma_start3A_792, %dma_start3A_793] : memref<64x4x8x8x8x128xf32, #tpu.memory_space<hbm>> -> memref<1x1x1x8x8x128xf32, #tpu.memory_space<hbm>>
    %dma_start3A_795 = tpu.memref_squeeze %dma_start3A_794 : memref<1x1x1x8x8x128xf32, #tpu.memory_space<hbm>> -> memref<8x8x128xf32, #tpu.memory_space<hbm>>
    tpu.enqueue_dma source(%arg12 : memref<8x8x128xf32, #tpu.memory_space<vmem>>) target(%dma_start3A_795 : memref<8x8x128xf32, #tpu.memory_space<hbm>>) target_semaphore(%arg14 : memref<!tpu.dma_semaphore, #tpu.memory_space<semaphore_mem>>)
    %add3A_796 = arith.constant 1 : i32
    %add3A_797 = arith.addi %mul3A_2, %add3A_796 : i32
    %dma_start3A_798 = arith.constant 2 : i32
    %dma_start3A_799 = arith.constant 3 : i32
    %dma_start3A_800 = arith.constant 0 : i32
    %dma_start3A_801 = arith.constant 0 : i32
    %dma_start3A_802 = arith.constant 0 : i32
    %dma_start3A_803 = tpu.memref_slice %arg6[%add3A_797, %dma_start3A_798, %dma_start3A_799, %dma_start3A_800, %dma_start3A_801, %dma_start3A_802] : memref<64x4x8x8x8x128xf32, #tpu.memory_space<hbm>> -> memref<1x1x1x8x8x128xf32, #tpu.memory_space<hbm>>
    %dma_start3A_804 = tpu.memref_squeeze %dma_start3A_803 : memref<1x1x1x8x8x128xf32, #tpu.memory_space<hbm>> -> memref<8x8x128xf32, #tpu.memory_space<hbm>>
    %dma_start3A_805 = arith.constant 0 : i32
    %dma_start3A_806 = arith.constant 0 : i32
    %dma_start3A_807 = arith.constant 0 : i32
    %dma_start3A_808 = tpu.memref_slice %arg6[%add3A_797, %dma_start3A_798, %dma_start3A_799, %dma_start3A_805, %dma_start3A_806, %dma_start3A_807] : memref<64x4x8x8x8x128xf32, #tpu.memory_space<hbm>> -> memref<1x1x1x8x8x128xf32, #tpu.memory_space<hbm>>
    %dma_start3A_809 = tpu.memref_squeeze %dma_start3A_808 : memref<1x1x1x8x8x128xf32, #tpu.memory_space<hbm>> -> memref<8x8x128xf32, #tpu.memory_space<hbm>>
    tpu.enqueue_dma source(%arg12 : memref<8x8x128xf32, #tpu.memory_space<vmem>>) target(%dma_start3A_809 : memref<8x8x128xf32, #tpu.memory_space<hbm>>) target_semaphore(%arg14 : memref<!tpu.dma_semaphore, #tpu.memory_space<semaphore_mem>>)
    %add3A_810 = arith.constant 1 : i32
    %add3A_811 = arith.addi %mul3A_2, %add3A_810 : i32
    %dma_start3A_812 = arith.constant 2 : i32
    %dma_start3A_813 = arith.constant 4 : i32
    %dma_start3A_814 = arith.constant 0 : i32
    %dma_start3A_815 = arith.constant 0 : i32
    %dma_start3A_816 = arith.constant 0 : i32
    %dma_start3A_817 = tpu.memref_slice %arg6[%add3A_811, %dma_start3A_812, %dma_start3A_813, %dma_start3A_814, %dma_start3A_815, %dma_start3A_816] : memref<64x4x8x8x8x128xf32, #tpu.memory_space<hbm>> -> memref<1x1x1x8x8x128xf32, #tpu.memory_space<hbm>>
    %dma_start3A_818 = tpu.memref_squeeze %dma_start3A_817 : memref<1x1x1x8x8x128xf32, #tpu.memory_space<hbm>> -> memref<8x8x128xf32, #tpu.memory_space<hbm>>
    %dma_start3A_819 = arith.constant 0 : i32
    %dma_start3A_820 = arith.constant 0 : i32
    %dma_start3A_821 = arith.constant 0 : i32
    %dma_start3A_822 = tpu.memref_slice %arg6[%add3A_811, %dma_start3A_812, %dma_start3A_813, %dma_start3A_819, %dma_start3A_820, %dma_start3A_821] : memref<64x4x8x8x8x128xf32, #tpu.memory_space<hbm>> -> memref<1x1x1x8x8x128xf32, #tpu.memory_space<hbm>>
    %dma_start3A_823 = tpu.memref_squeeze %dma_start3A_822 : memref<1x1x1x8x8x128xf32, #tpu.memory_space<hbm>> -> memref<8x8x128xf32, #tpu.memory_space<hbm>>
    tpu.enqueue_dma source(%arg12 : memref<8x8x128xf32, #tpu.memory_space<vmem>>) target(%dma_start3A_823 : memref<8x8x128xf32, #tpu.memory_space<hbm>>) target_semaphore(%arg14 : memref<!tpu.dma_semaphore, #tpu.memory_space<semaphore_mem>>)
    %add3A_824 = arith.constant 1 : i32
    %add3A_825 = arith.addi %mul3A_2, %add3A_824 : i32
    %dma_start3A_826 = arith.constant 2 : i32
    %dma_start3A_827 = arith.constant 5 : i32
    %dma_start3A_828 = arith.constant 0 : i32
    %dma_start3A_829 = arith.constant 0 : i32
    %dma_start3A_830 = arith.constant 0 : i32
    %dma_start3A_831 = tpu.memref_slice %arg6[%add3A_825, %dma_start3A_826, %dma_start3A_827, %dma_start3A_828, %dma_start3A_829, %dma_start3A_830] : memref<64x4x8x8x8x128xf32, #tpu.memory_space<hbm>> -> memref<1x1x1x8x8x128xf32, #tpu.memory_space<hbm>>
    %dma_start3A_832 = tpu.memref_squeeze %dma_start3A_831 : memref<1x1x1x8x8x128xf32, #tpu.memory_space<hbm>> -> memref<8x8x128xf32, #tpu.memory_space<hbm>>
    %dma_start3A_833 = arith.constant 0 : i32
    %dma_start3A_834 = arith.constant 0 : i32
    %dma_start3A_835 = arith.constant 0 : i32
    %dma_start3A_836 = tpu.memref_slice %arg6[%add3A_825, %dma_start3A_826, %dma_start3A_827, %dma_start3A_833, %dma_start3A_834, %dma_start3A_835] : memref<64x4x8x8x8x128xf32, #tpu.memory_space<hbm>> -> memref<1x1x1x8x8x128xf32, #tpu.memory_space<hbm>>
    %dma_start3A_837 = tpu.memref_squeeze %dma_start3A_836 : memref<1x1x1x8x8x128xf32, #tpu.memory_space<hbm>> -> memref<8x8x128xf32, #tpu.memory_space<hbm>>
    tpu.enqueue_dma source(%arg12 : memref<8x8x128xf32, #tpu.memory_space<vmem>>) target(%dma_start3A_837 : memref<8x8x128xf32, #tpu.memory_space<hbm>>) target_semaphore(%arg14 : memref<!tpu.dma_semaphore, #tpu.memory_space<semaphore_mem>>)
    %add3A_838 = arith.constant 1 : i32
    %add3A_839 = arith.addi %mul3A_2, %add3A_838 : i32
    %dma_start3A_840 = arith.constant 2 : i32
    %dma_start3A_841 = arith.constant 6 : i32
    %dma_start3A_842 = arith.constant 0 : i32
    %dma_start3A_843 = arith.constant 0 : i32
    %dma_start3A_844 = arith.constant 0 : i32
    %dma_start3A_845 = tpu.memref_slice %arg6[%add3A_839, %dma_start3A_840, %dma_start3A_841, %dma_start3A_842, %dma_start3A_843, %dma_start3A_844] : memref<64x4x8x8x8x128xf32, #tpu.memory_space<hbm>> -> memref<1x1x1x8x8x128xf32, #tpu.memory_space<hbm>>
    %dma_start3A_846 = tpu.memref_squeeze %dma_start3A_845 : memref<1x1x1x8x8x128xf32, #tpu.memory_space<hbm>> -> memref<8x8x128xf32, #tpu.memory_space<hbm>>
    %dma_start3A_847 = arith.constant 0 : i32
    %dma_start3A_848 = arith.constant 0 : i32
    %dma_start3A_849 = arith.constant 0 : i32
    %dma_start3A_850 = tpu.memref_slice %arg6[%add3A_839, %dma_start3A_840, %dma_start3A_841, %dma_start3A_847, %dma_start3A_848, %dma_start3A_849] : memref<64x4x8x8x8x128xf32, #tpu.memory_space<hbm>> -> memref<1x1x1x8x8x128xf32, #tpu.memory_space<hbm>>
    %dma_start3A_851 = tpu.memref_squeeze %dma_start3A_850 : memref<1x1x1x8x8x128xf32, #tpu.memory_space<hbm>> -> memref<8x8x128xf32, #tpu.memory_space<hbm>>
    tpu.enqueue_dma source(%arg12 : memref<8x8x128xf32, #tpu.memory_space<vmem>>) target(%dma_start3A_851 : memref<8x8x128xf32, #tpu.memory_space<hbm>>) target_semaphore(%arg14 : memref<!tpu.dma_semaphore, #tpu.memory_space<semaphore_mem>>)
    %add3A_852 = arith.constant 1 : i32
    %add3A_853 = arith.addi %mul3A_2, %add3A_852 : i32
    %dma_start3A_854 = arith.constant 2 : i32
    %dma_start3A_855 = arith.constant 7 : i32
    %dma_start3A_856 = arith.constant 0 : i32
    %dma_start3A_857 = arith.constant 0 : i32
    %dma_start3A_858 = arith.constant 0 : i32
    %dma_start3A_859 = tpu.memref_slice %arg6[%add3A_853, %dma_start3A_854, %dma_start3A_855, %dma_start3A_856, %dma_start3A_857, %dma_start3A_858] : memref<64x4x8x8x8x128xf32, #tpu.memory_space<hbm>> -> memref<1x1x1x8x8x128xf32, #tpu.memory_space<hbm>>
    %dma_start3A_860 = tpu.memref_squeeze %dma_start3A_859 : memref<1x1x1x8x8x128xf32, #tpu.memory_space<hbm>> -> memref<8x8x128xf32, #tpu.memory_space<hbm>>
    %dma_start3A_861 = arith.constant 0 : i32
    %dma_start3A_862 = arith.constant 0 : i32
    %dma_start3A_863 = arith.constant 0 : i32
    %dma_start3A_864 = tpu.memref_slice %arg6[%add3A_853, %dma_start3A_854, %dma_start3A_855, %dma_start3A_861, %dma_start3A_862, %dma_start3A_863] : memref<64x4x8x8x8x128xf32, #tpu.memory_space<hbm>> -> memref<1x1x1x8x8x128xf32, #tpu.memory_space<hbm>>
    %dma_start3A_865 = tpu.memref_squeeze %dma_start3A_864 : memref<1x1x1x8x8x128xf32, #tpu.memory_space<hbm>> -> memref<8x8x128xf32, #tpu.memory_space<hbm>>
    tpu.enqueue_dma source(%arg12 : memref<8x8x128xf32, #tpu.memory_space<vmem>>) target(%dma_start3A_865 : memref<8x8x128xf32, #tpu.memory_space<hbm>>) target_semaphore(%arg14 : memref<!tpu.dma_semaphore, #tpu.memory_space<semaphore_mem>>)
    %add3A_866 = arith.constant 1 : i32
    %add3A_867 = arith.addi %mul3A_2, %add3A_866 : i32
    %dma_start3A_868 = arith.constant 3 : i32
    %dma_start3A_869 = arith.constant 0 : i32
    %dma_start3A_870 = arith.constant 0 : i32
    %dma_start3A_871 = arith.constant 0 : i32
    %dma_start3A_872 = arith.constant 0 : i32
    %dma_start3A_873 = tpu.memref_slice %arg6[%add3A_867, %dma_start3A_868, %dma_start3A_869, %dma_start3A_870, %dma_start3A_871, %dma_start3A_872] : memref<64x4x8x8x8x128xf32, #tpu.memory_space<hbm>> -> memref<1x1x1x8x8x128xf32, #tpu.memory_space<hbm>>
    %dma_start3A_874 = tpu.memref_squeeze %dma_start3A_873 : memref<1x1x1x8x8x128xf32, #tpu.memory_space<hbm>> -> memref<8x8x128xf32, #tpu.memory_space<hbm>>
    %dma_start3A_875 = arith.constant 0 : i32
    %dma_start3A_876 = arith.constant 0 : i32
    %dma_start3A_877 = arith.constant 0 : i32
    %dma_start3A_878 = tpu.memref_slice %arg6[%add3A_867, %dma_start3A_868, %dma_start3A_869, %dma_start3A_875, %dma_start3A_876, %dma_start3A_877] : memref<64x4x8x8x8x128xf32, #tpu.memory_space<hbm>> -> memref<1x1x1x8x8x128xf32, #tpu.memory_space<hbm>>
    %dma_start3A_879 = tpu.memref_squeeze %dma_start3A_878 : memref<1x1x1x8x8x128xf32, #tpu.memory_space<hbm>> -> memref<8x8x128xf32, #tpu.memory_space<hbm>>
    tpu.enqueue_dma source(%arg12 : memref<8x8x128xf32, #tpu.memory_space<vmem>>) target(%dma_start3A_879 : memref<8x8x128xf32, #tpu.memory_space<hbm>>) target_semaphore(%arg14 : memref<!tpu.dma_semaphore, #tpu.memory_space<semaphore_mem>>)
    %add3A_880 = arith.constant 1 : i32
    %add3A_881 = arith.addi %mul3A_2, %add3A_880 : i32
    %dma_start3A_882 = arith.constant 3 : i32
    %dma_start3A_883 = arith.constant 1 : i32
    %dma_start3A_884 = arith.constant 0 : i32
    %dma_start3A_885 = arith.constant 0 : i32
    %dma_start3A_886 = arith.constant 0 : i32
    %dma_start3A_887 = tpu.memref_slice %arg6[%add3A_881, %dma_start3A_882, %dma_start3A_883, %dma_start3A_884, %dma_start3A_885, %dma_start3A_886] : memref<64x4x8x8x8x128xf32, #tpu.memory_space<hbm>> -> memref<1x1x1x8x8x128xf32, #tpu.memory_space<hbm>>
    %dma_start3A_888 = tpu.memref_squeeze %dma_start3A_887 : memref<1x1x1x8x8x128xf32, #tpu.memory_space<hbm>> -> memref<8x8x128xf32, #tpu.memory_space<hbm>>
    %dma_start3A_889 = arith.constant 0 : i32
    %dma_start3A_890 = arith.constant 0 : i32
    %dma_start3A_891 = arith.constant 0 : i32
    %dma_start3A_892 = tpu.memref_slice %arg6[%add3A_881, %dma_start3A_882, %dma_start3A_883, %dma_start3A_889, %dma_start3A_890, %dma_start3A_891] : memref<64x4x8x8x8x128xf32, #tpu.memory_space<hbm>> -> memref<1x1x1x8x8x128xf32, #tpu.memory_space<hbm>>
    %dma_start3A_893 = tpu.memref_squeeze %dma_start3A_892 : memref<1x1x1x8x8x128xf32, #tpu.memory_space<hbm>> -> memref<8x8x128xf32, #tpu.memory_space<hbm>>
    tpu.enqueue_dma source(%arg12 : memref<8x8x128xf32, #tpu.memory_space<vmem>>) target(%dma_start3A_893 : memref<8x8x128xf32, #tpu.memory_space<hbm>>) target_semaphore(%arg14 : memref<!tpu.dma_semaphore, #tpu.memory_space<semaphore_mem>>)
    %add3A_894 = arith.constant 1 : i32
    %add3A_895 = arith.addi %mul3A_2, %add3A_894 : i32
    %dma_start3A_896 = arith.constant 3 : i32
    %dma_start3A_897 = arith.constant 2 : i32
    %dma_start3A_898 = arith.constant 0 : i32
    %dma_start3A_899 = arith.constant 0 : i32
    %dma_start3A_900 = arith.constant 0 : i32
    %dma_start3A_901 = tpu.memref_slice %arg6[%add3A_895, %dma_start3A_896, %dma_start3A_897, %dma_start3A_898, %dma_start3A_899, %dma_start3A_900] : memref<64x4x8x8x8x128xf32, #tpu.memory_space<hbm>> -> memref<1x1x1x8x8x128xf32, #tpu.memory_space<hbm>>
    %dma_start3A_902 = tpu.memref_squeeze %dma_start3A_901 : memref<1x1x1x8x8x128xf32, #tpu.memory_space<hbm>> -> memref<8x8x128xf32, #tpu.memory_space<hbm>>
    %dma_start3A_903 = arith.constant 0 : i32
    %dma_start3A_904 = arith.constant 0 : i32
    %dma_start3A_905 = arith.constant 0 : i32
    %dma_start3A_906 = tpu.memref_slice %arg6[%add3A_895, %dma_start3A_896, %dma_start3A_897, %dma_start3A_903, %dma_start3A_904, %dma_start3A_905] : memref<64x4x8x8x8x128xf32, #tpu.memory_space<hbm>> -> memref<1x1x1x8x8x128xf32, #tpu.memory_space<hbm>>
    %dma_start3A_907 = tpu.memref_squeeze %dma_start3A_906 : memref<1x1x1x8x8x128xf32, #tpu.memory_space<hbm>> -> memref<8x8x128xf32, #tpu.memory_space<hbm>>
    tpu.enqueue_dma source(%arg12 : memref<8x8x128xf32, #tpu.memory_space<vmem>>) target(%dma_start3A_907 : memref<8x8x128xf32, #tpu.memory_space<hbm>>) target_semaphore(%arg14 : memref<!tpu.dma_semaphore, #tpu.memory_space<semaphore_mem>>)
    %add3A_908 = arith.constant 1 : i32
    %add3A_909 = arith.addi %mul3A_2, %add3A_908 : i32
    %dma_start3A_910 = arith.constant 3 : i32
    %dma_start3A_911 = arith.constant 3 : i32
    %dma_start3A_912 = arith.constant 0 : i32
    %dma_start3A_913 = arith.constant 0 : i32
    %dma_start3A_914 = arith.constant 0 : i32
    %dma_start3A_915 = tpu.memref_slice %arg6[%add3A_909, %dma_start3A_910, %dma_start3A_911, %dma_start3A_912, %dma_start3A_913, %dma_start3A_914] : memref<64x4x8x8x8x128xf32, #tpu.memory_space<hbm>> -> memref<1x1x1x8x8x128xf32, #tpu.memory_space<hbm>>
    %dma_start3A_916 = tpu.memref_squeeze %dma_start3A_915 : memref<1x1x1x8x8x128xf32, #tpu.memory_space<hbm>> -> memref<8x8x128xf32, #tpu.memory_space<hbm>>
    %dma_start3A_917 = arith.constant 0 : i32
    %dma_start3A_918 = arith.constant 0 : i32
    %dma_start3A_919 = arith.constant 0 : i32
    %dma_start3A_920 = tpu.memref_slice %arg6[%add3A_909, %dma_start3A_910, %dma_start3A_911, %dma_start3A_917, %dma_start3A_918, %dma_start3A_919] : memref<64x4x8x8x8x128xf32, #tpu.memory_space<hbm>> -> memref<1x1x1x8x8x128xf32, #tpu.memory_space<hbm>>
    %dma_start3A_921 = tpu.memref_squeeze %dma_start3A_920 : memref<1x1x1x8x8x128xf32, #tpu.memory_space<hbm>> -> memref<8x8x128xf32, #tpu.memory_space<hbm>>
    tpu.enqueue_dma source(%arg12 : memref<8x8x128xf32, #tpu.memory_space<vmem>>) target(%dma_start3A_921 : memref<8x8x128xf32, #tpu.memory_space<hbm>>) target_semaphore(%arg14 : memref<!tpu.dma_semaphore, #tpu.memory_space<semaphore_mem>>)
    %add3A_922 = arith.constant 1 : i32
    %add3A_923 = arith.addi %mul3A_2, %add3A_922 : i32
    %dma_start3A_924 = arith.constant 3 : i32
    %dma_start3A_925 = arith.constant 4 : i32
    %dma_start3A_926 = arith.constant 0 : i32
    %dma_start3A_927 = arith.constant 0 : i32
    %dma_start3A_928 = arith.constant 0 : i32
    %dma_start3A_929 = tpu.memref_slice %arg6[%add3A_923, %dma_start3A_924, %dma_start3A_925, %dma_start3A_926, %dma_start3A_927, %dma_start3A_928] : memref<64x4x8x8x8x128xf32, #tpu.memory_space<hbm>> -> memref<1x1x1x8x8x128xf32, #tpu.memory_space<hbm>>
    %dma_start3A_930 = tpu.memref_squeeze %dma_start3A_929 : memref<1x1x1x8x8x128xf32, #tpu.memory_space<hbm>> -> memref<8x8x128xf32, #tpu.memory_space<hbm>>
    %dma_start3A_931 = arith.constant 0 : i32
    %dma_start3A_932 = arith.constant 0 : i32
    %dma_start3A_933 = arith.constant 0 : i32
    %dma_start3A_934 = tpu.memref_slice %arg6[%add3A_923, %dma_start3A_924, %dma_start3A_925, %dma_start3A_931, %dma_start3A_932, %dma_start3A_933] : memref<64x4x8x8x8x128xf32, #tpu.memory_space<hbm>> -> memref<1x1x1x8x8x128xf32, #tpu.memory_space<hbm>>
    %dma_start3A_935 = tpu.memref_squeeze %dma_start3A_934 : memref<1x1x1x8x8x128xf32, #tpu.memory_space<hbm>> -> memref<8x8x128xf32, #tpu.memory_space<hbm>>
    tpu.enqueue_dma source(%arg12 : memref<8x8x128xf32, #tpu.memory_space<vmem>>) target(%dma_start3A_935 : memref<8x8x128xf32, #tpu.memory_space<hbm>>) target_semaphore(%arg14 : memref<!tpu.dma_semaphore, #tpu.memory_space<semaphore_mem>>)
    %add3A_936 = arith.constant 1 : i32
    %add3A_937 = arith.addi %mul3A_2, %add3A_936 : i32
    %dma_start3A_938 = arith.constant 3 : i32
    %dma_start3A_939 = arith.constant 5 : i32
    %dma_start3A_940 = arith.constant 0 : i32
    %dma_start3A_941 = arith.constant 0 : i32
    %dma_start3A_942 = arith.constant 0 : i32
    %dma_start3A_943 = tpu.memref_slice %arg6[%add3A_937, %dma_start3A_938, %dma_start3A_939, %dma_start3A_940, %dma_start3A_941, %dma_start3A_942] : memref<64x4x8x8x8x128xf32, #tpu.memory_space<hbm>> -> memref<1x1x1x8x8x128xf32, #tpu.memory_space<hbm>>
    %dma_start3A_944 = tpu.memref_squeeze %dma_start3A_943 : memref<1x1x1x8x8x128xf32, #tpu.memory_space<hbm>> -> memref<8x8x128xf32, #tpu.memory_space<hbm>>
    %dma_start3A_945 = arith.constant 0 : i32
    %dma_start3A_946 = arith.constant 0 : i32
    %dma_start3A_947 = arith.constant 0 : i32
    %dma_start3A_948 = tpu.memref_slice %arg6[%add3A_937, %dma_start3A_938, %dma_start3A_939, %dma_start3A_945, %dma_start3A_946, %dma_start3A_947] : memref<64x4x8x8x8x128xf32, #tpu.memory_space<hbm>> -> memref<1x1x1x8x8x128xf32, #tpu.memory_space<hbm>>
    %dma_start3A_949 = tpu.memref_squeeze %dma_start3A_948 : memref<1x1x1x8x8x128xf32, #tpu.memory_space<hbm>> -> memref<8x8x128xf32, #tpu.memory_space<hbm>>
    tpu.enqueue_dma source(%arg12 : memref<8x8x128xf32, #tpu.memory_space<vmem>>) target(%dma_start3A_949 : memref<8x8x128xf32, #tpu.memory_space<hbm>>) target_semaphore(%arg14 : memref<!tpu.dma_semaphore, #tpu.memory_space<semaphore_mem>>)
    %add3A_950 = arith.constant 1 : i32
    %add3A_951 = arith.addi %mul3A_2, %add3A_950 : i32
    %dma_start3A_952 = arith.constant 3 : i32
    %dma_start3A_953 = arith.constant 6 : i32
    %dma_start3A_954 = arith.constant 0 : i32
    %dma_start3A_955 = arith.constant 0 : i32
    %dma_start3A_956 = arith.constant 0 : i32
    %dma_start3A_957 = tpu.memref_slice %arg6[%add3A_951, %dma_start3A_952, %dma_start3A_953, %dma_start3A_954, %dma_start3A_955, %dma_start3A_956] : memref<64x4x8x8x8x128xf32, #tpu.memory_space<hbm>> -> memref<1x1x1x8x8x128xf32, #tpu.memory_space<hbm>>
    %dma_start3A_958 = tpu.memref_squeeze %dma_start3A_957 : memref<1x1x1x8x8x128xf32, #tpu.memory_space<hbm>> -> memref<8x8x128xf32, #tpu.memory_space<hbm>>
    %dma_start3A_959 = arith.constant 0 : i32
    %dma_start3A_960 = arith.constant 0 : i32
    %dma_start3A_961 = arith.constant 0 : i32
    %dma_start3A_962 = tpu.memref_slice %arg6[%add3A_951, %dma_start3A_952, %dma_start3A_953, %dma_start3A_959, %dma_start3A_960, %dma_start3A_961] : memref<64x4x8x8x8x128xf32, #tpu.memory_space<hbm>> -> memref<1x1x1x8x8x128xf32, #tpu.memory_space<hbm>>
    %dma_start3A_963 = tpu.memref_squeeze %dma_start3A_962 : memref<1x1x1x8x8x128xf32, #tpu.memory_space<hbm>> -> memref<8x8x128xf32, #tpu.memory_space<hbm>>
    tpu.enqueue_dma source(%arg12 : memref<8x8x128xf32, #tpu.memory_space<vmem>>) target(%dma_start3A_963 : memref<8x8x128xf32, #tpu.memory_space<hbm>>) target_semaphore(%arg14 : memref<!tpu.dma_semaphore, #tpu.memory_space<semaphore_mem>>)
    %add3A_964 = arith.constant 1 : i32
    %add3A_965 = arith.addi %mul3A_2, %add3A_964 : i32
    %dma_start3A_966 = arith.constant 3 : i32
    %dma_start3A_967 = arith.constant 7 : i32
    %dma_start3A_968 = arith.constant 0 : i32
    %dma_start3A_969 = arith.constant 0 : i32
    %dma_start3A_970 = arith.constant 0 : i32
    %dma_start3A_971 = tpu.memref_slice %arg6[%add3A_965, %dma_start3A_966, %dma_start3A_967, %dma_start3A_968, %dma_start3A_969, %dma_start3A_970] : memref<64x4x8x8x8x128xf32, #tpu.memory_space<hbm>> -> memref<1x1x1x8x8x128xf32, #tpu.memory_space<hbm>>
    %dma_start3A_972 = tpu.memref_squeeze %dma_start3A_971 : memref<1x1x1x8x8x128xf32, #tpu.memory_space<hbm>> -> memref<8x8x128xf32, #tpu.memory_space<hbm>>
    %dma_start3A_973 = arith.constant 0 : i32
    %dma_start3A_974 = arith.constant 0 : i32
    %dma_start3A_975 = arith.constant 0 : i32
    %dma_start3A_976 = tpu.memref_slice %arg6[%add3A_965, %dma_start3A_966, %dma_start3A_967, %dma_start3A_973, %dma_start3A_974, %dma_start3A_975] : memref<64x4x8x8x8x128xf32, #tpu.memory_space<hbm>> -> memref<1x1x1x8x8x128xf32, #tpu.memory_space<hbm>>
    %dma_start3A_977 = tpu.memref_squeeze %dma_start3A_976 : memref<1x1x1x8x8x128xf32, #tpu.memory_space<hbm>> -> memref<8x8x128xf32, #tpu.memory_space<hbm>>
    tpu.enqueue_dma source(%arg12 : memref<8x8x128xf32, #tpu.memory_space<vmem>>) target(%dma_start3A_977 : memref<8x8x128xf32, #tpu.memory_space<hbm>>) target_semaphore(%arg14 : memref<!tpu.dma_semaphore, #tpu.memory_space<semaphore_mem>>)
    %add3A_978 = arith.constant 0 : i32
    %add3A_979 = arith.addi %mul3A_2, %add3A_978 : i32
    %dma_wait3A_980 = arith.constant 0 : i32
    %dma_wait3A_981 = arith.constant 0 : i32
    %dma_wait3A_982 = arith.constant 0 : i32
    %dma_wait3A_983 = arith.constant 0 : i32
    %dma_wait3A_984 = arith.constant 0 : i32
    %dma_wait3A_985 = tpu.memref_slice %arg6[%add3A_979, %dma_wait3A_980, %dma_wait3A_981, %dma_wait3A_982, %dma_wait3A_983, %dma_wait3A_984] : memref<64x4x8x8x8x128xf32, #tpu.memory_space<hbm>> -> memref<1x1x1x8x8x128xf32, #tpu.memory_space<hbm>>
    %dma_wait3A_986 = tpu.memref_squeeze %dma_wait3A_985 : memref<1x1x1x8x8x128xf32, #tpu.memory_space<hbm>> -> memref<8x8x128xf32, #tpu.memory_space<hbm>>
    %dma_wait3A_987 = arith.constant 0 : i32
    %dma_wait3A_988 = arith.constant 0 : i32
    %dma_wait3A_989 = arith.constant 0 : i32
    %dma_wait3A_990 = tpu.memref_slice %arg6[%add3A_979, %dma_wait3A_980, %dma_wait3A_981, %dma_wait3A_987, %dma_wait3A_988, %dma_wait3A_989] : memref<64x4x8x8x8x128xf32, #tpu.memory_space<hbm>> -> memref<1x1x1x8x8x128xf32, #tpu.memory_space<hbm>>
    %dma_wait3A_991 = tpu.memref_squeeze %dma_wait3A_990 : memref<1x1x1x8x8x128xf32, #tpu.memory_space<hbm>> -> memref<8x8x128xf32, #tpu.memory_space<hbm>>
    tpu.wait_dma2 semaphore(%arg13 : memref<!tpu.dma_semaphore, #tpu.memory_space<semaphore_mem>>) src(%arg11 : memref<8x8x128xf32, #tpu.memory_space<vmem>>) dst(%dma_wait3A_991 : memref<8x8x128xf32, #tpu.memory_space<hbm>>)
    %add3A_992 = arith.constant 0 : i32
    %add3A_993 = arith.addi %mul3A_2, %add3A_992 : i32
    %dma_wait3A_994 = arith.constant 0 : i32
    %dma_wait3A_995 = arith.constant 1 : i32
    %dma_wait3A_996 = arith.constant 0 : i32
    %dma_wait3A_997 = arith.constant 0 : i32
    %dma_wait3A_998 = arith.constant 0 : i32
    %dma_wait3A_999 = tpu.memref_slice %arg6[%add3A_993, %dma_wait3A_994, %dma_wait3A_995, %dma_wait3A_996, %dma_wait3A_997, %dma_wait3A_998] : memref<64x4x8x8x8x128xf32, #tpu.memory_space<hbm>> -> memref<1x1x1x8x8x128xf32, #tpu.memory_space<hbm>>
    %dma_wait3A_1000 = tpu.memref_squeeze %dma_wait3A_999 : memref<1x1x1x8x8x128xf32, #tpu.memory_space<hbm>> -> memref<8x8x128xf32, #tpu.memory_space<hbm>>
    %dma_wait3A_1001 = arith.constant 0 : i32
    %dma_wait3A_1002 = arith.constant 0 : i32
    %dma_wait3A_1003 = arith.constant 0 : i32
    %dma_wait3A_1004 = tpu.memref_slice %arg6[%add3A_993, %dma_wait3A_994, %dma_wait3A_995, %dma_wait3A_1001, %dma_wait3A_1002, %dma_wait3A_1003] : memref<64x4x8x8x8x128xf32, #tpu.memory_space<hbm>> -> memref<1x1x1x8x8x128xf32, #tpu.memory_space<hbm>>
    %dma_wait3A_1005 = tpu.memref_squeeze %dma_wait3A_1004 : memref<1x1x1x8x8x128xf32, #tpu.memory_space<hbm>> -> memref<8x8x128xf32, #tpu.memory_space<hbm>>
    tpu.wait_dma2 semaphore(%arg13 : memref<!tpu.dma_semaphore, #tpu.memory_space<semaphore_mem>>) src(%arg11 : memref<8x8x128xf32, #tpu.memory_space<vmem>>) dst(%dma_wait3A_1005 : memref<8x8x128xf32, #tpu.memory_space<hbm>>)
    %add3A_1006 = arith.constant 0 : i32
    %add3A_1007 = arith.addi %mul3A_2, %add3A_1006 : i32
    %dma_wait3A_1008 = arith.constant 0 : i32
    %dma_wait3A_1009 = arith.constant 2 : i32
    %dma_wait3A_1010 = arith.constant 0 : i32
    %dma_wait3A_1011 = arith.constant 0 : i32
    %dma_wait3A_1012 = arith.constant 0 : i32
    %dma_wait3A_1013 = tpu.memref_slice %arg6[%add3A_1007, %dma_wait3A_1008, %dma_wait3A_1009, %dma_wait3A_1010, %dma_wait3A_1011, %dma_wait3A_1012] : memref<64x4x8x8x8x128xf32, #tpu.memory_space<hbm>> -> memref<1x1x1x8x8x128xf32, #tpu.memory_space<hbm>>
    %dma_wait3A_1014 = tpu.memref_squeeze %dma_wait3A_1013 : memref<1x1x1x8x8x128xf32, #tpu.memory_space<hbm>> -> memref<8x8x128xf32, #tpu.memory_space<hbm>>
    %dma_wait3A_1015 = arith.constant 0 : i32
    %dma_wait3A_1016 = arith.constant 0 : i32
    %dma_wait3A_1017 = arith.constant 0 : i32
    %dma_wait3A_1018 = tpu.memref_slice %arg6[%add3A_1007, %dma_wait3A_1008, %dma_wait3A_1009, %dma_wait3A_1015, %dma_wait3A_1016, %dma_wait3A_1017] : memref<64x4x8x8x8x128xf32, #tpu.memory_space<hbm>> -> memref<1x1x1x8x8x128xf32, #tpu.memory_space<hbm>>
    %dma_wait3A_1019 = tpu.memref_squeeze %dma_wait3A_1018 : memref<1x1x1x8x8x128xf32, #tpu.memory_space<hbm>> -> memref<8x8x128xf32, #tpu.memory_space<hbm>>
    tpu.wait_dma2 semaphore(%arg13 : memref<!tpu.dma_semaphore, #tpu.memory_space<semaphore_mem>>) src(%arg11 : memref<8x8x128xf32, #tpu.memory_space<vmem>>) dst(%dma_wait3A_1019 : memref<8x8x128xf32, #tpu.memory_space<hbm>>)
    %add3A_1020 = arith.constant 0 : i32
    %add3A_1021 = arith.addi %mul3A_2, %add3A_1020 : i32
    %dma_wait3A_1022 = arith.constant 0 : i32
    %dma_wait3A_1023 = arith.constant 3 : i32
    %dma_wait3A_1024 = arith.constant 0 : i32
    %dma_wait3A_1025 = arith.constant 0 : i32
    %dma_wait3A_1026 = arith.constant 0 : i32
    %dma_wait3A_1027 = tpu.memref_slice %arg6[%add3A_1021, %dma_wait3A_1022, %dma_wait3A_1023, %dma_wait3A_1024, %dma_wait3A_1025, %dma_wait3A_1026] : memref<64x4x8x8x8x128xf32, #tpu.memory_space<hbm>> -> memref<1x1x1x8x8x128xf32, #tpu.memory_space<hbm>>
    %dma_wait3A_1028 = tpu.memref_squeeze %dma_wait3A_1027 : memref<1x1x1x8x8x128xf32, #tpu.memory_space<hbm>> -> memref<8x8x128xf32, #tpu.memory_space<hbm>>
    %dma_wait3A_1029 = arith.constant 0 : i32
    %dma_wait3A_1030 = arith.constant 0 : i32
    %dma_wait3A_1031 = arith.constant 0 : i32
    %dma_wait3A_1032 = tpu.memref_slice %arg6[%add3A_1021, %dma_wait3A_1022, %dma_wait3A_1023, %dma_wait3A_1029, %dma_wait3A_1030, %dma_wait3A_1031] : memref<64x4x8x8x8x128xf32, #tpu.memory_space<hbm>> -> memref<1x1x1x8x8x128xf32, #tpu.memory_space<hbm>>
    %dma_wait3A_1033 = tpu.memref_squeeze %dma_wait3A_1032 : memref<1x1x1x8x8x128xf32, #tpu.memory_space<hbm>> -> memref<8x8x128xf32, #tpu.memory_space<hbm>>
    tpu.wait_dma2 semaphore(%arg13 : memref<!tpu.dma_semaphore, #tpu.memory_space<semaphore_mem>>) src(%arg11 : memref<8x8x128xf32, #tpu.memory_space<vmem>>) dst(%dma_wait3A_1033 : memref<8x8x128xf32, #tpu.memory_space<hbm>>)
    %add3A_1034 = arith.constant 0 : i32
    %add3A_1035 = arith.addi %mul3A_2, %add3A_1034 : i32
    %dma_wait3A_1036 = arith.constant 0 : i32
    %dma_wait3A_1037 = arith.constant 4 : i32
    %dma_wait3A_1038 = arith.constant 0 : i32
    %dma_wait3A_1039 = arith.constant 0 : i32
    %dma_wait3A_1040 = arith.constant 0 : i32
    %dma_wait3A_1041 = tpu.memref_slice %arg6[%add3A_1035, %dma_wait3A_1036, %dma_wait3A_1037, %dma_wait3A_1038, %dma_wait3A_1039, %dma_wait3A_1040] : memref<64x4x8x8x8x128xf32, #tpu.memory_space<hbm>> -> memref<1x1x1x8x8x128xf32, #tpu.memory_space<hbm>>
    %dma_wait3A_1042 = tpu.memref_squeeze %dma_wait3A_1041 : memref<1x1x1x8x8x128xf32, #tpu.memory_space<hbm>> -> memref<8x8x128xf32, #tpu.memory_space<hbm>>
    %dma_wait3A_1043 = arith.constant 0 : i32
    %dma_wait3A_1044 = arith.constant 0 : i32
    %dma_wait3A_1045 = arith.constant 0 : i32
    %dma_wait3A_1046 = tpu.memref_slice %arg6[%add3A_1035, %dma_wait3A_1036, %dma_wait3A_1037, %dma_wait3A_1043, %dma_wait3A_1044, %dma_wait3A_1045] : memref<64x4x8x8x8x128xf32, #tpu.memory_space<hbm>> -> memref<1x1x1x8x8x128xf32, #tpu.memory_space<hbm>>
    %dma_wait3A_1047 = tpu.memref_squeeze %dma_wait3A_1046 : memref<1x1x1x8x8x128xf32, #tpu.memory_space<hbm>> -> memref<8x8x128xf32, #tpu.memory_space<hbm>>
    tpu.wait_dma2 semaphore(%arg13 : memref<!tpu.dma_semaphore, #tpu.memory_space<semaphore_mem>>) src(%arg11 : memref<8x8x128xf32, #tpu.memory_space<vmem>>) dst(%dma_wait3A_1047 : memref<8x8x128xf32, #tpu.memory_space<hbm>>)
    %add3A_1048 = arith.constant 0 : i32
    %add3A_1049 = arith.addi %mul3A_2, %add3A_1048 : i32
    %dma_wait3A_1050 = arith.constant 0 : i32
    %dma_wait3A_1051 = arith.constant 5 : i32
    %dma_wait3A_1052 = arith.constant 0 : i32
    %dma_wait3A_1053 = arith.constant 0 : i32
    %dma_wait3A_1054 = arith.constant 0 : i32
    %dma_wait3A_1055 = tpu.memref_slice %arg6[%add3A_1049, %dma_wait3A_1050, %dma_wait3A_1051, %dma_wait3A_1052, %dma_wait3A_1053, %dma_wait3A_1054] : memref<64x4x8x8x8x128xf32, #tpu.memory_space<hbm>> -> memref<1x1x1x8x8x128xf32, #tpu.memory_space<hbm>>
    %dma_wait3A_1056 = tpu.memref_squeeze %dma_wait3A_1055 : memref<1x1x1x8x8x128xf32, #tpu.memory_space<hbm>> -> memref<8x8x128xf32, #tpu.memory_space<hbm>>
    %dma_wait3A_1057 = arith.constant 0 : i32
    %dma_wait3A_1058 = arith.constant 0 : i32
    %dma_wait3A_1059 = arith.constant 0 : i32
    %dma_wait3A_1060 = tpu.memref_slice %arg6[%add3A_1049, %dma_wait3A_1050, %dma_wait3A_1051, %dma_wait3A_1057, %dma_wait3A_1058, %dma_wait3A_1059] : memref<64x4x8x8x8x128xf32, #tpu.memory_space<hbm>> -> memref<1x1x1x8x8x128xf32, #tpu.memory_space<hbm>>
    %dma_wait3A_1061 = tpu.memref_squeeze %dma_wait3A_1060 : memref<1x1x1x8x8x128xf32, #tpu.memory_space<hbm>> -> memref<8x8x128xf32, #tpu.memory_space<hbm>>
    tpu.wait_dma2 semaphore(%arg13 : memref<!tpu.dma_semaphore, #tpu.memory_space<semaphore_mem>>) src(%arg11 : memref<8x8x128xf32, #tpu.memory_space<vmem>>) dst(%dma_wait3A_1061 : memref<8x8x128xf32, #tpu.memory_space<hbm>>)
    %add3A_1062 = arith.constant 0 : i32
    %add3A_1063 = arith.addi %mul3A_2, %add3A_1062 : i32
    %dma_wait3A_1064 = arith.constant 0 : i32
    %dma_wait3A_1065 = arith.constant 6 : i32
    %dma_wait3A_1066 = arith.constant 0 : i32
    %dma_wait3A_1067 = arith.constant 0 : i32
    %dma_wait3A_1068 = arith.constant 0 : i32
    %dma_wait3A_1069 = tpu.memref_slice %arg6[%add3A_1063, %dma_wait3A_1064, %dma_wait3A_1065, %dma_wait3A_1066, %dma_wait3A_1067, %dma_wait3A_1068] : memref<64x4x8x8x8x128xf32, #tpu.memory_space<hbm>> -> memref<1x1x1x8x8x128xf32, #tpu.memory_space<hbm>>
    %dma_wait3A_1070 = tpu.memref_squeeze %dma_wait3A_1069 : memref<1x1x1x8x8x128xf32, #tpu.memory_space<hbm>> -> memref<8x8x128xf32, #tpu.memory_space<hbm>>
    %dma_wait3A_1071 = arith.constant 0 : i32
    %dma_wait3A_1072 = arith.constant 0 : i32
    %dma_wait3A_1073 = arith.constant 0 : i32
    %dma_wait3A_1074 = tpu.memref_slice %arg6[%add3A_1063, %dma_wait3A_1064, %dma_wait3A_1065, %dma_wait3A_1071, %dma_wait3A_1072, %dma_wait3A_1073] : memref<64x4x8x8x8x128xf32, #tpu.memory_space<hbm>> -> memref<1x1x1x8x8x128xf32, #tpu.memory_space<hbm>>
    %dma_wait3A_1075 = tpu.memref_squeeze %dma_wait3A_1074 : memref<1x1x1x8x8x128xf32, #tpu.memory_space<hbm>> -> memref<8x8x128xf32, #tpu.memory_space<hbm>>
    tpu.wait_dma2 semaphore(%arg13 : memref<!tpu.dma_semaphore, #tpu.memory_space<semaphore_mem>>) src(%arg11 : memref<8x8x128xf32, #tpu.memory_space<vmem>>) dst(%dma_wait3A_1075 : memref<8x8x128xf32, #tpu.memory_space<hbm>>)
    %add3A_1076 = arith.constant 0 : i32
    %add3A_1077 = arith.addi %mul3A_2, %add3A_1076 : i32
    %dma_wait3A_1078 = arith.constant 0 : i32
    %dma_wait3A_1079 = arith.constant 7 : i32
    %dma_wait3A_1080 = arith.constant 0 : i32
    %dma_wait3A_1081 = arith.constant 0 : i32
    %dma_wait3A_1082 = arith.constant 0 : i32
    %dma_wait3A_1083 = tpu.memref_slice %arg6[%add3A_1077, %dma_wait3A_1078, %dma_wait3A_1079, %dma_wait3A_1080, %dma_wait3A_1081, %dma_wait3A_1082] : memref<64x4x8x8x8x128xf32, #tpu.memory_space<hbm>> -> memref<1x1x1x8x8x128xf32, #tpu.memory_space<hbm>>
    %dma_wait3A_1084 = tpu.memref_squeeze %dma_wait3A_1083 : memref<1x1x1x8x8x128xf32, #tpu.memory_space<hbm>> -> memref<8x8x128xf32, #tpu.memory_space<hbm>>
    %dma_wait3A_1085 = arith.constant 0 : i32
    %dma_wait3A_1086 = arith.constant 0 : i32
    %dma_wait3A_1087 = arith.constant 0 : i32
    %dma_wait3A_1088 = tpu.memref_slice %arg6[%add3A_1077, %dma_wait3A_1078, %dma_wait3A_1079, %dma_wait3A_1085, %dma_wait3A_1086, %dma_wait3A_1087] : memref<64x4x8x8x8x128xf32, #tpu.memory_space<hbm>> -> memref<1x1x1x8x8x128xf32, #tpu.memory_space<hbm>>
    %dma_wait3A_1089 = tpu.memref_squeeze %dma_wait3A_1088 : memref<1x1x1x8x8x128xf32, #tpu.memory_space<hbm>> -> memref<8x8x128xf32, #tpu.memory_space<hbm>>
    tpu.wait_dma2 semaphore(%arg13 : memref<!tpu.dma_semaphore, #tpu.memory_space<semaphore_mem>>) src(%arg11 : memref<8x8x128xf32, #tpu.memory_space<vmem>>) dst(%dma_wait3A_1089 : memref<8x8x128xf32, #tpu.memory_space<hbm>>)
    %add3A_1090 = arith.constant 0 : i32
    %add3A_1091 = arith.addi %mul3A_2, %add3A_1090 : i32
    %dma_wait3A_1092 = arith.constant 1 : i32
    %dma_wait3A_1093 = arith.constant 0 : i32
    %dma_wait3A_1094 = arith.constant 0 : i32
    %dma_wait3A_1095 = arith.constant 0 : i32
    %dma_wait3A_1096 = arith.constant 0 : i32
    %dma_wait3A_1097 = tpu.memref_slice %arg6[%add3A_1091, %dma_wait3A_1092, %dma_wait3A_1093, %dma_wait3A_1094, %dma_wait3A_1095, %dma_wait3A_1096] : memref<64x4x8x8x8x128xf32, #tpu.memory_space<hbm>> -> memref<1x1x1x8x8x128xf32, #tpu.memory_space<hbm>>
    %dma_wait3A_1098 = tpu.memref_squeeze %dma_wait3A_1097 : memref<1x1x1x8x8x128xf32, #tpu.memory_space<hbm>> -> memref<8x8x128xf32, #tpu.memory_space<hbm>>
    %dma_wait3A_1099 = arith.constant 0 : i32
    %dma_wait3A_1100 = arith.constant 0 : i32
    %dma_wait3A_1101 = arith.constant 0 : i32
    %dma_wait3A_1102 = tpu.memref_slice %arg6[%add3A_1091, %dma_wait3A_1092, %dma_wait3A_1093, %dma_wait3A_1099, %dma_wait3A_1100, %dma_wait3A_1101] : memref<64x4x8x8x8x128xf32, #tpu.memory_space<hbm>> -> memref<1x1x1x8x8x128xf32, #tpu.memory_space<hbm>>
    %dma_wait3A_1103 = tpu.memref_squeeze %dma_wait3A_1102 : memref<1x1x1x8x8x128xf32, #tpu.memory_space<hbm>> -> memref<8x8x128xf32, #tpu.memory_space<hbm>>
    tpu.wait_dma2 semaphore(%arg13 : memref<!tpu.dma_semaphore, #tpu.memory_space<semaphore_mem>>) src(%arg11 : memref<8x8x128xf32, #tpu.memory_space<vmem>>) dst(%dma_wait3A_1103 : memref<8x8x128xf32, #tpu.memory_space<hbm>>)
    %add3A_1104 = arith.constant 0 : i32
    %add3A_1105 = arith.addi %mul3A_2, %add3A_1104 : i32
    %dma_wait3A_1106 = arith.constant 1 : i32
    %dma_wait3A_1107 = arith.constant 1 : i32
    %dma_wait3A_1108 = arith.constant 0 : i32
    %dma_wait3A_1109 = arith.constant 0 : i32
    %dma_wait3A_1110 = arith.constant 0 : i32
    %dma_wait3A_1111 = tpu.memref_slice %arg6[%add3A_1105, %dma_wait3A_1106, %dma_wait3A_1107, %dma_wait3A_1108, %dma_wait3A_1109, %dma_wait3A_1110] : memref<64x4x8x8x8x128xf32, #tpu.memory_space<hbm>> -> memref<1x1x1x8x8x128xf32, #tpu.memory_space<hbm>>
    %dma_wait3A_1112 = tpu.memref_squeeze %dma_wait3A_1111 : memref<1x1x1x8x8x128xf32, #tpu.memory_space<hbm>> -> memref<8x8x128xf32, #tpu.memory_space<hbm>>
    %dma_wait3A_1113 = arith.constant 0 : i32
    %dma_wait3A_1114 = arith.constant 0 : i32
    %dma_wait3A_1115 = arith.constant 0 : i32
    %dma_wait3A_1116 = tpu.memref_slice %arg6[%add3A_1105, %dma_wait3A_1106, %dma_wait3A_1107, %dma_wait3A_1113, %dma_wait3A_1114, %dma_wait3A_1115] : memref<64x4x8x8x8x128xf32, #tpu.memory_space<hbm>> -> memref<1x1x1x8x8x128xf32, #tpu.memory_space<hbm>>
    %dma_wait3A_1117 = tpu.memref_squeeze %dma_wait3A_1116 : memref<1x1x1x8x8x128xf32, #tpu.memory_space<hbm>> -> memref<8x8x128xf32, #tpu.memory_space<hbm>>
    tpu.wait_dma2 semaphore(%arg13 : memref<!tpu.dma_semaphore, #tpu.memory_space<semaphore_mem>>) src(%arg11 : memref<8x8x128xf32, #tpu.memory_space<vmem>>) dst(%dma_wait3A_1117 : memref<8x8x128xf32, #tpu.memory_space<hbm>>)
    %add3A_1118 = arith.constant 0 : i32
    %add3A_1119 = arith.addi %mul3A_2, %add3A_1118 : i32
    %dma_wait3A_1120 = arith.constant 1 : i32
    %dma_wait3A_1121 = arith.constant 2 : i32
    %dma_wait3A_1122 = arith.constant 0 : i32
    %dma_wait3A_1123 = arith.constant 0 : i32
    %dma_wait3A_1124 = arith.constant 0 : i32
    %dma_wait3A_1125 = tpu.memref_slice %arg6[%add3A_1119, %dma_wait3A_1120, %dma_wait3A_1121, %dma_wait3A_1122, %dma_wait3A_1123, %dma_wait3A_1124] : memref<64x4x8x8x8x128xf32, #tpu.memory_space<hbm>> -> memref<1x1x1x8x8x128xf32, #tpu.memory_space<hbm>>
    %dma_wait3A_1126 = tpu.memref_squeeze %dma_wait3A_1125 : memref<1x1x1x8x8x128xf32, #tpu.memory_space<hbm>> -> memref<8x8x128xf32, #tpu.memory_space<hbm>>
    %dma_wait3A_1127 = arith.constant 0 : i32
    %dma_wait3A_1128 = arith.constant 0 : i32
    %dma_wait3A_1129 = arith.constant 0 : i32
    %dma_wait3A_1130 = tpu.memref_slice %arg6[%add3A_1119, %dma_wait3A_1120, %dma_wait3A_1121, %dma_wait3A_1127, %dma_wait3A_1128, %dma_wait3A_1129] : memref<64x4x8x8x8x128xf32, #tpu.memory_space<hbm>> -> memref<1x1x1x8x8x128xf32, #tpu.memory_space<hbm>>
    %dma_wait3A_1131 = tpu.memref_squeeze %dma_wait3A_1130 : memref<1x1x1x8x8x128xf32, #tpu.memory_space<hbm>> -> memref<8x8x128xf32, #tpu.memory_space<hbm>>
    tpu.wait_dma2 semaphore(%arg13 : memref<!tpu.dma_semaphore, #tpu.memory_space<semaphore_mem>>) src(%arg11 : memref<8x8x128xf32, #tpu.memory_space<vmem>>) dst(%dma_wait3A_1131 : memref<8x8x128xf32, #tpu.memory_space<hbm>>)
    %add3A_1132 = arith.constant 0 : i32
    %add3A_1133 = arith.addi %mul3A_2, %add3A_1132 : i32
    %dma_wait3A_1134 = arith.constant 1 : i32
    %dma_wait3A_1135 = arith.constant 3 : i32
    %dma_wait3A_1136 = arith.constant 0 : i32
    %dma_wait3A_1137 = arith.constant 0 : i32
    %dma_wait3A_1138 = arith.constant 0 : i32
    %dma_wait3A_1139 = tpu.memref_slice %arg6[%add3A_1133, %dma_wait3A_1134, %dma_wait3A_1135, %dma_wait3A_1136, %dma_wait3A_1137, %dma_wait3A_1138] : memref<64x4x8x8x8x128xf32, #tpu.memory_space<hbm>> -> memref<1x1x1x8x8x128xf32, #tpu.memory_space<hbm>>
    %dma_wait3A_1140 = tpu.memref_squeeze %dma_wait3A_1139 : memref<1x1x1x8x8x128xf32, #tpu.memory_space<hbm>> -> memref<8x8x128xf32, #tpu.memory_space<hbm>>
    %dma_wait3A_1141 = arith.constant 0 : i32
    %dma_wait3A_1142 = arith.constant 0 : i32
    %dma_wait3A_1143 = arith.constant 0 : i32
    %dma_wait3A_1144 = tpu.memref_slice %arg6[%add3A_1133, %dma_wait3A_1134, %dma_wait3A_1135, %dma_wait3A_1141, %dma_wait3A_1142, %dma_wait3A_1143] : memref<64x4x8x8x8x128xf32, #tpu.memory_space<hbm>> -> memref<1x1x1x8x8x128xf32, #tpu.memory_space<hbm>>
    %dma_wait3A_1145 = tpu.memref_squeeze %dma_wait3A_1144 : memref<1x1x1x8x8x128xf32, #tpu.memory_space<hbm>> -> memref<8x8x128xf32, #tpu.memory_space<hbm>>
    tpu.wait_dma2 semaphore(%arg13 : memref<!tpu.dma_semaphore, #tpu.memory_space<semaphore_mem>>) src(%arg11 : memref<8x8x128xf32, #tpu.memory_space<vmem>>) dst(%dma_wait3A_1145 : memref<8x8x128xf32, #tpu.memory_space<hbm>>)
    %add3A_1146 = arith.constant 0 : i32
    %add3A_1147 = arith.addi %mul3A_2, %add3A_1146 : i32
    %dma_wait3A_1148 = arith.constant 1 : i32
    %dma_wait3A_1149 = arith.constant 4 : i32
    %dma_wait3A_1150 = arith.constant 0 : i32
    %dma_wait3A_1151 = arith.constant 0 : i32
    %dma_wait3A_1152 = arith.constant 0 : i32
    %dma_wait3A_1153 = tpu.memref_slice %arg6[%add3A_1147, %dma_wait3A_1148, %dma_wait3A_1149, %dma_wait3A_1150, %dma_wait3A_1151, %dma_wait3A_1152] : memref<64x4x8x8x8x128xf32, #tpu.memory_space<hbm>> -> memref<1x1x1x8x8x128xf32, #tpu.memory_space<hbm>>
    %dma_wait3A_1154 = tpu.memref_squeeze %dma_wait3A_1153 : memref<1x1x1x8x8x128xf32, #tpu.memory_space<hbm>> -> memref<8x8x128xf32, #tpu.memory_space<hbm>>
    %dma_wait3A_1155 = arith.constant 0 : i32
    %dma_wait3A_1156 = arith.constant 0 : i32
    %dma_wait3A_1157 = arith.constant 0 : i32
    %dma_wait3A_1158 = tpu.memref_slice %arg6[%add3A_1147, %dma_wait3A_1148, %dma_wait3A_1149, %dma_wait3A_1155, %dma_wait3A_1156, %dma_wait3A_1157] : memref<64x4x8x8x8x128xf32, #tpu.memory_space<hbm>> -> memref<1x1x1x8x8x128xf32, #tpu.memory_space<hbm>>
    %dma_wait3A_1159 = tpu.memref_squeeze %dma_wait3A_1158 : memref<1x1x1x8x8x128xf32, #tpu.memory_space<hbm>> -> memref<8x8x128xf32, #tpu.memory_space<hbm>>
    tpu.wait_dma2 semaphore(%arg13 : memref<!tpu.dma_semaphore, #tpu.memory_space<semaphore_mem>>) src(%arg11 : memref<8x8x128xf32, #tpu.memory_space<vmem>>) dst(%dma_wait3A_1159 : memref<8x8x128xf32, #tpu.memory_space<hbm>>)
    %add3A_1160 = arith.constant 0 : i32
    %add3A_1161 = arith.addi %mul3A_2, %add3A_1160 : i32
    %dma_wait3A_1162 = arith.constant 1 : i32
    %dma_wait3A_1163 = arith.constant 5 : i32
    %dma_wait3A_1164 = arith.constant 0 : i32
    %dma_wait3A_1165 = arith.constant 0 : i32
    %dma_wait3A_1166 = arith.constant 0 : i32
    %dma_wait3A_1167 = tpu.memref_slice %arg6[%add3A_1161, %dma_wait3A_1162, %dma_wait3A_1163, %dma_wait3A_1164, %dma_wait3A_1165, %dma_wait3A_1166] : memref<64x4x8x8x8x128xf32, #tpu.memory_space<hbm>> -> memref<1x1x1x8x8x128xf32, #tpu.memory_space<hbm>>
    %dma_wait3A_1168 = tpu.memref_squeeze %dma_wait3A_1167 : memref<1x1x1x8x8x128xf32, #tpu.memory_space<hbm>> -> memref<8x8x128xf32, #tpu.memory_space<hbm>>
    %dma_wait3A_1169 = arith.constant 0 : i32
    %dma_wait3A_1170 = arith.constant 0 : i32
    %dma_wait3A_1171 = arith.constant 0 : i32
    %dma_wait3A_1172 = tpu.memref_slice %arg6[%add3A_1161, %dma_wait3A_1162, %dma_wait3A_1163, %dma_wait3A_1169, %dma_wait3A_1170, %dma_wait3A_1171] : memref<64x4x8x8x8x128xf32, #tpu.memory_space<hbm>> -> memref<1x1x1x8x8x128xf32, #tpu.memory_space<hbm>>
    %dma_wait3A_1173 = tpu.memref_squeeze %dma_wait3A_1172 : memref<1x1x1x8x8x128xf32, #tpu.memory_space<hbm>> -> memref<8x8x128xf32, #tpu.memory_space<hbm>>
    tpu.wait_dma2 semaphore(%arg13 : memref<!tpu.dma_semaphore, #tpu.memory_space<semaphore_mem>>) src(%arg11 : memref<8x8x128xf32, #tpu.memory_space<vmem>>) dst(%dma_wait3A_1173 : memref<8x8x128xf32, #tpu.memory_space<hbm>>)
    %add3A_1174 = arith.constant 0 : i32
    %add3A_1175 = arith.addi %mul3A_2, %add3A_1174 : i32
    %dma_wait3A_1176 = arith.constant 1 : i32
    %dma_wait3A_1177 = arith.constant 6 : i32
    %dma_wait3A_1178 = arith.constant 0 : i32
    %dma_wait3A_1179 = arith.constant 0 : i32
    %dma_wait3A_1180 = arith.constant 0 : i32
    %dma_wait3A_1181 = tpu.memref_slice %arg6[%add3A_1175, %dma_wait3A_1176, %dma_wait3A_1177, %dma_wait3A_1178, %dma_wait3A_1179, %dma_wait3A_1180] : memref<64x4x8x8x8x128xf32, #tpu.memory_space<hbm>> -> memref<1x1x1x8x8x128xf32, #tpu.memory_space<hbm>>
    %dma_wait3A_1182 = tpu.memref_squeeze %dma_wait3A_1181 : memref<1x1x1x8x8x128xf32, #tpu.memory_space<hbm>> -> memref<8x8x128xf32, #tpu.memory_space<hbm>>
    %dma_wait3A_1183 = arith.constant 0 : i32
    %dma_wait3A_1184 = arith.constant 0 : i32
    %dma_wait3A_1185 = arith.constant 0 : i32
    %dma_wait3A_1186 = tpu.memref_slice %arg6[%add3A_1175, %dma_wait3A_1176, %dma_wait3A_1177, %dma_wait3A_1183, %dma_wait3A_1184, %dma_wait3A_1185] : memref<64x4x8x8x8x128xf32, #tpu.memory_space<hbm>> -> memref<1x1x1x8x8x128xf32, #tpu.memory_space<hbm>>
    %dma_wait3A_1187 = tpu.memref_squeeze %dma_wait3A_1186 : memref<1x1x1x8x8x128xf32, #tpu.memory_space<hbm>> -> memref<8x8x128xf32, #tpu.memory_space<hbm>>
    tpu.wait_dma2 semaphore(%arg13 : memref<!tpu.dma_semaphore, #tpu.memory_space<semaphore_mem>>) src(%arg11 : memref<8x8x128xf32, #tpu.memory_space<vmem>>) dst(%dma_wait3A_1187 : memref<8x8x128xf32, #tpu.memory_space<hbm>>)
    %add3A_1188 = arith.constant 0 : i32
    %add3A_1189 = arith.addi %mul3A_2, %add3A_1188 : i32
    %dma_wait3A_1190 = arith.constant 1 : i32
    %dma_wait3A_1191 = arith.constant 7 : i32
    %dma_wait3A_1192 = arith.constant 0 : i32
    %dma_wait3A_1193 = arith.constant 0 : i32
    %dma_wait3A_1194 = arith.constant 0 : i32
    %dma_wait3A_1195 = tpu.memref_slice %arg6[%add3A_1189, %dma_wait3A_1190, %dma_wait3A_1191, %dma_wait3A_1192, %dma_wait3A_1193, %dma_wait3A_1194] : memref<64x4x8x8x8x128xf32, #tpu.memory_space<hbm>> -> memref<1x1x1x8x8x128xf32, #tpu.memory_space<hbm>>
    %dma_wait3A_1196 = tpu.memref_squeeze %dma_wait3A_1195 : memref<1x1x1x8x8x128xf32, #tpu.memory_space<hbm>> -> memref<8x8x128xf32, #tpu.memory_space<hbm>>
    %dma_wait3A_1197 = arith.constant 0 : i32
    %dma_wait3A_1198 = arith.constant 0 : i32
    %dma_wait3A_1199 = arith.constant 0 : i32
    %dma_wait3A_1200 = tpu.memref_slice %arg6[%add3A_1189, %dma_wait3A_1190, %dma_wait3A_1191, %dma_wait3A_1197, %dma_wait3A_1198, %dma_wait3A_1199] : memref<64x4x8x8x8x128xf32, #tpu.memory_space<hbm>> -> memref<1x1x1x8x8x128xf32, #tpu.memory_space<hbm>>
    %dma_wait3A_1201 = tpu.memref_squeeze %dma_wait3A_1200 : memref<1x1x1x8x8x128xf32, #tpu.memory_space<hbm>> -> memref<8x8x128xf32, #tpu.memory_space<hbm>>
    tpu.wait_dma2 semaphore(%arg13 : memref<!tpu.dma_semaphore, #tpu.memory_space<semaphore_mem>>) src(%arg11 : memref<8x8x128xf32, #tpu.memory_space<vmem>>) dst(%dma_wait3A_1201 : memref<8x8x128xf32, #tpu.memory_space<hbm>>)
    %add3A_1202 = arith.constant 0 : i32
    %add3A_1203 = arith.addi %mul3A_2, %add3A_1202 : i32
    %dma_wait3A_1204 = arith.constant 2 : i32
    %dma_wait3A_1205 = arith.constant 0 : i32
    %dma_wait3A_1206 = arith.constant 0 : i32
    %dma_wait3A_1207 = arith.constant 0 : i32
    %dma_wait3A_1208 = arith.constant 0 : i32
    %dma_wait3A_1209 = tpu.memref_slice %arg6[%add3A_1203, %dma_wait3A_1204, %dma_wait3A_1205, %dma_wait3A_1206, %dma_wait3A_1207, %dma_wait3A_1208] : memref<64x4x8x8x8x128xf32, #tpu.memory_space<hbm>> -> memref<1x1x1x8x8x128xf32, #tpu.memory_space<hbm>>
    %dma_wait3A_1210 = tpu.memref_squeeze %dma_wait3A_1209 : memref<1x1x1x8x8x128xf32, #tpu.memory_space<hbm>> -> memref<8x8x128xf32, #tpu.memory_space<hbm>>
    %dma_wait3A_1211 = arith.constant 0 : i32
    %dma_wait3A_1212 = arith.constant 0 : i32
    %dma_wait3A_1213 = arith.constant 0 : i32
    %dma_wait3A_1214 = tpu.memref_slice %arg6[%add3A_1203, %dma_wait3A_1204, %dma_wait3A_1205, %dma_wait3A_1211, %dma_wait3A_1212, %dma_wait3A_1213] : memref<64x4x8x8x8x128xf32, #tpu.memory_space<hbm>> -> memref<1x1x1x8x8x128xf32, #tpu.memory_space<hbm>>
    %dma_wait3A_1215 = tpu.memref_squeeze %dma_wait3A_1214 : memref<1x1x1x8x8x128xf32, #tpu.memory_space<hbm>> -> memref<8x8x128xf32, #tpu.memory_space<hbm>>
    tpu.wait_dma2 semaphore(%arg13 : memref<!tpu.dma_semaphore, #tpu.memory_space<semaphore_mem>>) src(%arg11 : memref<8x8x128xf32, #tpu.memory_space<vmem>>) dst(%dma_wait3A_1215 : memref<8x8x128xf32, #tpu.memory_space<hbm>>)
    %add3A_1216 = arith.constant 0 : i32
    %add3A_1217 = arith.addi %mul3A_2, %add3A_1216 : i32
    %dma_wait3A_1218 = arith.constant 2 : i32
    %dma_wait3A_1219 = arith.constant 1 : i32
    %dma_wait3A_1220 = arith.constant 0 : i32
    %dma_wait3A_1221 = arith.constant 0 : i32
    %dma_wait3A_1222 = arith.constant 0 : i32
    %dma_wait3A_1223 = tpu.memref_slice %arg6[%add3A_1217, %dma_wait3A_1218, %dma_wait3A_1219, %dma_wait3A_1220, %dma_wait3A_1221, %dma_wait3A_1222] : memref<64x4x8x8x8x128xf32, #tpu.memory_space<hbm>> -> memref<1x1x1x8x8x128xf32, #tpu.memory_space<hbm>>
    %dma_wait3A_1224 = tpu.memref_squeeze %dma_wait3A_1223 : memref<1x1x1x8x8x128xf32, #tpu.memory_space<hbm>> -> memref<8x8x128xf32, #tpu.memory_space<hbm>>
    %dma_wait3A_1225 = arith.constant 0 : i32
    %dma_wait3A_1226 = arith.constant 0 : i32
    %dma_wait3A_1227 = arith.constant 0 : i32
    %dma_wait3A_1228 = tpu.memref_slice %arg6[%add3A_1217, %dma_wait3A_1218, %dma_wait3A_1219, %dma_wait3A_1225, %dma_wait3A_1226, %dma_wait3A_1227] : memref<64x4x8x8x8x128xf32, #tpu.memory_space<hbm>> -> memref<1x1x1x8x8x128xf32, #tpu.memory_space<hbm>>
    %dma_wait3A_1229 = tpu.memref_squeeze %dma_wait3A_1228 : memref<1x1x1x8x8x128xf32, #tpu.memory_space<hbm>> -> memref<8x8x128xf32, #tpu.memory_space<hbm>>
    tpu.wait_dma2 semaphore(%arg13 : memref<!tpu.dma_semaphore, #tpu.memory_space<semaphore_mem>>) src(%arg11 : memref<8x8x128xf32, #tpu.memory_space<vmem>>) dst(%dma_wait3A_1229 : memref<8x8x128xf32, #tpu.memory_space<hbm>>)
    %add3A_1230 = arith.constant 0 : i32
    %add3A_1231 = arith.addi %mul3A_2, %add3A_1230 : i32
    %dma_wait3A_1232 = arith.constant 2 : i32
    %dma_wait3A_1233 = arith.constant 2 : i32
    %dma_wait3A_1234 = arith.constant 0 : i32
    %dma_wait3A_1235 = arith.constant 0 : i32
    %dma_wait3A_1236 = arith.constant 0 : i32
    %dma_wait3A_1237 = tpu.memref_slice %arg6[%add3A_1231, %dma_wait3A_1232, %dma_wait3A_1233, %dma_wait3A_1234, %dma_wait3A_1235, %dma_wait3A_1236] : memref<64x4x8x8x8x128xf32, #tpu.memory_space<hbm>> -> memref<1x1x1x8x8x128xf32, #tpu.memory_space<hbm>>
    %dma_wait3A_1238 = tpu.memref_squeeze %dma_wait3A_1237 : memref<1x1x1x8x8x128xf32, #tpu.memory_space<hbm>> -> memref<8x8x128xf32, #tpu.memory_space<hbm>>
    %dma_wait3A_1239 = arith.constant 0 : i32
    %dma_wait3A_1240 = arith.constant 0 : i32
    %dma_wait3A_1241 = arith.constant 0 : i32
    %dma_wait3A_1242 = tpu.memref_slice %arg6[%add3A_1231, %dma_wait3A_1232, %dma_wait3A_1233, %dma_wait3A_1239, %dma_wait3A_1240, %dma_wait3A_1241] : memref<64x4x8x8x8x128xf32, #tpu.memory_space<hbm>> -> memref<1x1x1x8x8x128xf32, #tpu.memory_space<hbm>>
    %dma_wait3A_1243 = tpu.memref_squeeze %dma_wait3A_1242 : memref<1x1x1x8x8x128xf32, #tpu.memory_space<hbm>> -> memref<8x8x128xf32, #tpu.memory_space<hbm>>
    tpu.wait_dma2 semaphore(%arg13 : memref<!tpu.dma_semaphore, #tpu.memory_space<semaphore_mem>>) src(%arg11 : memref<8x8x128xf32, #tpu.memory_space<vmem>>) dst(%dma_wait3A_1243 : memref<8x8x128xf32, #tpu.memory_space<hbm>>)
    %add3A_1244 = arith.constant 0 : i32
    %add3A_1245 = arith.addi %mul3A_2, %add3A_1244 : i32
    %dma_wait3A_1246 = arith.constant 2 : i32
    %dma_wait3A_1247 = arith.constant 3 : i32
    %dma_wait3A_1248 = arith.constant 0 : i32
    %dma_wait3A_1249 = arith.constant 0 : i32
    %dma_wait3A_1250 = arith.constant 0 : i32
    %dma_wait3A_1251 = tpu.memref_slice %arg6[%add3A_1245, %dma_wait3A_1246, %dma_wait3A_1247, %dma_wait3A_1248, %dma_wait3A_1249, %dma_wait3A_1250] : memref<64x4x8x8x8x128xf32, #tpu.memory_space<hbm>> -> memref<1x1x1x8x8x128xf32, #tpu.memory_space<hbm>>
    %dma_wait3A_1252 = tpu.memref_squeeze %dma_wait3A_1251 : memref<1x1x1x8x8x128xf32, #tpu.memory_space<hbm>> -> memref<8x8x128xf32, #tpu.memory_space<hbm>>
    %dma_wait3A_1253 = arith.constant 0 : i32
    %dma_wait3A_1254 = arith.constant 0 : i32
    %dma_wait3A_1255 = arith.constant 0 : i32
    %dma_wait3A_1256 = tpu.memref_slice %arg6[%add3A_1245, %dma_wait3A_1246, %dma_wait3A_1247, %dma_wait3A_1253, %dma_wait3A_1254, %dma_wait3A_1255] : memref<64x4x8x8x8x128xf32, #tpu.memory_space<hbm>> -> memref<1x1x1x8x8x128xf32, #tpu.memory_space<hbm>>
    %dma_wait3A_1257 = tpu.memref_squeeze %dma_wait3A_1256 : memref<1x1x1x8x8x128xf32, #tpu.memory_space<hbm>> -> memref<8x8x128xf32, #tpu.memory_space<hbm>>
    tpu.wait_dma2 semaphore(%arg13 : memref<!tpu.dma_semaphore, #tpu.memory_space<semaphore_mem>>) src(%arg11 : memref<8x8x128xf32, #tpu.memory_space<vmem>>) dst(%dma_wait3A_1257 : memref<8x8x128xf32, #tpu.memory_space<hbm>>)
    %add3A_1258 = arith.constant 0 : i32
    %add3A_1259 = arith.addi %mul3A_2, %add3A_1258 : i32
    %dma_wait3A_1260 = arith.constant 2 : i32
    %dma_wait3A_1261 = arith.constant 4 : i32
    %dma_wait3A_1262 = arith.constant 0 : i32
    %dma_wait3A_1263 = arith.constant 0 : i32
    %dma_wait3A_1264 = arith.constant 0 : i32
    %dma_wait3A_1265 = tpu.memref_slice %arg6[%add3A_1259, %dma_wait3A_1260, %dma_wait3A_1261, %dma_wait3A_1262, %dma_wait3A_1263, %dma_wait3A_1264] : memref<64x4x8x8x8x128xf32, #tpu.memory_space<hbm>> -> memref<1x1x1x8x8x128xf32, #tpu.memory_space<hbm>>
    %dma_wait3A_1266 = tpu.memref_squeeze %dma_wait3A_1265 : memref<1x1x1x8x8x128xf32, #tpu.memory_space<hbm>> -> memref<8x8x128xf32, #tpu.memory_space<hbm>>
    %dma_wait3A_1267 = arith.constant 0 : i32
    %dma_wait3A_1268 = arith.constant 0 : i32
    %dma_wait3A_1269 = arith.constant 0 : i32
    %dma_wait3A_1270 = tpu.memref_slice %arg6[%add3A_1259, %dma_wait3A_1260, %dma_wait3A_1261, %dma_wait3A_1267, %dma_wait3A_1268, %dma_wait3A_1269] : memref<64x4x8x8x8x128xf32, #tpu.memory_space<hbm>> -> memref<1x1x1x8x8x128xf32, #tpu.memory_space<hbm>>
    %dma_wait3A_1271 = tpu.memref_squeeze %dma_wait3A_1270 : memref<1x1x1x8x8x128xf32, #tpu.memory_space<hbm>> -> memref<8x8x128xf32, #tpu.memory_space<hbm>>
    tpu.wait_dma2 semaphore(%arg13 : memref<!tpu.dma_semaphore, #tpu.memory_space<semaphore_mem>>) src(%arg11 : memref<8x8x128xf32, #tpu.memory_space<vmem>>) dst(%dma_wait3A_1271 : memref<8x8x128xf32, #tpu.memory_space<hbm>>)
    %add3A_1272 = arith.constant 0 : i32
    %add3A_1273 = arith.addi %mul3A_2, %add3A_1272 : i32
    %dma_wait3A_1274 = arith.constant 2 : i32
    %dma_wait3A_1275 = arith.constant 5 : i32
    %dma_wait3A_1276 = arith.constant 0 : i32
    %dma_wait3A_1277 = arith.constant 0 : i32
    %dma_wait3A_1278 = arith.constant 0 : i32
    %dma_wait3A_1279 = tpu.memref_slice %arg6[%add3A_1273, %dma_wait3A_1274, %dma_wait3A_1275, %dma_wait3A_1276, %dma_wait3A_1277, %dma_wait3A_1278] : memref<64x4x8x8x8x128xf32, #tpu.memory_space<hbm>> -> memref<1x1x1x8x8x128xf32, #tpu.memory_space<hbm>>
    %dma_wait3A_1280 = tpu.memref_squeeze %dma_wait3A_1279 : memref<1x1x1x8x8x128xf32, #tpu.memory_space<hbm>> -> memref<8x8x128xf32, #tpu.memory_space<hbm>>
    %dma_wait3A_1281 = arith.constant 0 : i32
    %dma_wait3A_1282 = arith.constant 0 : i32
    %dma_wait3A_1283 = arith.constant 0 : i32
    %dma_wait3A_1284 = tpu.memref_slice %arg6[%add3A_1273, %dma_wait3A_1274, %dma_wait3A_1275, %dma_wait3A_1281, %dma_wait3A_1282, %dma_wait3A_1283] : memref<64x4x8x8x8x128xf32, #tpu.memory_space<hbm>> -> memref<1x1x1x8x8x128xf32, #tpu.memory_space<hbm>>
    %dma_wait3A_1285 = tpu.memref_squeeze %dma_wait3A_1284 : memref<1x1x1x8x8x128xf32, #tpu.memory_space<hbm>> -> memref<8x8x128xf32, #tpu.memory_space<hbm>>
    tpu.wait_dma2 semaphore(%arg13 : memref<!tpu.dma_semaphore, #tpu.memory_space<semaphore_mem>>) src(%arg11 : memref<8x8x128xf32, #tpu.memory_space<vmem>>) dst(%dma_wait3A_1285 : memref<8x8x128xf32, #tpu.memory_space<hbm>>)
    %add3A_1286 = arith.constant 0 : i32
    %add3A_1287 = arith.addi %mul3A_2, %add3A_1286 : i32
    %dma_wait3A_1288 = arith.constant 2 : i32
    %dma_wait3A_1289 = arith.constant 6 : i32
    %dma_wait3A_1290 = arith.constant 0 : i32
    %dma_wait3A_1291 = arith.constant 0 : i32
    %dma_wait3A_1292 = arith.constant 0 : i32
    %dma_wait3A_1293 = tpu.memref_slice %arg6[%add3A_1287, %dma_wait3A_1288, %dma_wait3A_1289, %dma_wait3A_1290, %dma_wait3A_1291, %dma_wait3A_1292] : memref<64x4x8x8x8x128xf32, #tpu.memory_space<hbm>> -> memref<1x1x1x8x8x128xf32, #tpu.memory_space<hbm>>
    %dma_wait3A_1294 = tpu.memref_squeeze %dma_wait3A_1293 : memref<1x1x1x8x8x128xf32, #tpu.memory_space<hbm>> -> memref<8x8x128xf32, #tpu.memory_space<hbm>>
    %dma_wait3A_1295 = arith.constant 0 : i32
    %dma_wait3A_1296 = arith.constant 0 : i32
    %dma_wait3A_1297 = arith.constant 0 : i32
    %dma_wait3A_1298 = tpu.memref_slice %arg6[%add3A_1287, %dma_wait3A_1288, %dma_wait3A_1289, %dma_wait3A_1295, %dma_wait3A_1296, %dma_wait3A_1297] : memref<64x4x8x8x8x128xf32, #tpu.memory_space<hbm>> -> memref<1x1x1x8x8x128xf32, #tpu.memory_space<hbm>>
    %dma_wait3A_1299 = tpu.memref_squeeze %dma_wait3A_1298 : memref<1x1x1x8x8x128xf32, #tpu.memory_space<hbm>> -> memref<8x8x128xf32, #tpu.memory_space<hbm>>
    tpu.wait_dma2 semaphore(%arg13 : memref<!tpu.dma_semaphore, #tpu.memory_space<semaphore_mem>>) src(%arg11 : memref<8x8x128xf32, #tpu.memory_space<vmem>>) dst(%dma_wait3A_1299 : memref<8x8x128xf32, #tpu.memory_space<hbm>>)
    %add3A_1300 = arith.constant 0 : i32
    %add3A_1301 = arith.addi %mul3A_2, %add3A_1300 : i32
    %dma_wait3A_1302 = arith.constant 2 : i32
    %dma_wait3A_1303 = arith.constant 7 : i32
    %dma_wait3A_1304 = arith.constant 0 : i32
    %dma_wait3A_1305 = arith.constant 0 : i32
    %dma_wait3A_1306 = arith.constant 0 : i32
    %dma_wait3A_1307 = tpu.memref_slice %arg6[%add3A_1301, %dma_wait3A_1302, %dma_wait3A_1303, %dma_wait3A_1304, %dma_wait3A_1305, %dma_wait3A_1306] : memref<64x4x8x8x8x128xf32, #tpu.memory_space<hbm>> -> memref<1x1x1x8x8x128xf32, #tpu.memory_space<hbm>>
    %dma_wait3A_1308 = tpu.memref_squeeze %dma_wait3A_1307 : memref<1x1x1x8x8x128xf32, #tpu.memory_space<hbm>> -> memref<8x8x128xf32, #tpu.memory_space<hbm>>
    %dma_wait3A_1309 = arith.constant 0 : i32
    %dma_wait3A_1310 = arith.constant 0 : i32
    %dma_wait3A_1311 = arith.constant 0 : i32
    %dma_wait3A_1312 = tpu.memref_slice %arg6[%add3A_1301, %dma_wait3A_1302, %dma_wait3A_1303, %dma_wait3A_1309, %dma_wait3A_1310, %dma_wait3A_1311] : memref<64x4x8x8x8x128xf32, #tpu.memory_space<hbm>> -> memref<1x1x1x8x8x128xf32, #tpu.memory_space<hbm>>
    %dma_wait3A_1313 = tpu.memref_squeeze %dma_wait3A_1312 : memref<1x1x1x8x8x128xf32, #tpu.memory_space<hbm>> -> memref<8x8x128xf32, #tpu.memory_space<hbm>>
    tpu.wait_dma2 semaphore(%arg13 : memref<!tpu.dma_semaphore, #tpu.memory_space<semaphore_mem>>) src(%arg11 : memref<8x8x128xf32, #tpu.memory_space<vmem>>) dst(%dma_wait3A_1313 : memref<8x8x128xf32, #tpu.memory_space<hbm>>)
    %add3A_1314 = arith.constant 0 : i32
    %add3A_1315 = arith.addi %mul3A_2, %add3A_1314 : i32
    %dma_wait3A_1316 = arith.constant 3 : i32
    %dma_wait3A_1317 = arith.constant 0 : i32
    %dma_wait3A_1318 = arith.constant 0 : i32
    %dma_wait3A_1319 = arith.constant 0 : i32
    %dma_wait3A_1320 = arith.constant 0 : i32
    %dma_wait3A_1321 = tpu.memref_slice %arg6[%add3A_1315, %dma_wait3A_1316, %dma_wait3A_1317, %dma_wait3A_1318, %dma_wait3A_1319, %dma_wait3A_1320] : memref<64x4x8x8x8x128xf32, #tpu.memory_space<hbm>> -> memref<1x1x1x8x8x128xf32, #tpu.memory_space<hbm>>
    %dma_wait3A_1322 = tpu.memref_squeeze %dma_wait3A_1321 : memref<1x1x1x8x8x128xf32, #tpu.memory_space<hbm>> -> memref<8x8x128xf32, #tpu.memory_space<hbm>>
    %dma_wait3A_1323 = arith.constant 0 : i32
    %dma_wait3A_1324 = arith.constant 0 : i32
    %dma_wait3A_1325 = arith.constant 0 : i32
    %dma_wait3A_1326 = tpu.memref_slice %arg6[%add3A_1315, %dma_wait3A_1316, %dma_wait3A_1317, %dma_wait3A_1323, %dma_wait3A_1324, %dma_wait3A_1325] : memref<64x4x8x8x8x128xf32, #tpu.memory_space<hbm>> -> memref<1x1x1x8x8x128xf32, #tpu.memory_space<hbm>>
    %dma_wait3A_1327 = tpu.memref_squeeze %dma_wait3A_1326 : memref<1x1x1x8x8x128xf32, #tpu.memory_space<hbm>> -> memref<8x8x128xf32, #tpu.memory_space<hbm>>
    tpu.wait_dma2 semaphore(%arg13 : memref<!tpu.dma_semaphore, #tpu.memory_space<semaphore_mem>>) src(%arg11 : memref<8x8x128xf32, #tpu.memory_space<vmem>>) dst(%dma_wait3A_1327 : memref<8x8x128xf32, #tpu.memory_space<hbm>>)
    %add3A_1328 = arith.constant 0 : i32
    %add3A_1329 = arith.addi %mul3A_2, %add3A_1328 : i32
    %dma_wait3A_1330 = arith.constant 3 : i32
    %dma_wait3A_1331 = arith.constant 1 : i32
    %dma_wait3A_1332 = arith.constant 0 : i32
    %dma_wait3A_1333 = arith.constant 0 : i32
    %dma_wait3A_1334 = arith.constant 0 : i32
    %dma_wait3A_1335 = tpu.memref_slice %arg6[%add3A_1329, %dma_wait3A_1330, %dma_wait3A_1331, %dma_wait3A_1332, %dma_wait3A_1333, %dma_wait3A_1334] : memref<64x4x8x8x8x128xf32, #tpu.memory_space<hbm>> -> memref<1x1x1x8x8x128xf32, #tpu.memory_space<hbm>>
    %dma_wait3A_1336 = tpu.memref_squeeze %dma_wait3A_1335 : memref<1x1x1x8x8x128xf32, #tpu.memory_space<hbm>> -> memref<8x8x128xf32, #tpu.memory_space<hbm>>
    %dma_wait3A_1337 = arith.constant 0 : i32
    %dma_wait3A_1338 = arith.constant 0 : i32
    %dma_wait3A_1339 = arith.constant 0 : i32
    %dma_wait3A_1340 = tpu.memref_slice %arg6[%add3A_1329, %dma_wait3A_1330, %dma_wait3A_1331, %dma_wait3A_1337, %dma_wait3A_1338, %dma_wait3A_1339] : memref<64x4x8x8x8x128xf32, #tpu.memory_space<hbm>> -> memref<1x1x1x8x8x128xf32, #tpu.memory_space<hbm>>
    %dma_wait3A_1341 = tpu.memref_squeeze %dma_wait3A_1340 : memref<1x1x1x8x8x128xf32, #tpu.memory_space<hbm>> -> memref<8x8x128xf32, #tpu.memory_space<hbm>>
    tpu.wait_dma2 semaphore(%arg13 : memref<!tpu.dma_semaphore, #tpu.memory_space<semaphore_mem>>) src(%arg11 : memref<8x8x128xf32, #tpu.memory_space<vmem>>) dst(%dma_wait3A_1341 : memref<8x8x128xf32, #tpu.memory_space<hbm>>)
    %add3A_1342 = arith.constant 0 : i32
    %add3A_1343 = arith.addi %mul3A_2, %add3A_1342 : i32
    %dma_wait3A_1344 = arith.constant 3 : i32
    %dma_wait3A_1345 = arith.constant 2 : i32
    %dma_wait3A_1346 = arith.constant 0 : i32
    %dma_wait3A_1347 = arith.constant 0 : i32
    %dma_wait3A_1348 = arith.constant 0 : i32
    %dma_wait3A_1349 = tpu.memref_slice %arg6[%add3A_1343, %dma_wait3A_1344, %dma_wait3A_1345, %dma_wait3A_1346, %dma_wait3A_1347, %dma_wait3A_1348] : memref<64x4x8x8x8x128xf32, #tpu.memory_space<hbm>> -> memref<1x1x1x8x8x128xf32, #tpu.memory_space<hbm>>
    %dma_wait3A_1350 = tpu.memref_squeeze %dma_wait3A_1349 : memref<1x1x1x8x8x128xf32, #tpu.memory_space<hbm>> -> memref<8x8x128xf32, #tpu.memory_space<hbm>>
    %dma_wait3A_1351 = arith.constant 0 : i32
    %dma_wait3A_1352 = arith.constant 0 : i32
    %dma_wait3A_1353 = arith.constant 0 : i32
    %dma_wait3A_1354 = tpu.memref_slice %arg6[%add3A_1343, %dma_wait3A_1344, %dma_wait3A_1345, %dma_wait3A_1351, %dma_wait3A_1352, %dma_wait3A_1353] : memref<64x4x8x8x8x128xf32, #tpu.memory_space<hbm>> -> memref<1x1x1x8x8x128xf32, #tpu.memory_space<hbm>>
    %dma_wait3A_1355 = tpu.memref_squeeze %dma_wait3A_1354 : memref<1x1x1x8x8x128xf32, #tpu.memory_space<hbm>> -> memref<8x8x128xf32, #tpu.memory_space<hbm>>
    tpu.wait_dma2 semaphore(%arg13 : memref<!tpu.dma_semaphore, #tpu.memory_space<semaphore_mem>>) src(%arg11 : memref<8x8x128xf32, #tpu.memory_space<vmem>>) dst(%dma_wait3A_1355 : memref<8x8x128xf32, #tpu.memory_space<hbm>>)
    %add3A_1356 = arith.constant 0 : i32
    %add3A_1357 = arith.addi %mul3A_2, %add3A_1356 : i32
    %dma_wait3A_1358 = arith.constant 3 : i32
    %dma_wait3A_1359 = arith.constant 3 : i32
    %dma_wait3A_1360 = arith.constant 0 : i32
    %dma_wait3A_1361 = arith.constant 0 : i32
    %dma_wait3A_1362 = arith.constant 0 : i32
    %dma_wait3A_1363 = tpu.memref_slice %arg6[%add3A_1357, %dma_wait3A_1358, %dma_wait3A_1359, %dma_wait3A_1360, %dma_wait3A_1361, %dma_wait3A_1362] : memref<64x4x8x8x8x128xf32, #tpu.memory_space<hbm>> -> memref<1x1x1x8x8x128xf32, #tpu.memory_space<hbm>>
    %dma_wait3A_1364 = tpu.memref_squeeze %dma_wait3A_1363 : memref<1x1x1x8x8x128xf32, #tpu.memory_space<hbm>> -> memref<8x8x128xf32, #tpu.memory_space<hbm>>
    %dma_wait3A_1365 = arith.constant 0 : i32
    %dma_wait3A_1366 = arith.constant 0 : i32
    %dma_wait3A_1367 = arith.constant 0 : i32
    %dma_wait3A_1368 = tpu.memref_slice %arg6[%add3A_1357, %dma_wait3A_1358, %dma_wait3A_1359, %dma_wait3A_1365, %dma_wait3A_1366, %dma_wait3A_1367] : memref<64x4x8x8x8x128xf32, #tpu.memory_space<hbm>> -> memref<1x1x1x8x8x128xf32, #tpu.memory_space<hbm>>
    %dma_wait3A_1369 = tpu.memref_squeeze %dma_wait3A_1368 : memref<1x1x1x8x8x128xf32, #tpu.memory_space<hbm>> -> memref<8x8x128xf32, #tpu.memory_space<hbm>>
    tpu.wait_dma2 semaphore(%arg13 : memref<!tpu.dma_semaphore, #tpu.memory_space<semaphore_mem>>) src(%arg11 : memref<8x8x128xf32, #tpu.memory_space<vmem>>) dst(%dma_wait3A_1369 : memref<8x8x128xf32, #tpu.memory_space<hbm>>)
    %add3A_1370 = arith.constant 0 : i32
    %add3A_1371 = arith.addi %mul3A_2, %add3A_1370 : i32
    %dma_wait3A_1372 = arith.constant 3 : i32
    %dma_wait3A_1373 = arith.constant 4 : i32
    %dma_wait3A_1374 = arith.constant 0 : i32
    %dma_wait3A_1375 = arith.constant 0 : i32
    %dma_wait3A_1376 = arith.constant 0 : i32
    %dma_wait3A_1377 = tpu.memref_slice %arg6[%add3A_1371, %dma_wait3A_1372, %dma_wait3A_1373, %dma_wait3A_1374, %dma_wait3A_1375, %dma_wait3A_1376] : memref<64x4x8x8x8x128xf32, #tpu.memory_space<hbm>> -> memref<1x1x1x8x8x128xf32, #tpu.memory_space<hbm>>
    %dma_wait3A_1378 = tpu.memref_squeeze %dma_wait3A_1377 : memref<1x1x1x8x8x128xf32, #tpu.memory_space<hbm>> -> memref<8x8x128xf32, #tpu.memory_space<hbm>>
    %dma_wait3A_1379 = arith.constant 0 : i32
    %dma_wait3A_1380 = arith.constant 0 : i32
    %dma_wait3A_1381 = arith.constant 0 : i32
    %dma_wait3A_1382 = tpu.memref_slice %arg6[%add3A_1371, %dma_wait3A_1372, %dma_wait3A_1373, %dma_wait3A_1379, %dma_wait3A_1380, %dma_wait3A_1381] : memref<64x4x8x8x8x128xf32, #tpu.memory_space<hbm>> -> memref<1x1x1x8x8x128xf32, #tpu.memory_space<hbm>>
    %dma_wait3A_1383 = tpu.memref_squeeze %dma_wait3A_1382 : memref<1x1x1x8x8x128xf32, #tpu.memory_space<hbm>> -> memref<8x8x128xf32, #tpu.memory_space<hbm>>
    tpu.wait_dma2 semaphore(%arg13 : memref<!tpu.dma_semaphore, #tpu.memory_space<semaphore_mem>>) src(%arg11 : memref<8x8x128xf32, #tpu.memory_space<vmem>>) dst(%dma_wait3A_1383 : memref<8x8x128xf32, #tpu.memory_space<hbm>>)
    %add3A_1384 = arith.constant 0 : i32
    %add3A_1385 = arith.addi %mul3A_2, %add3A_1384 : i32
    %dma_wait3A_1386 = arith.constant 3 : i32
    %dma_wait3A_1387 = arith.constant 5 : i32
    %dma_wait3A_1388 = arith.constant 0 : i32
    %dma_wait3A_1389 = arith.constant 0 : i32
    %dma_wait3A_1390 = arith.constant 0 : i32
    %dma_wait3A_1391 = tpu.memref_slice %arg6[%add3A_1385, %dma_wait3A_1386, %dma_wait3A_1387, %dma_wait3A_1388, %dma_wait3A_1389, %dma_wait3A_1390] : memref<64x4x8x8x8x128xf32, #tpu.memory_space<hbm>> -> memref<1x1x1x8x8x128xf32, #tpu.memory_space<hbm>>
    %dma_wait3A_1392 = tpu.memref_squeeze %dma_wait3A_1391 : memref<1x1x1x8x8x128xf32, #tpu.memory_space<hbm>> -> memref<8x8x128xf32, #tpu.memory_space<hbm>>
    %dma_wait3A_1393 = arith.constant 0 : i32
    %dma_wait3A_1394 = arith.constant 0 : i32
    %dma_wait3A_1395 = arith.constant 0 : i32
    %dma_wait3A_1396 = tpu.memref_slice %arg6[%add3A_1385, %dma_wait3A_1386, %dma_wait3A_1387, %dma_wait3A_1393, %dma_wait3A_1394, %dma_wait3A_1395] : memref<64x4x8x8x8x128xf32, #tpu.memory_space<hbm>> -> memref<1x1x1x8x8x128xf32, #tpu.memory_space<hbm>>
    %dma_wait3A_1397 = tpu.memref_squeeze %dma_wait3A_1396 : memref<1x1x1x8x8x128xf32, #tpu.memory_space<hbm>> -> memref<8x8x128xf32, #tpu.memory_space<hbm>>
    tpu.wait_dma2 semaphore(%arg13 : memref<!tpu.dma_semaphore, #tpu.memory_space<semaphore_mem>>) src(%arg11 : memref<8x8x128xf32, #tpu.memory_space<vmem>>) dst(%dma_wait3A_1397 : memref<8x8x128xf32, #tpu.memory_space<hbm>>)
    %add3A_1398 = arith.constant 0 : i32
    %add3A_1399 = arith.addi %mul3A_2, %add3A_1398 : i32
    %dma_wait3A_1400 = arith.constant 3 : i32
    %dma_wait3A_1401 = arith.constant 6 : i32
    %dma_wait3A_1402 = arith.constant 0 : i32
    %dma_wait3A_1403 = arith.constant 0 : i32
    %dma_wait3A_1404 = arith.constant 0 : i32
    %dma_wait3A_1405 = tpu.memref_slice %arg6[%add3A_1399, %dma_wait3A_1400, %dma_wait3A_1401, %dma_wait3A_1402, %dma_wait3A_1403, %dma_wait3A_1404] : memref<64x4x8x8x8x128xf32, #tpu.memory_space<hbm>> -> memref<1x1x1x8x8x128xf32, #tpu.memory_space<hbm>>
    %dma_wait3A_1406 = tpu.memref_squeeze %dma_wait3A_1405 : memref<1x1x1x8x8x128xf32, #tpu.memory_space<hbm>> -> memref<8x8x128xf32, #tpu.memory_space<hbm>>
    %dma_wait3A_1407 = arith.constant 0 : i32
    %dma_wait3A_1408 = arith.constant 0 : i32
    %dma_wait3A_1409 = arith.constant 0 : i32
    %dma_wait3A_1410 = tpu.memref_slice %arg6[%add3A_1399, %dma_wait3A_1400, %dma_wait3A_1401, %dma_wait3A_1407, %dma_wait3A_1408, %dma_wait3A_1409] : memref<64x4x8x8x8x128xf32, #tpu.memory_space<hbm>> -> memref<1x1x1x8x8x128xf32, #tpu.memory_space<hbm>>
    %dma_wait3A_1411 = tpu.memref_squeeze %dma_wait3A_1410 : memref<1x1x1x8x8x128xf32, #tpu.memory_space<hbm>> -> memref<8x8x128xf32, #tpu.memory_space<hbm>>
    tpu.wait_dma2 semaphore(%arg13 : memref<!tpu.dma_semaphore, #tpu.memory_space<semaphore_mem>>) src(%arg11 : memref<8x8x128xf32, #tpu.memory_space<vmem>>) dst(%dma_wait3A_1411 : memref<8x8x128xf32, #tpu.memory_space<hbm>>)
    %add3A_1412 = arith.constant 0 : i32
    %add3A_1413 = arith.addi %mul3A_2, %add3A_1412 : i32
    %dma_wait3A_1414 = arith.constant 3 : i32
    %dma_wait3A_1415 = arith.constant 7 : i32
    %dma_wait3A_1416 = arith.constant 0 : i32
    %dma_wait3A_1417 = arith.constant 0 : i32
    %dma_wait3A_1418 = arith.constant 0 : i32
    %dma_wait3A_1419 = tpu.memref_slice %arg6[%add3A_1413, %dma_wait3A_1414, %dma_wait3A_1415, %dma_wait3A_1416, %dma_wait3A_1417, %dma_wait3A_1418] : memref<64x4x8x8x8x128xf32, #tpu.memory_space<hbm>> -> memref<1x1x1x8x8x128xf32, #tpu.memory_space<hbm>>
    %dma_wait3A_1420 = tpu.memref_squeeze %dma_wait3A_1419 : memref<1x1x1x8x8x128xf32, #tpu.memory_space<hbm>> -> memref<8x8x128xf32, #tpu.memory_space<hbm>>
    %dma_wait3A_1421 = arith.constant 0 : i32
    %dma_wait3A_1422 = arith.constant 0 : i32
    %dma_wait3A_1423 = arith.constant 0 : i32
    %dma_wait3A_1424 = tpu.memref_slice %arg6[%add3A_1413, %dma_wait3A_1414, %dma_wait3A_1415, %dma_wait3A_1421, %dma_wait3A_1422, %dma_wait3A_1423] : memref<64x4x8x8x8x128xf32, #tpu.memory_space<hbm>> -> memref<1x1x1x8x8x128xf32, #tpu.memory_space<hbm>>
    %dma_wait3A_1425 = tpu.memref_squeeze %dma_wait3A_1424 : memref<1x1x1x8x8x128xf32, #tpu.memory_space<hbm>> -> memref<8x8x128xf32, #tpu.memory_space<hbm>>
    tpu.wait_dma2 semaphore(%arg13 : memref<!tpu.dma_semaphore, #tpu.memory_space<semaphore_mem>>) src(%arg11 : memref<8x8x128xf32, #tpu.memory_space<vmem>>) dst(%dma_wait3A_1425 : memref<8x8x128xf32, #tpu.memory_space<hbm>>)
    %add3A_1426 = arith.constant 1 : i32
    %add3A_1427 = arith.addi %mul3A_2, %add3A_1426 : i32
    %dma_wait3A_1428 = arith.constant 0 : i32
    %dma_wait3A_1429 = arith.constant 0 : i32
    %dma_wait3A_1430 = arith.constant 0 : i32
    %dma_wait3A_1431 = arith.constant 0 : i32
    %dma_wait3A_1432 = arith.constant 0 : i32
    %dma_wait3A_1433 = tpu.memref_slice %arg6[%add3A_1427, %dma_wait3A_1428, %dma_wait3A_1429, %dma_wait3A_1430, %dma_wait3A_1431, %dma_wait3A_1432] : memref<64x4x8x8x8x128xf32, #tpu.memory_space<hbm>> -> memref<1x1x1x8x8x128xf32, #tpu.memory_space<hbm>>
    %dma_wait3A_1434 = tpu.memref_squeeze %dma_wait3A_1433 : memref<1x1x1x8x8x128xf32, #tpu.memory_space<hbm>> -> memref<8x8x128xf32, #tpu.memory_space<hbm>>
    %dma_wait3A_1435 = arith.constant 0 : i32
    %dma_wait3A_1436 = arith.constant 0 : i32
    %dma_wait3A_1437 = arith.constant 0 : i32
    %dma_wait3A_1438 = tpu.memref_slice %arg6[%add3A_1427, %dma_wait3A_1428, %dma_wait3A_1429, %dma_wait3A_1435, %dma_wait3A_1436, %dma_wait3A_1437] : memref<64x4x8x8x8x128xf32, #tpu.memory_space<hbm>> -> memref<1x1x1x8x8x128xf32, #tpu.memory_space<hbm>>
    %dma_wait3A_1439 = tpu.memref_squeeze %dma_wait3A_1438 : memref<1x1x1x8x8x128xf32, #tpu.memory_space<hbm>> -> memref<8x8x128xf32, #tpu.memory_space<hbm>>
    tpu.wait_dma2 semaphore(%arg14 : memref<!tpu.dma_semaphore, #tpu.memory_space<semaphore_mem>>) src(%arg12 : memref<8x8x128xf32, #tpu.memory_space<vmem>>) dst(%dma_wait3A_1439 : memref<8x8x128xf32, #tpu.memory_space<hbm>>)
    %add3A_1440 = arith.constant 1 : i32
    %add3A_1441 = arith.addi %mul3A_2, %add3A_1440 : i32
    %dma_wait3A_1442 = arith.constant 0 : i32
    %dma_wait3A_1443 = arith.constant 1 : i32
    %dma_wait3A_1444 = arith.constant 0 : i32
    %dma_wait3A_1445 = arith.constant 0 : i32
    %dma_wait3A_1446 = arith.constant 0 : i32
    %dma_wait3A_1447 = tpu.memref_slice %arg6[%add3A_1441, %dma_wait3A_1442, %dma_wait3A_1443, %dma_wait3A_1444, %dma_wait3A_1445, %dma_wait3A_1446] : memref<64x4x8x8x8x128xf32, #tpu.memory_space<hbm>> -> memref<1x1x1x8x8x128xf32, #tpu.memory_space<hbm>>
    %dma_wait3A_1448 = tpu.memref_squeeze %dma_wait3A_1447 : memref<1x1x1x8x8x128xf32, #tpu.memory_space<hbm>> -> memref<8x8x128xf32, #tpu.memory_space<hbm>>
    %dma_wait3A_1449 = arith.constant 0 : i32
    %dma_wait3A_1450 = arith.constant 0 : i32
    %dma_wait3A_1451 = arith.constant 0 : i32
    %dma_wait3A_1452 = tpu.memref_slice %arg6[%add3A_1441, %dma_wait3A_1442, %dma_wait3A_1443, %dma_wait3A_1449, %dma_wait3A_1450, %dma_wait3A_1451] : memref<64x4x8x8x8x128xf32, #tpu.memory_space<hbm>> -> memref<1x1x1x8x8x128xf32, #tpu.memory_space<hbm>>
    %dma_wait3A_1453 = tpu.memref_squeeze %dma_wait3A_1452 : memref<1x1x1x8x8x128xf32, #tpu.memory_space<hbm>> -> memref<8x8x128xf32, #tpu.memory_space<hbm>>
    tpu.wait_dma2 semaphore(%arg14 : memref<!tpu.dma_semaphore, #tpu.memory_space<semaphore_mem>>) src(%arg12 : memref<8x8x128xf32, #tpu.memory_space<vmem>>) dst(%dma_wait3A_1453 : memref<8x8x128xf32, #tpu.memory_space<hbm>>)
    %add3A_1454 = arith.constant 1 : i32
    %add3A_1455 = arith.addi %mul3A_2, %add3A_1454 : i32
    %dma_wait3A_1456 = arith.constant 0 : i32
    %dma_wait3A_1457 = arith.constant 2 : i32
    %dma_wait3A_1458 = arith.constant 0 : i32
    %dma_wait3A_1459 = arith.constant 0 : i32
    %dma_wait3A_1460 = arith.constant 0 : i32
    %dma_wait3A_1461 = tpu.memref_slice %arg6[%add3A_1455, %dma_wait3A_1456, %dma_wait3A_1457, %dma_wait3A_1458, %dma_wait3A_1459, %dma_wait3A_1460] : memref<64x4x8x8x8x128xf32, #tpu.memory_space<hbm>> -> memref<1x1x1x8x8x128xf32, #tpu.memory_space<hbm>>
    %dma_wait3A_1462 = tpu.memref_squeeze %dma_wait3A_1461 : memref<1x1x1x8x8x128xf32, #tpu.memory_space<hbm>> -> memref<8x8x128xf32, #tpu.memory_space<hbm>>
    %dma_wait3A_1463 = arith.constant 0 : i32
    %dma_wait3A_1464 = arith.constant 0 : i32
    %dma_wait3A_1465 = arith.constant 0 : i32
    %dma_wait3A_1466 = tpu.memref_slice %arg6[%add3A_1455, %dma_wait3A_1456, %dma_wait3A_1457, %dma_wait3A_1463, %dma_wait3A_1464, %dma_wait3A_1465] : memref<64x4x8x8x8x128xf32, #tpu.memory_space<hbm>> -> memref<1x1x1x8x8x128xf32, #tpu.memory_space<hbm>>
    %dma_wait3A_1467 = tpu.memref_squeeze %dma_wait3A_1466 : memref<1x1x1x8x8x128xf32, #tpu.memory_space<hbm>> -> memref<8x8x128xf32, #tpu.memory_space<hbm>>
    tpu.wait_dma2 semaphore(%arg14 : memref<!tpu.dma_semaphore, #tpu.memory_space<semaphore_mem>>) src(%arg12 : memref<8x8x128xf32, #tpu.memory_space<vmem>>) dst(%dma_wait3A_1467 : memref<8x8x128xf32, #tpu.memory_space<hbm>>)
    %add3A_1468 = arith.constant 1 : i32
    %add3A_1469 = arith.addi %mul3A_2, %add3A_1468 : i32
    %dma_wait3A_1470 = arith.constant 0 : i32
    %dma_wait3A_1471 = arith.constant 3 : i32
    %dma_wait3A_1472 = arith.constant 0 : i32
    %dma_wait3A_1473 = arith.constant 0 : i32
    %dma_wait3A_1474 = arith.constant 0 : i32
    %dma_wait3A_1475 = tpu.memref_slice %arg6[%add3A_1469, %dma_wait3A_1470, %dma_wait3A_1471, %dma_wait3A_1472, %dma_wait3A_1473, %dma_wait3A_1474] : memref<64x4x8x8x8x128xf32, #tpu.memory_space<hbm>> -> memref<1x1x1x8x8x128xf32, #tpu.memory_space<hbm>>
    %dma_wait3A_1476 = tpu.memref_squeeze %dma_wait3A_1475 : memref<1x1x1x8x8x128xf32, #tpu.memory_space<hbm>> -> memref<8x8x128xf32, #tpu.memory_space<hbm>>
    %dma_wait3A_1477 = arith.constant 0 : i32
    %dma_wait3A_1478 = arith.constant 0 : i32
    %dma_wait3A_1479 = arith.constant 0 : i32
    %dma_wait3A_1480 = tpu.memref_slice %arg6[%add3A_1469, %dma_wait3A_1470, %dma_wait3A_1471, %dma_wait3A_1477, %dma_wait3A_1478, %dma_wait3A_1479] : memref<64x4x8x8x8x128xf32, #tpu.memory_space<hbm>> -> memref<1x1x1x8x8x128xf32, #tpu.memory_space<hbm>>
    %dma_wait3A_1481 = tpu.memref_squeeze %dma_wait3A_1480 : memref<1x1x1x8x8x128xf32, #tpu.memory_space<hbm>> -> memref<8x8x128xf32, #tpu.memory_space<hbm>>
    tpu.wait_dma2 semaphore(%arg14 : memref<!tpu.dma_semaphore, #tpu.memory_space<semaphore_mem>>) src(%arg12 : memref<8x8x128xf32, #tpu.memory_space<vmem>>) dst(%dma_wait3A_1481 : memref<8x8x128xf32, #tpu.memory_space<hbm>>)
    %add3A_1482 = arith.constant 1 : i32
    %add3A_1483 = arith.addi %mul3A_2, %add3A_1482 : i32
    %dma_wait3A_1484 = arith.constant 0 : i32
    %dma_wait3A_1485 = arith.constant 4 : i32
    %dma_wait3A_1486 = arith.constant 0 : i32
    %dma_wait3A_1487 = arith.constant 0 : i32
    %dma_wait3A_1488 = arith.constant 0 : i32
    %dma_wait3A_1489 = tpu.memref_slice %arg6[%add3A_1483, %dma_wait3A_1484, %dma_wait3A_1485, %dma_wait3A_1486, %dma_wait3A_1487, %dma_wait3A_1488] : memref<64x4x8x8x8x128xf32, #tpu.memory_space<hbm>> -> memref<1x1x1x8x8x128xf32, #tpu.memory_space<hbm>>
    %dma_wait3A_1490 = tpu.memref_squeeze %dma_wait3A_1489 : memref<1x1x1x8x8x128xf32, #tpu.memory_space<hbm>> -> memref<8x8x128xf32, #tpu.memory_space<hbm>>
    %dma_wait3A_1491 = arith.constant 0 : i32
    %dma_wait3A_1492 = arith.constant 0 : i32
    %dma_wait3A_1493 = arith.constant 0 : i32
    %dma_wait3A_1494 = tpu.memref_slice %arg6[%add3A_1483, %dma_wait3A_1484, %dma_wait3A_1485, %dma_wait3A_1491, %dma_wait3A_1492, %dma_wait3A_1493] : memref<64x4x8x8x8x128xf32, #tpu.memory_space<hbm>> -> memref<1x1x1x8x8x128xf32, #tpu.memory_space<hbm>>
    %dma_wait3A_1495 = tpu.memref_squeeze %dma_wait3A_1494 : memref<1x1x1x8x8x128xf32, #tpu.memory_space<hbm>> -> memref<8x8x128xf32, #tpu.memory_space<hbm>>
    tpu.wait_dma2 semaphore(%arg14 : memref<!tpu.dma_semaphore, #tpu.memory_space<semaphore_mem>>) src(%arg12 : memref<8x8x128xf32, #tpu.memory_space<vmem>>) dst(%dma_wait3A_1495 : memref<8x8x128xf32, #tpu.memory_space<hbm>>)
    %add3A_1496 = arith.constant 1 : i32
    %add3A_1497 = arith.addi %mul3A_2, %add3A_1496 : i32
    %dma_wait3A_1498 = arith.constant 0 : i32
    %dma_wait3A_1499 = arith.constant 5 : i32
    %dma_wait3A_1500 = arith.constant 0 : i32
    %dma_wait3A_1501 = arith.constant 0 : i32
    %dma_wait3A_1502 = arith.constant 0 : i32
    %dma_wait3A_1503 = tpu.memref_slice %arg6[%add3A_1497, %dma_wait3A_1498, %dma_wait3A_1499, %dma_wait3A_1500, %dma_wait3A_1501, %dma_wait3A_1502] : memref<64x4x8x8x8x128xf32, #tpu.memory_space<hbm>> -> memref<1x1x1x8x8x128xf32, #tpu.memory_space<hbm>>
    %dma_wait3A_1504 = tpu.memref_squeeze %dma_wait3A_1503 : memref<1x1x1x8x8x128xf32, #tpu.memory_space<hbm>> -> memref<8x8x128xf32, #tpu.memory_space<hbm>>
    %dma_wait3A_1505 = arith.constant 0 : i32
    %dma_wait3A_1506 = arith.constant 0 : i32
    %dma_wait3A_1507 = arith.constant 0 : i32
    %dma_wait3A_1508 = tpu.memref_slice %arg6[%add3A_1497, %dma_wait3A_1498, %dma_wait3A_1499, %dma_wait3A_1505, %dma_wait3A_1506, %dma_wait3A_1507] : memref<64x4x8x8x8x128xf32, #tpu.memory_space<hbm>> -> memref<1x1x1x8x8x128xf32, #tpu.memory_space<hbm>>
    %dma_wait3A_1509 = tpu.memref_squeeze %dma_wait3A_1508 : memref<1x1x1x8x8x128xf32, #tpu.memory_space<hbm>> -> memref<8x8x128xf32, #tpu.memory_space<hbm>>
    tpu.wait_dma2 semaphore(%arg14 : memref<!tpu.dma_semaphore, #tpu.memory_space<semaphore_mem>>) src(%arg12 : memref<8x8x128xf32, #tpu.memory_space<vmem>>) dst(%dma_wait3A_1509 : memref<8x8x128xf32, #tpu.memory_space<hbm>>)
    %add3A_1510 = arith.constant 1 : i32
    %add3A_1511 = arith.addi %mul3A_2, %add3A_1510 : i32
    %dma_wait3A_1512 = arith.constant 0 : i32
    %dma_wait3A_1513 = arith.constant 6 : i32
    %dma_wait3A_1514 = arith.constant 0 : i32
    %dma_wait3A_1515 = arith.constant 0 : i32
    %dma_wait3A_1516 = arith.constant 0 : i32
    %dma_wait3A_1517 = tpu.memref_slice %arg6[%add3A_1511, %dma_wait3A_1512, %dma_wait3A_1513, %dma_wait3A_1514, %dma_wait3A_1515, %dma_wait3A_1516] : memref<64x4x8x8x8x128xf32, #tpu.memory_space<hbm>> -> memref<1x1x1x8x8x128xf32, #tpu.memory_space<hbm>>
    %dma_wait3A_1518 = tpu.memref_squeeze %dma_wait3A_1517 : memref<1x1x1x8x8x128xf32, #tpu.memory_space<hbm>> -> memref<8x8x128xf32, #tpu.memory_space<hbm>>
    %dma_wait3A_1519 = arith.constant 0 : i32
    %dma_wait3A_1520 = arith.constant 0 : i32
    %dma_wait3A_1521 = arith.constant 0 : i32
    %dma_wait3A_1522 = tpu.memref_slice %arg6[%add3A_1511, %dma_wait3A_1512, %dma_wait3A_1513, %dma_wait3A_1519, %dma_wait3A_1520, %dma_wait3A_1521] : memref<64x4x8x8x8x128xf32, #tpu.memory_space<hbm>> -> memref<1x1x1x8x8x128xf32, #tpu.memory_space<hbm>>
    %dma_wait3A_1523 = tpu.memref_squeeze %dma_wait3A_1522 : memref<1x1x1x8x8x128xf32, #tpu.memory_space<hbm>> -> memref<8x8x128xf32, #tpu.memory_space<hbm>>
    tpu.wait_dma2 semaphore(%arg14 : memref<!tpu.dma_semaphore, #tpu.memory_space<semaphore_mem>>) src(%arg12 : memref<8x8x128xf32, #tpu.memory_space<vmem>>) dst(%dma_wait3A_1523 : memref<8x8x128xf32, #tpu.memory_space<hbm>>)
    %add3A_1524 = arith.constant 1 : i32
    %add3A_1525 = arith.addi %mul3A_2, %add3A_1524 : i32
    %dma_wait3A_1526 = arith.constant 0 : i32
    %dma_wait3A_1527 = arith.constant 7 : i32
    %dma_wait3A_1528 = arith.constant 0 : i32
    %dma_wait3A_1529 = arith.constant 0 : i32
    %dma_wait3A_1530 = arith.constant 0 : i32
    %dma_wait3A_1531 = tpu.memref_slice %arg6[%add3A_1525, %dma_wait3A_1526, %dma_wait3A_1527, %dma_wait3A_1528, %dma_wait3A_1529, %dma_wait3A_1530] : memref<64x4x8x8x8x128xf32, #tpu.memory_space<hbm>> -> memref<1x1x1x8x8x128xf32, #tpu.memory_space<hbm>>
    %dma_wait3A_1532 = tpu.memref_squeeze %dma_wait3A_1531 : memref<1x1x1x8x8x128xf32, #tpu.memory_space<hbm>> -> memref<8x8x128xf32, #tpu.memory_space<hbm>>
    %dma_wait3A_1533 = arith.constant 0 : i32
    %dma_wait3A_1534 = arith.constant 0 : i32
    %dma_wait3A_1535 = arith.constant 0 : i32
    %dma_wait3A_1536 = tpu.memref_slice %arg6[%add3A_1525, %dma_wait3A_1526, %dma_wait3A_1527, %dma_wait3A_1533, %dma_wait3A_1534, %dma_wait3A_1535] : memref<64x4x8x8x8x128xf32, #tpu.memory_space<hbm>> -> memref<1x1x1x8x8x128xf32, #tpu.memory_space<hbm>>
    %dma_wait3A_1537 = tpu.memref_squeeze %dma_wait3A_1536 : memref<1x1x1x8x8x128xf32, #tpu.memory_space<hbm>> -> memref<8x8x128xf32, #tpu.memory_space<hbm>>
    tpu.wait_dma2 semaphore(%arg14 : memref<!tpu.dma_semaphore, #tpu.memory_space<semaphore_mem>>) src(%arg12 : memref<8x8x128xf32, #tpu.memory_space<vmem>>) dst(%dma_wait3A_1537 : memref<8x8x128xf32, #tpu.memory_space<hbm>>)
    %add3A_1538 = arith.constant 1 : i32
    %add3A_1539 = arith.addi %mul3A_2, %add3A_1538 : i32
    %dma_wait3A_1540 = arith.constant 1 : i32
    %dma_wait3A_1541 = arith.constant 0 : i32
    %dma_wait3A_1542 = arith.constant 0 : i32
    %dma_wait3A_1543 = arith.constant 0 : i32
    %dma_wait3A_1544 = arith.constant 0 : i32
    %dma_wait3A_1545 = tpu.memref_slice %arg6[%add3A_1539, %dma_wait3A_1540, %dma_wait3A_1541, %dma_wait3A_1542, %dma_wait3A_1543, %dma_wait3A_1544] : memref<64x4x8x8x8x128xf32, #tpu.memory_space<hbm>> -> memref<1x1x1x8x8x128xf32, #tpu.memory_space<hbm>>
    %dma_wait3A_1546 = tpu.memref_squeeze %dma_wait3A_1545 : memref<1x1x1x8x8x128xf32, #tpu.memory_space<hbm>> -> memref<8x8x128xf32, #tpu.memory_space<hbm>>
    %dma_wait3A_1547 = arith.constant 0 : i32
    %dma_wait3A_1548 = arith.constant 0 : i32
    %dma_wait3A_1549 = arith.constant 0 : i32
    %dma_wait3A_1550 = tpu.memref_slice %arg6[%add3A_1539, %dma_wait3A_1540, %dma_wait3A_1541, %dma_wait3A_1547, %dma_wait3A_1548, %dma_wait3A_1549] : memref<64x4x8x8x8x128xf32, #tpu.memory_space<hbm>> -> memref<1x1x1x8x8x128xf32, #tpu.memory_space<hbm>>
    %dma_wait3A_1551 = tpu.memref_squeeze %dma_wait3A_1550 : memref<1x1x1x8x8x128xf32, #tpu.memory_space<hbm>> -> memref<8x8x128xf32, #tpu.memory_space<hbm>>
    tpu.wait_dma2 semaphore(%arg14 : memref<!tpu.dma_semaphore, #tpu.memory_space<semaphore_mem>>) src(%arg12 : memref<8x8x128xf32, #tpu.memory_space<vmem>>) dst(%dma_wait3A_1551 : memref<8x8x128xf32, #tpu.memory_space<hbm>>)
    %add3A_1552 = arith.constant 1 : i32
    %add3A_1553 = arith.addi %mul3A_2, %add3A_1552 : i32
    %dma_wait3A_1554 = arith.constant 1 : i32
    %dma_wait3A_1555 = arith.constant 1 : i32
    %dma_wait3A_1556 = arith.constant 0 : i32
    %dma_wait3A_1557 = arith.constant 0 : i32
    %dma_wait3A_1558 = arith.constant 0 : i32
    %dma_wait3A_1559 = tpu.memref_slice %arg6[%add3A_1553, %dma_wait3A_1554, %dma_wait3A_1555, %dma_wait3A_1556, %dma_wait3A_1557, %dma_wait3A_1558] : memref<64x4x8x8x8x128xf32, #tpu.memory_space<hbm>> -> memref<1x1x1x8x8x128xf32, #tpu.memory_space<hbm>>
    %dma_wait3A_1560 = tpu.memref_squeeze %dma_wait3A_1559 : memref<1x1x1x8x8x128xf32, #tpu.memory_space<hbm>> -> memref<8x8x128xf32, #tpu.memory_space<hbm>>
    %dma_wait3A_1561 = arith.constant 0 : i32
    %dma_wait3A_1562 = arith.constant 0 : i32
    %dma_wait3A_1563 = arith.constant 0 : i32
    %dma_wait3A_1564 = tpu.memref_slice %arg6[%add3A_1553, %dma_wait3A_1554, %dma_wait3A_1555, %dma_wait3A_1561, %dma_wait3A_1562, %dma_wait3A_1563] : memref<64x4x8x8x8x128xf32, #tpu.memory_space<hbm>> -> memref<1x1x1x8x8x128xf32, #tpu.memory_space<hbm>>
    %dma_wait3A_1565 = tpu.memref_squeeze %dma_wait3A_1564 : memref<1x1x1x8x8x128xf32, #tpu.memory_space<hbm>> -> memref<8x8x128xf32, #tpu.memory_space<hbm>>
    tpu.wait_dma2 semaphore(%arg14 : memref<!tpu.dma_semaphore, #tpu.memory_space<semaphore_mem>>) src(%arg12 : memref<8x8x128xf32, #tpu.memory_space<vmem>>) dst(%dma_wait3A_1565 : memref<8x8x128xf32, #tpu.memory_space<hbm>>)
    %add3A_1566 = arith.constant 1 : i32
    %add3A_1567 = arith.addi %mul3A_2, %add3A_1566 : i32
    %dma_wait3A_1568 = arith.constant 1 : i32
    %dma_wait3A_1569 = arith.constant 2 : i32
    %dma_wait3A_1570 = arith.constant 0 : i32
    %dma_wait3A_1571 = arith.constant 0 : i32
    %dma_wait3A_1572 = arith.constant 0 : i32
    %dma_wait3A_1573 = tpu.memref_slice %arg6[%add3A_1567, %dma_wait3A_1568, %dma_wait3A_1569, %dma_wait3A_1570, %dma_wait3A_1571, %dma_wait3A_1572] : memref<64x4x8x8x8x128xf32, #tpu.memory_space<hbm>> -> memref<1x1x1x8x8x128xf32, #tpu.memory_space<hbm>>
    %dma_wait3A_1574 = tpu.memref_squeeze %dma_wait3A_1573 : memref<1x1x1x8x8x128xf32, #tpu.memory_space<hbm>> -> memref<8x8x128xf32, #tpu.memory_space<hbm>>
    %dma_wait3A_1575 = arith.constant 0 : i32
    %dma_wait3A_1576 = arith.constant 0 : i32
    %dma_wait3A_1577 = arith.constant 0 : i32
    %dma_wait3A_1578 = tpu.memref_slice %arg6[%add3A_1567, %dma_wait3A_1568, %dma_wait3A_1569, %dma_wait3A_1575, %dma_wait3A_1576, %dma_wait3A_1577] : memref<64x4x8x8x8x128xf32, #tpu.memory_space<hbm>> -> memref<1x1x1x8x8x128xf32, #tpu.memory_space<hbm>>
    %dma_wait3A_1579 = tpu.memref_squeeze %dma_wait3A_1578 : memref<1x1x1x8x8x128xf32, #tpu.memory_space<hbm>> -> memref<8x8x128xf32, #tpu.memory_space<hbm>>
    tpu.wait_dma2 semaphore(%arg14 : memref<!tpu.dma_semaphore, #tpu.memory_space<semaphore_mem>>) src(%arg12 : memref<8x8x128xf32, #tpu.memory_space<vmem>>) dst(%dma_wait3A_1579 : memref<8x8x128xf32, #tpu.memory_space<hbm>>)
    %add3A_1580 = arith.constant 1 : i32
    %add3A_1581 = arith.addi %mul3A_2, %add3A_1580 : i32
    %dma_wait3A_1582 = arith.constant 1 : i32
    %dma_wait3A_1583 = arith.constant 3 : i32
    %dma_wait3A_1584 = arith.constant 0 : i32
    %dma_wait3A_1585 = arith.constant 0 : i32
    %dma_wait3A_1586 = arith.constant 0 : i32
    %dma_wait3A_1587 = tpu.memref_slice %arg6[%add3A_1581, %dma_wait3A_1582, %dma_wait3A_1583, %dma_wait3A_1584, %dma_wait3A_1585, %dma_wait3A_1586] : memref<64x4x8x8x8x128xf32, #tpu.memory_space<hbm>> -> memref<1x1x1x8x8x128xf32, #tpu.memory_space<hbm>>
    %dma_wait3A_1588 = tpu.memref_squeeze %dma_wait3A_1587 : memref<1x1x1x8x8x128xf32, #tpu.memory_space<hbm>> -> memref<8x8x128xf32, #tpu.memory_space<hbm>>
    %dma_wait3A_1589 = arith.constant 0 : i32
    %dma_wait3A_1590 = arith.constant 0 : i32
    %dma_wait3A_1591 = arith.constant 0 : i32
    %dma_wait3A_1592 = tpu.memref_slice %arg6[%add3A_1581, %dma_wait3A_1582, %dma_wait3A_1583, %dma_wait3A_1589, %dma_wait3A_1590, %dma_wait3A_1591] : memref<64x4x8x8x8x128xf32, #tpu.memory_space<hbm>> -> memref<1x1x1x8x8x128xf32, #tpu.memory_space<hbm>>
    %dma_wait3A_1593 = tpu.memref_squeeze %dma_wait3A_1592 : memref<1x1x1x8x8x128xf32, #tpu.memory_space<hbm>> -> memref<8x8x128xf32, #tpu.memory_space<hbm>>
    tpu.wait_dma2 semaphore(%arg14 : memref<!tpu.dma_semaphore, #tpu.memory_space<semaphore_mem>>) src(%arg12 : memref<8x8x128xf32, #tpu.memory_space<vmem>>) dst(%dma_wait3A_1593 : memref<8x8x128xf32, #tpu.memory_space<hbm>>)
    %add3A_1594 = arith.constant 1 : i32
    %add3A_1595 = arith.addi %mul3A_2, %add3A_1594 : i32
    %dma_wait3A_1596 = arith.constant 1 : i32
    %dma_wait3A_1597 = arith.constant 4 : i32
    %dma_wait3A_1598 = arith.constant 0 : i32
    %dma_wait3A_1599 = arith.constant 0 : i32
    %dma_wait3A_1600 = arith.constant 0 : i32
    %dma_wait3A_1601 = tpu.memref_slice %arg6[%add3A_1595, %dma_wait3A_1596, %dma_wait3A_1597, %dma_wait3A_1598, %dma_wait3A_1599, %dma_wait3A_1600] : memref<64x4x8x8x8x128xf32, #tpu.memory_space<hbm>> -> memref<1x1x1x8x8x128xf32, #tpu.memory_space<hbm>>
    %dma_wait3A_1602 = tpu.memref_squeeze %dma_wait3A_1601 : memref<1x1x1x8x8x128xf32, #tpu.memory_space<hbm>> -> memref<8x8x128xf32, #tpu.memory_space<hbm>>
    %dma_wait3A_1603 = arith.constant 0 : i32
    %dma_wait3A_1604 = arith.constant 0 : i32
    %dma_wait3A_1605 = arith.constant 0 : i32
    %dma_wait3A_1606 = tpu.memref_slice %arg6[%add3A_1595, %dma_wait3A_1596, %dma_wait3A_1597, %dma_wait3A_1603, %dma_wait3A_1604, %dma_wait3A_1605] : memref<64x4x8x8x8x128xf32, #tpu.memory_space<hbm>> -> memref<1x1x1x8x8x128xf32, #tpu.memory_space<hbm>>
    %dma_wait3A_1607 = tpu.memref_squeeze %dma_wait3A_1606 : memref<1x1x1x8x8x128xf32, #tpu.memory_space<hbm>> -> memref<8x8x128xf32, #tpu.memory_space<hbm>>
    tpu.wait_dma2 semaphore(%arg14 : memref<!tpu.dma_semaphore, #tpu.memory_space<semaphore_mem>>) src(%arg12 : memref<8x8x128xf32, #tpu.memory_space<vmem>>) dst(%dma_wait3A_1607 : memref<8x8x128xf32, #tpu.memory_space<hbm>>)
    %add3A_1608 = arith.constant 1 : i32
    %add3A_1609 = arith.addi %mul3A_2, %add3A_1608 : i32
    %dma_wait3A_1610 = arith.constant 1 : i32
    %dma_wait3A_1611 = arith.constant 5 : i32
    %dma_wait3A_1612 = arith.constant 0 : i32
    %dma_wait3A_1613 = arith.constant 0 : i32
    %dma_wait3A_1614 = arith.constant 0 : i32
    %dma_wait3A_1615 = tpu.memref_slice %arg6[%add3A_1609, %dma_wait3A_1610, %dma_wait3A_1611, %dma_wait3A_1612, %dma_wait3A_1613, %dma_wait3A_1614] : memref<64x4x8x8x8x128xf32, #tpu.memory_space<hbm>> -> memref<1x1x1x8x8x128xf32, #tpu.memory_space<hbm>>
    %dma_wait3A_1616 = tpu.memref_squeeze %dma_wait3A_1615 : memref<1x1x1x8x8x128xf32, #tpu.memory_space<hbm>> -> memref<8x8x128xf32, #tpu.memory_space<hbm>>
    %dma_wait3A_1617 = arith.constant 0 : i32
    %dma_wait3A_1618 = arith.constant 0 : i32
    %dma_wait3A_1619 = arith.constant 0 : i32
    %dma_wait3A_1620 = tpu.memref_slice %arg6[%add3A_1609, %dma_wait3A_1610, %dma_wait3A_1611, %dma_wait3A_1617, %dma_wait3A_1618, %dma_wait3A_1619] : memref<64x4x8x8x8x128xf32, #tpu.memory_space<hbm>> -> memref<1x1x1x8x8x128xf32, #tpu.memory_space<hbm>>
    %dma_wait3A_1621 = tpu.memref_squeeze %dma_wait3A_1620 : memref<1x1x1x8x8x128xf32, #tpu.memory_space<hbm>> -> memref<8x8x128xf32, #tpu.memory_space<hbm>>
    tpu.wait_dma2 semaphore(%arg14 : memref<!tpu.dma_semaphore, #tpu.memory_space<semaphore_mem>>) src(%arg12 : memref<8x8x128xf32, #tpu.memory_space<vmem>>) dst(%dma_wait3A_1621 : memref<8x8x128xf32, #tpu.memory_space<hbm>>)
    %add3A_1622 = arith.constant 1 : i32
    %add3A_1623 = arith.addi %mul3A_2, %add3A_1622 : i32
    %dma_wait3A_1624 = arith.constant 1 : i32
    %dma_wait3A_1625 = arith.constant 6 : i32
    %dma_wait3A_1626 = arith.constant 0 : i32
    %dma_wait3A_1627 = arith.constant 0 : i32
    %dma_wait3A_1628 = arith.constant 0 : i32
    %dma_wait3A_1629 = tpu.memref_slice %arg6[%add3A_1623, %dma_wait3A_1624, %dma_wait3A_1625, %dma_wait3A_1626, %dma_wait3A_1627, %dma_wait3A_1628] : memref<64x4x8x8x8x128xf32, #tpu.memory_space<hbm>> -> memref<1x1x1x8x8x128xf32, #tpu.memory_space<hbm>>
    %dma_wait3A_1630 = tpu.memref_squeeze %dma_wait3A_1629 : memref<1x1x1x8x8x128xf32, #tpu.memory_space<hbm>> -> memref<8x8x128xf32, #tpu.memory_space<hbm>>
    %dma_wait3A_1631 = arith.constant 0 : i32
    %dma_wait3A_1632 = arith.constant 0 : i32
    %dma_wait3A_1633 = arith.constant 0 : i32
    %dma_wait3A_1634 = tpu.memref_slice %arg6[%add3A_1623, %dma_wait3A_1624, %dma_wait3A_1625, %dma_wait3A_1631, %dma_wait3A_1632, %dma_wait3A_1633] : memref<64x4x8x8x8x128xf32, #tpu.memory_space<hbm>> -> memref<1x1x1x8x8x128xf32, #tpu.memory_space<hbm>>
    %dma_wait3A_1635 = tpu.memref_squeeze %dma_wait3A_1634 : memref<1x1x1x8x8x128xf32, #tpu.memory_space<hbm>> -> memref<8x8x128xf32, #tpu.memory_space<hbm>>
    tpu.wait_dma2 semaphore(%arg14 : memref<!tpu.dma_semaphore, #tpu.memory_space<semaphore_mem>>) src(%arg12 : memref<8x8x128xf32, #tpu.memory_space<vmem>>) dst(%dma_wait3A_1635 : memref<8x8x128xf32, #tpu.memory_space<hbm>>)
    %add3A_1636 = arith.constant 1 : i32
    %add3A_1637 = arith.addi %mul3A_2, %add3A_1636 : i32
    %dma_wait3A_1638 = arith.constant 1 : i32
    %dma_wait3A_1639 = arith.constant 7 : i32
    %dma_wait3A_1640 = arith.constant 0 : i32
    %dma_wait3A_1641 = arith.constant 0 : i32
    %dma_wait3A_1642 = arith.constant 0 : i32
    %dma_wait3A_1643 = tpu.memref_slice %arg6[%add3A_1637, %dma_wait3A_1638, %dma_wait3A_1639, %dma_wait3A_1640, %dma_wait3A_1641, %dma_wait3A_1642] : memref<64x4x8x8x8x128xf32, #tpu.memory_space<hbm>> -> memref<1x1x1x8x8x128xf32, #tpu.memory_space<hbm>>
    %dma_wait3A_1644 = tpu.memref_squeeze %dma_wait3A_1643 : memref<1x1x1x8x8x128xf32, #tpu.memory_space<hbm>> -> memref<8x8x128xf32, #tpu.memory_space<hbm>>
    %dma_wait3A_1645 = arith.constant 0 : i32
    %dma_wait3A_1646 = arith.constant 0 : i32
    %dma_wait3A_1647 = arith.constant 0 : i32
    %dma_wait3A_1648 = tpu.memref_slice %arg6[%add3A_1637, %dma_wait3A_1638, %dma_wait3A_1639, %dma_wait3A_1645, %dma_wait3A_1646, %dma_wait3A_1647] : memref<64x4x8x8x8x128xf32, #tpu.memory_space<hbm>> -> memref<1x1x1x8x8x128xf32, #tpu.memory_space<hbm>>
    %dma_wait3A_1649 = tpu.memref_squeeze %dma_wait3A_1648 : memref<1x1x1x8x8x128xf32, #tpu.memory_space<hbm>> -> memref<8x8x128xf32, #tpu.memory_space<hbm>>
    tpu.wait_dma2 semaphore(%arg14 : memref<!tpu.dma_semaphore, #tpu.memory_space<semaphore_mem>>) src(%arg12 : memref<8x8x128xf32, #tpu.memory_space<vmem>>) dst(%dma_wait3A_1649 : memref<8x8x128xf32, #tpu.memory_space<hbm>>)
    %add3A_1650 = arith.constant 1 : i32
    %add3A_1651 = arith.addi %mul3A_2, %add3A_1650 : i32
    %dma_wait3A_1652 = arith.constant 2 : i32
    %dma_wait3A_1653 = arith.constant 0 : i32
    %dma_wait3A_1654 = arith.constant 0 : i32
    %dma_wait3A_1655 = arith.constant 0 : i32
    %dma_wait3A_1656 = arith.constant 0 : i32
    %dma_wait3A_1657 = tpu.memref_slice %arg6[%add3A_1651, %dma_wait3A_1652, %dma_wait3A_1653, %dma_wait3A_1654, %dma_wait3A_1655, %dma_wait3A_1656] : memref<64x4x8x8x8x128xf32, #tpu.memory_space<hbm>> -> memref<1x1x1x8x8x128xf32, #tpu.memory_space<hbm>>
    %dma_wait3A_1658 = tpu.memref_squeeze %dma_wait3A_1657 : memref<1x1x1x8x8x128xf32, #tpu.memory_space<hbm>> -> memref<8x8x128xf32, #tpu.memory_space<hbm>>
    %dma_wait3A_1659 = arith.constant 0 : i32
    %dma_wait3A_1660 = arith.constant 0 : i32
    %dma_wait3A_1661 = arith.constant 0 : i32
    %dma_wait3A_1662 = tpu.memref_slice %arg6[%add3A_1651, %dma_wait3A_1652, %dma_wait3A_1653, %dma_wait3A_1659, %dma_wait3A_1660, %dma_wait3A_1661] : memref<64x4x8x8x8x128xf32, #tpu.memory_space<hbm>> -> memref<1x1x1x8x8x128xf32, #tpu.memory_space<hbm>>
    %dma_wait3A_1663 = tpu.memref_squeeze %dma_wait3A_1662 : memref<1x1x1x8x8x128xf32, #tpu.memory_space<hbm>> -> memref<8x8x128xf32, #tpu.memory_space<hbm>>
    tpu.wait_dma2 semaphore(%arg14 : memref<!tpu.dma_semaphore, #tpu.memory_space<semaphore_mem>>) src(%arg12 : memref<8x8x128xf32, #tpu.memory_space<vmem>>) dst(%dma_wait3A_1663 : memref<8x8x128xf32, #tpu.memory_space<hbm>>)
    %add3A_1664 = arith.constant 1 : i32
    %add3A_1665 = arith.addi %mul3A_2, %add3A_1664 : i32
    %dma_wait3A_1666 = arith.constant 2 : i32
    %dma_wait3A_1667 = arith.constant 1 : i32
    %dma_wait3A_1668 = arith.constant 0 : i32
    %dma_wait3A_1669 = arith.constant 0 : i32
    %dma_wait3A_1670 = arith.constant 0 : i32
    %dma_wait3A_1671 = tpu.memref_slice %arg6[%add3A_1665, %dma_wait3A_1666, %dma_wait3A_1667, %dma_wait3A_1668, %dma_wait3A_1669, %dma_wait3A_1670] : memref<64x4x8x8x8x128xf32, #tpu.memory_space<hbm>> -> memref<1x1x1x8x8x128xf32, #tpu.memory_space<hbm>>
    %dma_wait3A_1672 = tpu.memref_squeeze %dma_wait3A_1671 : memref<1x1x1x8x8x128xf32, #tpu.memory_space<hbm>> -> memref<8x8x128xf32, #tpu.memory_space<hbm>>
    %dma_wait3A_1673 = arith.constant 0 : i32
    %dma_wait3A_1674 = arith.constant 0 : i32
    %dma_wait3A_1675 = arith.constant 0 : i32
    %dma_wait3A_1676 = tpu.memref_slice %arg6[%add3A_1665, %dma_wait3A_1666, %dma_wait3A_1667, %dma_wait3A_1673, %dma_wait3A_1674, %dma_wait3A_1675] : memref<64x4x8x8x8x128xf32, #tpu.memory_space<hbm>> -> memref<1x1x1x8x8x128xf32, #tpu.memory_space<hbm>>
    %dma_wait3A_1677 = tpu.memref_squeeze %dma_wait3A_1676 : memref<1x1x1x8x8x128xf32, #tpu.memory_space<hbm>> -> memref<8x8x128xf32, #tpu.memory_space<hbm>>
    tpu.wait_dma2 semaphore(%arg14 : memref<!tpu.dma_semaphore, #tpu.memory_space<semaphore_mem>>) src(%arg12 : memref<8x8x128xf32, #tpu.memory_space<vmem>>) dst(%dma_wait3A_1677 : memref<8x8x128xf32, #tpu.memory_space<hbm>>)
    %add3A_1678 = arith.constant 1 : i32
    %add3A_1679 = arith.addi %mul3A_2, %add3A_1678 : i32
    %dma_wait3A_1680 = arith.constant 2 : i32
    %dma_wait3A_1681 = arith.constant 2 : i32
    %dma_wait3A_1682 = arith.constant 0 : i32
    %dma_wait3A_1683 = arith.constant 0 : i32
    %dma_wait3A_1684 = arith.constant 0 : i32
    %dma_wait3A_1685 = tpu.memref_slice %arg6[%add3A_1679, %dma_wait3A_1680, %dma_wait3A_1681, %dma_wait3A_1682, %dma_wait3A_1683, %dma_wait3A_1684] : memref<64x4x8x8x8x128xf32, #tpu.memory_space<hbm>> -> memref<1x1x1x8x8x128xf32, #tpu.memory_space<hbm>>
    %dma_wait3A_1686 = tpu.memref_squeeze %dma_wait3A_1685 : memref<1x1x1x8x8x128xf32, #tpu.memory_space<hbm>> -> memref<8x8x128xf32, #tpu.memory_space<hbm>>
    %dma_wait3A_1687 = arith.constant 0 : i32
    %dma_wait3A_1688 = arith.constant 0 : i32
    %dma_wait3A_1689 = arith.constant 0 : i32
    %dma_wait3A_1690 = tpu.memref_slice %arg6[%add3A_1679, %dma_wait3A_1680, %dma_wait3A_1681, %dma_wait3A_1687, %dma_wait3A_1688, %dma_wait3A_1689] : memref<64x4x8x8x8x128xf32, #tpu.memory_space<hbm>> -> memref<1x1x1x8x8x128xf32, #tpu.memory_space<hbm>>
    %dma_wait3A_1691 = tpu.memref_squeeze %dma_wait3A_1690 : memref<1x1x1x8x8x128xf32, #tpu.memory_space<hbm>> -> memref<8x8x128xf32, #tpu.memory_space<hbm>>
    tpu.wait_dma2 semaphore(%arg14 : memref<!tpu.dma_semaphore, #tpu.memory_space<semaphore_mem>>) src(%arg12 : memref<8x8x128xf32, #tpu.memory_space<vmem>>) dst(%dma_wait3A_1691 : memref<8x8x128xf32, #tpu.memory_space<hbm>>)
    %add3A_1692 = arith.constant 1 : i32
    %add3A_1693 = arith.addi %mul3A_2, %add3A_1692 : i32
    %dma_wait3A_1694 = arith.constant 2 : i32
    %dma_wait3A_1695 = arith.constant 3 : i32
    %dma_wait3A_1696 = arith.constant 0 : i32
    %dma_wait3A_1697 = arith.constant 0 : i32
    %dma_wait3A_1698 = arith.constant 0 : i32
    %dma_wait3A_1699 = tpu.memref_slice %arg6[%add3A_1693, %dma_wait3A_1694, %dma_wait3A_1695, %dma_wait3A_1696, %dma_wait3A_1697, %dma_wait3A_1698] : memref<64x4x8x8x8x128xf32, #tpu.memory_space<hbm>> -> memref<1x1x1x8x8x128xf32, #tpu.memory_space<hbm>>
    %dma_wait3A_1700 = tpu.memref_squeeze %dma_wait3A_1699 : memref<1x1x1x8x8x128xf32, #tpu.memory_space<hbm>> -> memref<8x8x128xf32, #tpu.memory_space<hbm>>
    %dma_wait3A_1701 = arith.constant 0 : i32
    %dma_wait3A_1702 = arith.constant 0 : i32
    %dma_wait3A_1703 = arith.constant 0 : i32
    %dma_wait3A_1704 = tpu.memref_slice %arg6[%add3A_1693, %dma_wait3A_1694, %dma_wait3A_1695, %dma_wait3A_1701, %dma_wait3A_1702, %dma_wait3A_1703] : memref<64x4x8x8x8x128xf32, #tpu.memory_space<hbm>> -> memref<1x1x1x8x8x128xf32, #tpu.memory_space<hbm>>
    %dma_wait3A_1705 = tpu.memref_squeeze %dma_wait3A_1704 : memref<1x1x1x8x8x128xf32, #tpu.memory_space<hbm>> -> memref<8x8x128xf32, #tpu.memory_space<hbm>>
    tpu.wait_dma2 semaphore(%arg14 : memref<!tpu.dma_semaphore, #tpu.memory_space<semaphore_mem>>) src(%arg12 : memref<8x8x128xf32, #tpu.memory_space<vmem>>) dst(%dma_wait3A_1705 : memref<8x8x128xf32, #tpu.memory_space<hbm>>)
    %add3A_1706 = arith.constant 1 : i32
    %add3A_1707 = arith.addi %mul3A_2, %add3A_1706 : i32
    %dma_wait3A_1708 = arith.constant 2 : i32
    %dma_wait3A_1709 = arith.constant 4 : i32
    %dma_wait3A_1710 = arith.constant 0 : i32
    %dma_wait3A_1711 = arith.constant 0 : i32
    %dma_wait3A_1712 = arith.constant 0 : i32
    %dma_wait3A_1713 = tpu.memref_slice %arg6[%add3A_1707, %dma_wait3A_1708, %dma_wait3A_1709, %dma_wait3A_1710, %dma_wait3A_1711, %dma_wait3A_1712] : memref<64x4x8x8x8x128xf32, #tpu.memory_space<hbm>> -> memref<1x1x1x8x8x128xf32, #tpu.memory_space<hbm>>
    %dma_wait3A_1714 = tpu.memref_squeeze %dma_wait3A_1713 : memref<1x1x1x8x8x128xf32, #tpu.memory_space<hbm>> -> memref<8x8x128xf32, #tpu.memory_space<hbm>>
    %dma_wait3A_1715 = arith.constant 0 : i32
    %dma_wait3A_1716 = arith.constant 0 : i32
    %dma_wait3A_1717 = arith.constant 0 : i32
    %dma_wait3A_1718 = tpu.memref_slice %arg6[%add3A_1707, %dma_wait3A_1708, %dma_wait3A_1709, %dma_wait3A_1715, %dma_wait3A_1716, %dma_wait3A_1717] : memref<64x4x8x8x8x128xf32, #tpu.memory_space<hbm>> -> memref<1x1x1x8x8x128xf32, #tpu.memory_space<hbm>>
    %dma_wait3A_1719 = tpu.memref_squeeze %dma_wait3A_1718 : memref<1x1x1x8x8x128xf32, #tpu.memory_space<hbm>> -> memref<8x8x128xf32, #tpu.memory_space<hbm>>
    tpu.wait_dma2 semaphore(%arg14 : memref<!tpu.dma_semaphore, #tpu.memory_space<semaphore_mem>>) src(%arg12 : memref<8x8x128xf32, #tpu.memory_space<vmem>>) dst(%dma_wait3A_1719 : memref<8x8x128xf32, #tpu.memory_space<hbm>>)
    %add3A_1720 = arith.constant 1 : i32
    %add3A_1721 = arith.addi %mul3A_2, %add3A_1720 : i32
    %dma_wait3A_1722 = arith.constant 2 : i32
    %dma_wait3A_1723 = arith.constant 5 : i32
    %dma_wait3A_1724 = arith.constant 0 : i32
    %dma_wait3A_1725 = arith.constant 0 : i32
    %dma_wait3A_1726 = arith.constant 0 : i32
    %dma_wait3A_1727 = tpu.memref_slice %arg6[%add3A_1721, %dma_wait3A_1722, %dma_wait3A_1723, %dma_wait3A_1724, %dma_wait3A_1725, %dma_wait3A_1726] : memref<64x4x8x8x8x128xf32, #tpu.memory_space<hbm>> -> memref<1x1x1x8x8x128xf32, #tpu.memory_space<hbm>>
    %dma_wait3A_1728 = tpu.memref_squeeze %dma_wait3A_1727 : memref<1x1x1x8x8x128xf32, #tpu.memory_space<hbm>> -> memref<8x8x128xf32, #tpu.memory_space<hbm>>
    %dma_wait3A_1729 = arith.constant 0 : i32
    %dma_wait3A_1730 = arith.constant 0 : i32
    %dma_wait3A_1731 = arith.constant 0 : i32
    %dma_wait3A_1732 = tpu.memref_slice %arg6[%add3A_1721, %dma_wait3A_1722, %dma_wait3A_1723, %dma_wait3A_1729, %dma_wait3A_1730, %dma_wait3A_1731] : memref<64x4x8x8x8x128xf32, #tpu.memory_space<hbm>> -> memref<1x1x1x8x8x128xf32, #tpu.memory_space<hbm>>
    %dma_wait3A_1733 = tpu.memref_squeeze %dma_wait3A_1732 : memref<1x1x1x8x8x128xf32, #tpu.memory_space<hbm>> -> memref<8x8x128xf32, #tpu.memory_space<hbm>>
    tpu.wait_dma2 semaphore(%arg14 : memref<!tpu.dma_semaphore, #tpu.memory_space<semaphore_mem>>) src(%arg12 : memref<8x8x128xf32, #tpu.memory_space<vmem>>) dst(%dma_wait3A_1733 : memref<8x8x128xf32, #tpu.memory_space<hbm>>)
    %add3A_1734 = arith.constant 1 : i32
    %add3A_1735 = arith.addi %mul3A_2, %add3A_1734 : i32
    %dma_wait3A_1736 = arith.constant 2 : i32
    %dma_wait3A_1737 = arith.constant 6 : i32
    %dma_wait3A_1738 = arith.constant 0 : i32
    %dma_wait3A_1739 = arith.constant 0 : i32
    %dma_wait3A_1740 = arith.constant 0 : i32
    %dma_wait3A_1741 = tpu.memref_slice %arg6[%add3A_1735, %dma_wait3A_1736, %dma_wait3A_1737, %dma_wait3A_1738, %dma_wait3A_1739, %dma_wait3A_1740] : memref<64x4x8x8x8x128xf32, #tpu.memory_space<hbm>> -> memref<1x1x1x8x8x128xf32, #tpu.memory_space<hbm>>
    %dma_wait3A_1742 = tpu.memref_squeeze %dma_wait3A_1741 : memref<1x1x1x8x8x128xf32, #tpu.memory_space<hbm>> -> memref<8x8x128xf32, #tpu.memory_space<hbm>>
    %dma_wait3A_1743 = arith.constant 0 : i32
    %dma_wait3A_1744 = arith.constant 0 : i32
    %dma_wait3A_1745 = arith.constant 0 : i32
    %dma_wait3A_1746 = tpu.memref_slice %arg6[%add3A_1735, %dma_wait3A_1736, %dma_wait3A_1737, %dma_wait3A_1743, %dma_wait3A_1744, %dma_wait3A_1745] : memref<64x4x8x8x8x128xf32, #tpu.memory_space<hbm>> -> memref<1x1x1x8x8x128xf32, #tpu.memory_space<hbm>>
    %dma_wait3A_1747 = tpu.memref_squeeze %dma_wait3A_1746 : memref<1x1x1x8x8x128xf32, #tpu.memory_space<hbm>> -> memref<8x8x128xf32, #tpu.memory_space<hbm>>
    tpu.wait_dma2 semaphore(%arg14 : memref<!tpu.dma_semaphore, #tpu.memory_space<semaphore_mem>>) src(%arg12 : memref<8x8x128xf32, #tpu.memory_space<vmem>>) dst(%dma_wait3A_1747 : memref<8x8x128xf32, #tpu.memory_space<hbm>>)
    %add3A_1748 = arith.constant 1 : i32
    %add3A_1749 = arith.addi %mul3A_2, %add3A_1748 : i32
    %dma_wait3A_1750 = arith.constant 2 : i32
    %dma_wait3A_1751 = arith.constant 7 : i32
    %dma_wait3A_1752 = arith.constant 0 : i32
    %dma_wait3A_1753 = arith.constant 0 : i32
    %dma_wait3A_1754 = arith.constant 0 : i32
    %dma_wait3A_1755 = tpu.memref_slice %arg6[%add3A_1749, %dma_wait3A_1750, %dma_wait3A_1751, %dma_wait3A_1752, %dma_wait3A_1753, %dma_wait3A_1754] : memref<64x4x8x8x8x128xf32, #tpu.memory_space<hbm>> -> memref<1x1x1x8x8x128xf32, #tpu.memory_space<hbm>>
    %dma_wait3A_1756 = tpu.memref_squeeze %dma_wait3A_1755 : memref<1x1x1x8x8x128xf32, #tpu.memory_space<hbm>> -> memref<8x8x128xf32, #tpu.memory_space<hbm>>
    %dma_wait3A_1757 = arith.constant 0 : i32
    %dma_wait3A_1758 = arith.constant 0 : i32
    %dma_wait3A_1759 = arith.constant 0 : i32
    %dma_wait3A_1760 = tpu.memref_slice %arg6[%add3A_1749, %dma_wait3A_1750, %dma_wait3A_1751, %dma_wait3A_1757, %dma_wait3A_1758, %dma_wait3A_1759] : memref<64x4x8x8x8x128xf32, #tpu.memory_space<hbm>> -> memref<1x1x1x8x8x128xf32, #tpu.memory_space<hbm>>
    %dma_wait3A_1761 = tpu.memref_squeeze %dma_wait3A_1760 : memref<1x1x1x8x8x128xf32, #tpu.memory_space<hbm>> -> memref<8x8x128xf32, #tpu.memory_space<hbm>>
    tpu.wait_dma2 semaphore(%arg14 : memref<!tpu.dma_semaphore, #tpu.memory_space<semaphore_mem>>) src(%arg12 : memref<8x8x128xf32, #tpu.memory_space<vmem>>) dst(%dma_wait3A_1761 : memref<8x8x128xf32, #tpu.memory_space<hbm>>)
    %add3A_1762 = arith.constant 1 : i32
    %add3A_1763 = arith.addi %mul3A_2, %add3A_1762 : i32
    %dma_wait3A_1764 = arith.constant 3 : i32
    %dma_wait3A_1765 = arith.constant 0 : i32
    %dma_wait3A_1766 = arith.constant 0 : i32
    %dma_wait3A_1767 = arith.constant 0 : i32
    %dma_wait3A_1768 = arith.constant 0 : i32
    %dma_wait3A_1769 = tpu.memref_slice %arg6[%add3A_1763, %dma_wait3A_1764, %dma_wait3A_1765, %dma_wait3A_1766, %dma_wait3A_1767, %dma_wait3A_1768] : memref<64x4x8x8x8x128xf32, #tpu.memory_space<hbm>> -> memref<1x1x1x8x8x128xf32, #tpu.memory_space<hbm>>
    %dma_wait3A_1770 = tpu.memref_squeeze %dma_wait3A_1769 : memref<1x1x1x8x8x128xf32, #tpu.memory_space<hbm>> -> memref<8x8x128xf32, #tpu.memory_space<hbm>>
    %dma_wait3A_1771 = arith.constant 0 : i32
    %dma_wait3A_1772 = arith.constant 0 : i32
    %dma_wait3A_1773 = arith.constant 0 : i32
    %dma_wait3A_1774 = tpu.memref_slice %arg6[%add3A_1763, %dma_wait3A_1764, %dma_wait3A_1765, %dma_wait3A_1771, %dma_wait3A_1772, %dma_wait3A_1773] : memref<64x4x8x8x8x128xf32, #tpu.memory_space<hbm>> -> memref<1x1x1x8x8x128xf32, #tpu.memory_space<hbm>>
    %dma_wait3A_1775 = tpu.memref_squeeze %dma_wait3A_1774 : memref<1x1x1x8x8x128xf32, #tpu.memory_space<hbm>> -> memref<8x8x128xf32, #tpu.memory_space<hbm>>
    tpu.wait_dma2 semaphore(%arg14 : memref<!tpu.dma_semaphore, #tpu.memory_space<semaphore_mem>>) src(%arg12 : memref<8x8x128xf32, #tpu.memory_space<vmem>>) dst(%dma_wait3A_1775 : memref<8x8x128xf32, #tpu.memory_space<hbm>>)
    %add3A_1776 = arith.constant 1 : i32
    %add3A_1777 = arith.addi %mul3A_2, %add3A_1776 : i32
    %dma_wait3A_1778 = arith.constant 3 : i32
    %dma_wait3A_1779 = arith.constant 1 : i32
    %dma_wait3A_1780 = arith.constant 0 : i32
    %dma_wait3A_1781 = arith.constant 0 : i32
    %dma_wait3A_1782 = arith.constant 0 : i32
    %dma_wait3A_1783 = tpu.memref_slice %arg6[%add3A_1777, %dma_wait3A_1778, %dma_wait3A_1779, %dma_wait3A_1780, %dma_wait3A_1781, %dma_wait3A_1782] : memref<64x4x8x8x8x128xf32, #tpu.memory_space<hbm>> -> memref<1x1x1x8x8x128xf32, #tpu.memory_space<hbm>>
    %dma_wait3A_1784 = tpu.memref_squeeze %dma_wait3A_1783 : memref<1x1x1x8x8x128xf32, #tpu.memory_space<hbm>> -> memref<8x8x128xf32, #tpu.memory_space<hbm>>
    %dma_wait3A_1785 = arith.constant 0 : i32
    %dma_wait3A_1786 = arith.constant 0 : i32
    %dma_wait3A_1787 = arith.constant 0 : i32
    %dma_wait3A_1788 = tpu.memref_slice %arg6[%add3A_1777, %dma_wait3A_1778, %dma_wait3A_1779, %dma_wait3A_1785, %dma_wait3A_1786, %dma_wait3A_1787] : memref<64x4x8x8x8x128xf32, #tpu.memory_space<hbm>> -> memref<1x1x1x8x8x128xf32, #tpu.memory_space<hbm>>
    %dma_wait3A_1789 = tpu.memref_squeeze %dma_wait3A_1788 : memref<1x1x1x8x8x128xf32, #tpu.memory_space<hbm>> -> memref<8x8x128xf32, #tpu.memory_space<hbm>>
    tpu.wait_dma2 semaphore(%arg14 : memref<!tpu.dma_semaphore, #tpu.memory_space<semaphore_mem>>) src(%arg12 : memref<8x8x128xf32, #tpu.memory_space<vmem>>) dst(%dma_wait3A_1789 : memref<8x8x128xf32, #tpu.memory_space<hbm>>)
    %add3A_1790 = arith.constant 1 : i32
    %add3A_1791 = arith.addi %mul3A_2, %add3A_1790 : i32
    %dma_wait3A_1792 = arith.constant 3 : i32
    %dma_wait3A_1793 = arith.constant 2 : i32
    %dma_wait3A_1794 = arith.constant 0 : i32
    %dma_wait3A_1795 = arith.constant 0 : i32
    %dma_wait3A_1796 = arith.constant 0 : i32
    %dma_wait3A_1797 = tpu.memref_slice %arg6[%add3A_1791, %dma_wait3A_1792, %dma_wait3A_1793, %dma_wait3A_1794, %dma_wait3A_1795, %dma_wait3A_1796] : memref<64x4x8x8x8x128xf32, #tpu.memory_space<hbm>> -> memref<1x1x1x8x8x128xf32, #tpu.memory_space<hbm>>
    %dma_wait3A_1798 = tpu.memref_squeeze %dma_wait3A_1797 : memref<1x1x1x8x8x128xf32, #tpu.memory_space<hbm>> -> memref<8x8x128xf32, #tpu.memory_space<hbm>>
    %dma_wait3A_1799 = arith.constant 0 : i32
    %dma_wait3A_1800 = arith.constant 0 : i32
    %dma_wait3A_1801 = arith.constant 0 : i32
    %dma_wait3A_1802 = tpu.memref_slice %arg6[%add3A_1791, %dma_wait3A_1792, %dma_wait3A_1793, %dma_wait3A_1799, %dma_wait3A_1800, %dma_wait3A_1801] : memref<64x4x8x8x8x128xf32, #tpu.memory_space<hbm>> -> memref<1x1x1x8x8x128xf32, #tpu.memory_space<hbm>>
    %dma_wait3A_1803 = tpu.memref_squeeze %dma_wait3A_1802 : memref<1x1x1x8x8x128xf32, #tpu.memory_space<hbm>> -> memref<8x8x128xf32, #tpu.memory_space<hbm>>
    tpu.wait_dma2 semaphore(%arg14 : memref<!tpu.dma_semaphore, #tpu.memory_space<semaphore_mem>>) src(%arg12 : memref<8x8x128xf32, #tpu.memory_space<vmem>>) dst(%dma_wait3A_1803 : memref<8x8x128xf32, #tpu.memory_space<hbm>>)
    %add3A_1804 = arith.constant 1 : i32
    %add3A_1805 = arith.addi %mul3A_2, %add3A_1804 : i32
    %dma_wait3A_1806 = arith.constant 3 : i32
    %dma_wait3A_1807 = arith.constant 3 : i32
    %dma_wait3A_1808 = arith.constant 0 : i32
    %dma_wait3A_1809 = arith.constant 0 : i32
    %dma_wait3A_1810 = arith.constant 0 : i32
    %dma_wait3A_1811 = tpu.memref_slice %arg6[%add3A_1805, %dma_wait3A_1806, %dma_wait3A_1807, %dma_wait3A_1808, %dma_wait3A_1809, %dma_wait3A_1810] : memref<64x4x8x8x8x128xf32, #tpu.memory_space<hbm>> -> memref<1x1x1x8x8x128xf32, #tpu.memory_space<hbm>>
    %dma_wait3A_1812 = tpu.memref_squeeze %dma_wait3A_1811 : memref<1x1x1x8x8x128xf32, #tpu.memory_space<hbm>> -> memref<8x8x128xf32, #tpu.memory_space<hbm>>
    %dma_wait3A_1813 = arith.constant 0 : i32
    %dma_wait3A_1814 = arith.constant 0 : i32
    %dma_wait3A_1815 = arith.constant 0 : i32
    %dma_wait3A_1816 = tpu.memref_slice %arg6[%add3A_1805, %dma_wait3A_1806, %dma_wait3A_1807, %dma_wait3A_1813, %dma_wait3A_1814, %dma_wait3A_1815] : memref<64x4x8x8x8x128xf32, #tpu.memory_space<hbm>> -> memref<1x1x1x8x8x128xf32, #tpu.memory_space<hbm>>
    %dma_wait3A_1817 = tpu.memref_squeeze %dma_wait3A_1816 : memref<1x1x1x8x8x128xf32, #tpu.memory_space<hbm>> -> memref<8x8x128xf32, #tpu.memory_space<hbm>>
    tpu.wait_dma2 semaphore(%arg14 : memref<!tpu.dma_semaphore, #tpu.memory_space<semaphore_mem>>) src(%arg12 : memref<8x8x128xf32, #tpu.memory_space<vmem>>) dst(%dma_wait3A_1817 : memref<8x8x128xf32, #tpu.memory_space<hbm>>)
    %add3A_1818 = arith.constant 1 : i32
    %add3A_1819 = arith.addi %mul3A_2, %add3A_1818 : i32
    %dma_wait3A_1820 = arith.constant 3 : i32
    %dma_wait3A_1821 = arith.constant 4 : i32
    %dma_wait3A_1822 = arith.constant 0 : i32
    %dma_wait3A_1823 = arith.constant 0 : i32
    %dma_wait3A_1824 = arith.constant 0 : i32
    %dma_wait3A_1825 = tpu.memref_slice %arg6[%add3A_1819, %dma_wait3A_1820, %dma_wait3A_1821, %dma_wait3A_1822, %dma_wait3A_1823, %dma_wait3A_1824] : memref<64x4x8x8x8x128xf32, #tpu.memory_space<hbm>> -> memref<1x1x1x8x8x128xf32, #tpu.memory_space<hbm>>
    %dma_wait3A_1826 = tpu.memref_squeeze %dma_wait3A_1825 : memref<1x1x1x8x8x128xf32, #tpu.memory_space<hbm>> -> memref<8x8x128xf32, #tpu.memory_space<hbm>>
    %dma_wait3A_1827 = arith.constant 0 : i32
    %dma_wait3A_1828 = arith.constant 0 : i32
    %dma_wait3A_1829 = arith.constant 0 : i32
    %dma_wait3A_1830 = tpu.memref_slice %arg6[%add3A_1819, %dma_wait3A_1820, %dma_wait3A_1821, %dma_wait3A_1827, %dma_wait3A_1828, %dma_wait3A_1829] : memref<64x4x8x8x8x128xf32, #tpu.memory_space<hbm>> -> memref<1x1x1x8x8x128xf32, #tpu.memory_space<hbm>>
    %dma_wait3A_1831 = tpu.memref_squeeze %dma_wait3A_1830 : memref<1x1x1x8x8x128xf32, #tpu.memory_space<hbm>> -> memref<8x8x128xf32, #tpu.memory_space<hbm>>
    tpu.wait_dma2 semaphore(%arg14 : memref<!tpu.dma_semaphore, #tpu.memory_space<semaphore_mem>>) src(%arg12 : memref<8x8x128xf32, #tpu.memory_space<vmem>>) dst(%dma_wait3A_1831 : memref<8x8x128xf32, #tpu.memory_space<hbm>>)
    %add3A_1832 = arith.constant 1 : i32
    %add3A_1833 = arith.addi %mul3A_2, %add3A_1832 : i32
    %dma_wait3A_1834 = arith.constant 3 : i32
    %dma_wait3A_1835 = arith.constant 5 : i32
    %dma_wait3A_1836 = arith.constant 0 : i32
    %dma_wait3A_1837 = arith.constant 0 : i32
    %dma_wait3A_1838 = arith.constant 0 : i32
    %dma_wait3A_1839 = tpu.memref_slice %arg6[%add3A_1833, %dma_wait3A_1834, %dma_wait3A_1835, %dma_wait3A_1836, %dma_wait3A_1837, %dma_wait3A_1838] : memref<64x4x8x8x8x128xf32, #tpu.memory_space<hbm>> -> memref<1x1x1x8x8x128xf32, #tpu.memory_space<hbm>>
    %dma_wait3A_1840 = tpu.memref_squeeze %dma_wait3A_1839 : memref<1x1x1x8x8x128xf32, #tpu.memory_space<hbm>> -> memref<8x8x128xf32, #tpu.memory_space<hbm>>
    %dma_wait3A_1841 = arith.constant 0 : i32
    %dma_wait3A_1842 = arith.constant 0 : i32
    %dma_wait3A_1843 = arith.constant 0 : i32
    %dma_wait3A_1844 = tpu.memref_slice %arg6[%add3A_1833, %dma_wait3A_1834, %dma_wait3A_1835, %dma_wait3A_1841, %dma_wait3A_1842, %dma_wait3A_1843] : memref<64x4x8x8x8x128xf32, #tpu.memory_space<hbm>> -> memref<1x1x1x8x8x128xf32, #tpu.memory_space<hbm>>
    %dma_wait3A_1845 = tpu.memref_squeeze %dma_wait3A_1844 : memref<1x1x1x8x8x128xf32, #tpu.memory_space<hbm>> -> memref<8x8x128xf32, #tpu.memory_space<hbm>>
    tpu.wait_dma2 semaphore(%arg14 : memref<!tpu.dma_semaphore, #tpu.memory_space<semaphore_mem>>) src(%arg12 : memref<8x8x128xf32, #tpu.memory_space<vmem>>) dst(%dma_wait3A_1845 : memref<8x8x128xf32, #tpu.memory_space<hbm>>)
    %add3A_1846 = arith.constant 1 : i32
    %add3A_1847 = arith.addi %mul3A_2, %add3A_1846 : i32
    %dma_wait3A_1848 = arith.constant 3 : i32
    %dma_wait3A_1849 = arith.constant 6 : i32
    %dma_wait3A_1850 = arith.constant 0 : i32
    %dma_wait3A_1851 = arith.constant 0 : i32
    %dma_wait3A_1852 = arith.constant 0 : i32
    %dma_wait3A_1853 = tpu.memref_slice %arg6[%add3A_1847, %dma_wait3A_1848, %dma_wait3A_1849, %dma_wait3A_1850, %dma_wait3A_1851, %dma_wait3A_1852] : memref<64x4x8x8x8x128xf32, #tpu.memory_space<hbm>> -> memref<1x1x1x8x8x128xf32, #tpu.memory_space<hbm>>
    %dma_wait3A_1854 = tpu.memref_squeeze %dma_wait3A_1853 : memref<1x1x1x8x8x128xf32, #tpu.memory_space<hbm>> -> memref<8x8x128xf32, #tpu.memory_space<hbm>>
    %dma_wait3A_1855 = arith.constant 0 : i32
    %dma_wait3A_1856 = arith.constant 0 : i32
    %dma_wait3A_1857 = arith.constant 0 : i32
    %dma_wait3A_1858 = tpu.memref_slice %arg6[%add3A_1847, %dma_wait3A_1848, %dma_wait3A_1849, %dma_wait3A_1855, %dma_wait3A_1856, %dma_wait3A_1857] : memref<64x4x8x8x8x128xf32, #tpu.memory_space<hbm>> -> memref<1x1x1x8x8x128xf32, #tpu.memory_space<hbm>>
    %dma_wait3A_1859 = tpu.memref_squeeze %dma_wait3A_1858 : memref<1x1x1x8x8x128xf32, #tpu.memory_space<hbm>> -> memref<8x8x128xf32, #tpu.memory_space<hbm>>
    tpu.wait_dma2 semaphore(%arg14 : memref<!tpu.dma_semaphore, #tpu.memory_space<semaphore_mem>>) src(%arg12 : memref<8x8x128xf32, #tpu.memory_space<vmem>>) dst(%dma_wait3A_1859 : memref<8x8x128xf32, #tpu.memory_space<hbm>>)
    %add3A_1860 = arith.constant 1 : i32
    %add3A_1861 = arith.addi %mul3A_2, %add3A_1860 : i32
    %dma_wait3A_1862 = arith.constant 3 : i32
    %dma_wait3A_1863 = arith.constant 7 : i32
    %dma_wait3A_1864 = arith.constant 0 : i32
    %dma_wait3A_1865 = arith.constant 0 : i32
    %dma_wait3A_1866 = arith.constant 0 : i32
    %dma_wait3A_1867 = tpu.memref_slice %arg6[%add3A_1861, %dma_wait3A_1862, %dma_wait3A_1863, %dma_wait3A_1864, %dma_wait3A_1865, %dma_wait3A_1866] : memref<64x4x8x8x8x128xf32, #tpu.memory_space<hbm>> -> memref<1x1x1x8x8x128xf32, #tpu.memory_space<hbm>>
    %dma_wait3A_1868 = tpu.memref_squeeze %dma_wait3A_1867 : memref<1x1x1x8x8x128xf32, #tpu.memory_space<hbm>> -> memref<8x8x128xf32, #tpu.memory_space<hbm>>
    %dma_wait3A_1869 = arith.constant 0 : i32
    %dma_wait3A_1870 = arith.constant 0 : i32
    %dma_wait3A_1871 = arith.constant 0 : i32
    %dma_wait3A_1872 = tpu.memref_slice %arg6[%add3A_1861, %dma_wait3A_1862, %dma_wait3A_1863, %dma_wait3A_1869, %dma_wait3A_1870, %dma_wait3A_1871] : memref<64x4x8x8x8x128xf32, #tpu.memory_space<hbm>> -> memref<1x1x1x8x8x128xf32, #tpu.memory_space<hbm>>
    %dma_wait3A_1873 = tpu.memref_squeeze %dma_wait3A_1872 : memref<1x1x1x8x8x128xf32, #tpu.memory_space<hbm>> -> memref<8x8x128xf32, #tpu.memory_space<hbm>>
    tpu.wait_dma2 semaphore(%arg14 : memref<!tpu.dma_semaphore, #tpu.memory_space<semaphore_mem>>) src(%arg12 : memref<8x8x128xf32, #tpu.memory_space<vmem>>) dst(%dma_wait3A_1873 : memref<8x8x128xf32, #tpu.memory_space<hbm>>)
    return
  }
}

</mosaic_0001>

<sc_bundles>
// kernel: kernel.3.cloned.1.call-start
scs
__scs_entry_jumppad:
0x0: {  	(pc) =	sbr.rel $0x88, $3  }
0x1: {  	(tag) =	ssettag $0x0;
	lr =	simm.s32 $0x1  }
0x2: {  	[smem:$0x3F9B] =	sst lr;
	_ =	strace $0xD0000000  }
0x3: {  	_ = 	snop  }
0x4: {  	_ = 	snop  }
0x5: {  	_ = 	snop  }
0x6: {  	_ = 	snop  }
0x7: {  	_ = 	snop  }
__scs_overlays_trampoline_lowered:
0x8: {  	[smem:$0x3FAA] =	sst s0  }
0x9: {  	[smem:$0x3FAB] =	sst s1  }
0xa: {  	[smem:$0x3FAC] =	sst s2  }
0xb: {  	[smem:$0x3FAD] =	sst s3  }
0xc: {  	[smem:$0x3FAE] =	sst s4  }
0xd: {  	[smem:$0x3FAF] =	sst s5  }
0xe: {  	[smem:$0x3FB0] =	sst s6  }
0xf: {  	[smem:$0x3FB1] =	sst s7  }
0x10: {  	[smem:$0x3FB2] =	sst s8  }
0x11: {  	[smem:$0x3FB3] =	sst s9;
	s0 =	simm.s32 @!p0 $0x0  }
0x12: {  	s1 =	sld [smem:$0x3F99];
	s0 =	simm.s32 @p0 $0x1  }
0x13: {  	[smem:$0x3FB4] =	sst s0;
	s0 =	simm.s32 @!p1 $0x0  }
0x14: {  	s2 =	sld [smem:$0x3F98];
	s0 =	simm.s32 @p1 $0x1  }
0x15: {  	[smem:$0x3FB5] =	sst s0;
	s0 =	simm.s32 @!p2 $0x0  }
0x16: {  	s3 =	sld [smem:$0x3FDB];
	s0 =	simm.s32 @p2 $0x1  }
0x17: {  	s4 =	simm.s32 $0x1BF5;
	[smem:$0x3FB7] =	sst s0  }
0x18: {  	s0 =	sld [smem:$0x3F9A];
	_ =	swait.ge [sflag:s4], $0x0  }
0x19: {  	s7 =	sld [smem:$0x3F9B]  }
0x1a: {  	s8 =	sadd.s32 $0xFFFFE003, lr  }
0x1b: {  	s9 =	sadd.s32 $0xFFFFFEF7, lr;
	s5 =	simm.s32 $0xFFFFFFFF;
	p2 =	slt.u32 s8, $0xFFFFF086  }
0x1c: {  	p1 =	slt.u32 s9, $0xF7A;
	s5 =	simm.s32 @!p2 $0x0  }
0x1d: {  	s5 =	simm.s32 @p1 $0x1;
	p0 =	seq.s32 s7, s2  }
0x1e: {  	s7 =	smul.u32 @!p0 $0xF7A, s2;
	p2 =	seq.s32 @!p0 s5, $0x0  }
0x1f: {  	s9 =	smul.u32 $0xF7A, s1;
	s8 =	simm.s32 @!p0 $0x1BF5;
	p2 =	por !p2, p0  }
0x20: {  	[sflag:s8] =	ssyncset.s32 @!p0 $0xFFFFF086;
	s6 =	sadd.s32 @!p0 s3, s7;
	s7 =	simm.s32 @!p0 $0x108  }
0x21: {  	s3 =	sadd.s32 s3, s9;
	s6 =	sadd.s32 @!p0 $0x88, s6;
	s7 =	simm.s32 @p2 $0x1082  }
0x22: {  	[simem:s7], [sflag:s8] =	dma.local @!p0 [hbm:s6], $0xF7A  }
0x23: {  	s9 =	sor.u32 $0xD0000000, s2;
	s6 =	simm.s32 $0x108;
	_ =	swait.ge @!p0 [sflag:s8], $0x0  }
0x24: {  	s3 =	sadd.s32 $0x88, s3;
	s6 =	simm.s32 @!p1 $0x1082;
	[sflag:s4] =	ssyncset.s32 $0xFFFFF086  }
0x25: {  	[simem:s6], [sflag:s4] =	dma.local [hbm:s3], $0xF7A  }
0x26: {  	[smem:$0x3F9B] =	sst s1;
	(tag) =	ssettag s2;
	_ =	strace s9  }
0x27: {  	s1 =	sld [smem:$0x3FAB]  }
0x28: {  	s2 =	sld [smem:$0x3FAC]  }
0x29: {  	s4 =	sld [smem:$0x3FAE]  }
0x2a: {  	p0 =	seq.s32 s5, $0x0;
	s5 =	sld [smem:$0x3FAF]  }
0x2b: {  	s6 =	sld [smem:$0x3FB0]  }
0x2c: {  	s7 =	sld [smem:$0x3FB1]  }
0x2d: {  	s3 =	simm.s32 $0x108;
	s8 =	sld [smem:$0x3FB2]  }
0x2e: {  	s3 =	simm.s32 @!p0 $0x1082;
	s9 =	sld [smem:$0x3FB3]  }
0x2f: {  	lr =	sadd.s32 s0, s3;
	s0 =	sld [smem:$0x3FAA]  }
0x30: {  	s3 =	sld [smem:$0x3FAD]  }
0x31: {  	[smem:$0x3FB6] =	sst s10  }
0x32: {  	s10 =	sld [smem:$0x3FB4];
	_ =	sdelay $0x3  }
0x33: {  	p0 =	seq.s32 s10, $0x1;
	s10 =	sld [smem:$0x3FB6];
	_ =	sdelay $0x3  }
0x34: {  	[smem:$0x3FB6] =	sst s10  }
0x35: {  	s10 =	sld [smem:$0x3FB5];
	_ =	sdelay $0x3  }
0x36: {  	p1 =	seq.s32 s10, $0x1;
	s10 =	sld [smem:$0x3FB6];
	_ =	sdelay $0x3  }
0x37: {  	[smem:$0x3FB6] =	sst s10  }
0x38: {  	s10 =	sld [smem:$0x3FB7]  }
0x39: {  	_ = 	snop;
	(pc) =	sbr.ind lr, $3  }
0x3a: {  	_ = 	snop  }
0x3b: {  	_ = 	snop  }
0x3c: {  	p2 =	seq.s32 s10, $0x1;
	s10 =	sld [smem:$0x3FB6]  }
0x3d: {  	_ =	shalt  }
0x3e: {  	_ =	shalt  }
0x3f: {  	_ =	shalt  }
0x40: {  	_ =	shalt  }
0x41: {  	_ =	shalt  }
0x42: {  	_ =	shalt  }
0x43: {  	_ =	shalt  }
0x44: {  	_ =	shalt  }
0x45: {  	_ =	shalt  }
0x46: {  	_ =	shalt  }
0x47: {  	_ =	shalt  }
0x48: {  	_ =	shalt  }
0x49: {  	_ =	shalt  }
0x4a: {  	_ =	shalt  }
0x4b: {  	_ =	shalt  }
0x4c: {  	_ =	shalt  }
0x4d: {  	_ =	shalt  }
0x4e: {  	_ =	shalt  }
0x4f: {  	_ =	shalt  }
0x50: {  	_ =	shalt  }
0x51: {  	_ =	shalt  }
0x52: {  	_ =	shalt  }
0x53: {  	_ =	shalt  }
0x54: {  	_ =	shalt  }
0x55: {  	_ =	shalt  }
0x56: {  	_ =	shalt  }
0x57: {  	_ =	shalt  }
0x58: {  	_ =	shalt  }
0x59: {  	_ =	shalt  }
0x5a: {  	_ =	shalt  }
0x5b: {  	_ =	shalt  }
0x5c: {  	_ =	shalt  }
0x5d: {  	_ =	shalt  }
0x5e: {  	_ =	shalt  }
0x5f: {  	_ =	shalt  }
0x60: {  	_ =	shalt  }
0x61: {  	_ =	shalt  }
0x62: {  	_ =	shalt  }
0x63: {  	_ =	shalt  }
0x64: {  	_ =	shalt  }
0x65: {  	_ =	shalt  }
0x66: {  	_ =	shalt  }
0x67: {  	_ =	shalt  }
0x68: {  	_ =	shalt  }
0x69: {  	_ =	shalt  }
0x6a: {  	_ =	shalt  }
0x6b: {  	_ =	shalt  }
0x6c: {  	_ =	shalt  }
0x6d: {  	_ =	shalt  }
0x6e: {  	_ =	shalt  }
0x6f: {  	_ =	shalt  }
0x70: {  	_ =	shalt  }
0x71: {  	_ =	shalt  }
0x72: {  	_ =	shalt  }
0x73: {  	_ =	shalt  }
0x74: {  	_ =	shalt  }
0x75: {  	_ =	shalt  }
0x76: {  	_ =	shalt  }
0x77: {  	_ =	shalt  }
0x78: {  	_ =	shalt  }
0x79: {  	_ =	shalt  }
0x7a: {  	_ =	shalt  }
0x7b: {  	_ =	shalt  }
0x7c: {  	_ =	shalt  }
0x7d: {  	_ =	shalt  }
0x7e: {  	_ =	shalt  }
0x7f: {  	_ =	shalt  }
0x80: {  	_ =	shalt  }
0x81: {  	_ =	shalt  }
0x82: {  	_ =	shalt  }
0x83: {  	_ =	shalt  }
0x84: {  	_ =	shalt  }
0x85: {  	_ =	shalt  }
0x86: {  	_ =	shalt  }
0x87: {  	_ =	shalt  }
.Lfunc_end0:
.L_simem_size_0:
called_computation_lowered:
.L_overlay_start_0:
0x88: {  	s2 =	sld [smem:$0x3FD9]  }
0x89: {  	s3 =	sld [smem:$0x3FFE];
	_ =	sdelay $0x1  }
0x8a: {  	s1 =	srdreg.scid  }
0x8b: {  	s0 =	sand.u32 $0x1, s1  }
0x8c: {  	s17 =	sshll.u32 s0, $0xA;
	s2 =	sadd.s32 s3, s2  }
0x8d: {  	s2 =	sadd.s32 s2, s17  }
0x8e: {  	[smem:$0x3FC2] =	sst s2  }
0x8f: {  	_ = 	snop  }
0x90: {  	s2 =	sld [smem:$0x3FC9]  }
0x91: {  	s18 =	sld [smem:$0x3FC4]  }
0x92: {  	s4 =	sld [smem:$0x3FD0];
	(tm) =	ssettm $0x1  }
0x93: {  	s5 =	sld [smem:$0x3FFB];
	_ =	sdelay $0x3  }
0x94: {  	_ =	strace s5  }
0x95: {  	s5 =	sld [smem:$0x3FFC];
	_ =	sdelay $0x3  }
0x96: {  	_ =	strace s5  }
0x97: {  	s5 =	sld [smem:$0x3FFD];
	_ =	sdelay $0x3  }
0x98: {  	_ =	strace s5  }
0x99: {  	_ =	strace $0x8FFFFFFF  }
0x9a: {  	s19 =	sld [smem:$0x3FDB];
	_ =	sdelay $0x1  }
0x9b: {  	s6 =	simm.s32 $_scs_section_size  }
0x9c: {  	s7 =	simm.s32 $_size__tile_overlayer_lowered;
	s8 =	simm.s32 $_tile_overlayer_lowered  }
0x9d: {  	s22 =	simm.s32 $0x1BFF;
	s21 =	sshll.u32 s8, $0x1;
	s5 =	sadd.s32 s6, s19  }
0x9e: {  	s9 =	simm.s32 $0x0;
	s20 =	sshll.u32 s7, $0x1;
	s7 =	sadd.s32 s21, s5  }
0x9f: {  	[timem:s9], [sflag:s22] =	dma.local [hbm:s7], s20  }
0xa0: {  	_ =	swait.ge [sflag:s22], s20  }
0xa1: {  	s6 =	ssub.s32 $0x0, s20;
	[sflag:s22] =	ssyncset.done $0x0  }
0xa2: {  	[sflag:s22] =	ssyncadd.s32 s6;
	_ =	sdelay $0x1  }
0xa3: {  	s23 =	simm.s32 $0x1B8B  }
0xa4: {  	_ =	swait.ge [sflag:s23], $0x1  }
0xa5: {  	[sflag:s23] =	ssyncset.done $0x0  }
0xa6: {  	s25 =	simm.s32 $0x1B8E;
	s24 =	sld [smem:$0x3FFE];
	[sflag:s23] =	ssyncadd.s32 $0xFFFFFFFF  }
0xa7: {  	s26 =	simm.s32 $execute0_lowered;
	[smem:$0x3FD2] =	sst s25  }
0xa8: {  	s7 =	sshll.u32 s26, $0x1;
	_ =	strace $0x80000046;
	[dreg:$0x1] =	wrdreg $0xFFFFFFFF  }
0xa9: {  	s28 =	simm.s32 $_size_execute0_lowered;
	s5 =	sadd.s32 s5, s7;
	[dreg:$0x0] =	wrdreg $0x0  }
0xaa: {  	s7 =	sshll.u32 s28, $0x1;
	[dreg:$0x2] =	wrdreg s5  }
0xab: {  	[dreg:$0x3] =	wrdreg s7  }
0xac: {  	[dreg:$0x4] =	wrdreg $0xC0  }
0xad: {  	_ =	task [dreg:s9], $0x5FFFF  }
0xae: {  	[dreg:$0x1] =	wrdreg $0xFFFFFFFF  }
0xaf: {  	[dreg:$0x0] =	wrdreg $0x60  }
0xb0: {  	[dreg:$0x2] =	wrdreg s24  }
0xb1: {  	[dreg:$0x3] =	wrdreg s2  }
0xb2: {  	[dreg:$0x4] =	wrdreg s18  }
0xb3: {  	[dreg:$0x5] =	wrdreg s4  }
0xb4: {  	[dreg:$0x6] =	wrdreg $0x9  }
0xb5: {  	_ =	task.clear_ibuf [dreg:s9], $0x7FFFF;
	_ =	strace $0x90000046  }
0xb6: {  	s29 =	simm.s32 $0x9;
	_ =	strace $0x80000048  }
0xb7: {  	_ =	swait.ge [sflag:s29], $0x1  }
0xb8: {  	[sflag:s29] =	ssyncadd.s32 $0xFFFFFFFF  }
0xb9: {  	_ =	strace $0x90000048  }
0xba: {  	_ =	sfence  }
0xbb: {  	s30 =	sld [smem:$0x0];
	_ =	sdelay $0x2  }
0xbc: {  	s31 =	sshll.u32 s1, $0xD;
	s1 =	sshrl.u32 s1, $0x2  }
0xbd: {  	s3 =	sand.u32 $0x4000, s31;
	s1 =	sadd.s32 s1, s30  }
0xbe: {  	s0 =	sor.u32 s3, s0;
	s1 =	sshll.u32 s1, $0x11  }
0xbf: {  	s0 =	sor.u32 s1, s0  }
0xc0: {  	s0 =	sadd.s32 $0x8F2B, s0  }
0xc1: {  	[sflag:s0] =	ssyncadd.remote.s32 $0x1  }
0xc2: {  	_ =	sfence.sel $0xFFFF  }
0xc3: {  	[dreg:$0x0] =	wrdreg $0xFFFFFFFF;
	(pc) =	sbr.abs _section_cstart, $3  }
0xc4: {  	[dreg:$0x1] =	wrdreg $0xFFFFFFFF  }
0xc5: {  	_ =	task.clear_ibuf [dreg:s9], $0x2FFFF;
	_ =	strace $0x9FFFFFFF  }
0xc6: {  	(tm) =	ssettm $0x7FFFFFFF  }
0xc7: {  	_ =	shalt  }
tec
execute0_lowered:
.L_overlay_start_1:
0x0: {  	(tag) =	ssettag $0x1  }
0x1: {  	s0 =	srdreg.scid  }
0x2: {  	s2 =	sand.u32 $0x1, s0;
	s0 =	rddreg [dreg:$0x3]  }
0x3: {  	s25 =	sadd.s32 $0x400, s0  }
0x4: {  	s4 =	stileid.u32;
	s26 =	sadd.s32 $0x800, s0;
	[smem:$0x7E7] =	sst s25  }
0x5: {  	s4 =	sshll.u32 s4, $0x1;
	s10 =	sadd.s32 $0xC00, s0;
	[smem:$0x7E9] =	sst s26  }
0x6: {  	s3 =	ssub.s32 $0x2, s2;
	s11 =	sadd.s32 $0x1000, s0;
	[smem:$0x7EB] =	sst s10  }
0x7: {  	s8 =	sor.u32 s2, s4;
	s12 =	sadd.s32 $0x1400, s0;
	[smem:$0x7ED] =	sst s11  }
0x8: {  	s15 =	sadd.s32 $0x2000, s0;
	s5 =	sshrl.u32 s3, $0x1;
	[smem:$0x7EF] =	sst s12  }
0x9: {  	s4 =	sshll.u32 s8, $0x10;
	[smem:$0x7F3] =	sst s15;
	s24 =	ssub.s32 s3, s5  }
0xa: {  	s6 =	sadd.s32 s0, s4;
	[smem:$0x7FD] =	sst s24  }
0xb: {  	s7 =	sadd.s32 s4, s25;
	[dreg:$0x5] =	wrdreg s6  }
0xc: {  	s9 =	sadd.s32 s4, s26;
	[dreg:$0x6] =	wrdreg s7  }
0xd: {  	s2 =	sadd.s32 s4, s10;
	[dreg:$0x7] =	wrdreg s9  }
0xe: {  	s13 =	sadd.s32 s4, s11;
	[dreg:$0x8] =	wrdreg s2  }
0xf: {  	s14 =	sadd.s32 s4, s12;
	[dreg:$0x9] =	wrdreg s13  }
0x10: {  	s10 =	sadd.s32 $0x1800, s0;
	s18 =	sadd.s32 s4, s15;
	[dreg:$0xa] =	wrdreg s14  }
0x11: {  	s11 =	sadd.s32 $0x1C00, s0;
	s16 =	sadd.s32 s4, s10;
	[dreg:$0xd] =	wrdreg s18  }
0x12: {  	s15 =	sadd.s32 $0x2C00, s0;
	s17 =	sadd.s32 s4, s11;
	[dreg:$0xb] =	wrdreg s16  }
0x13: {  	s13 =	sadd.s32 $0x2400, s0;
	s21 =	sadd.s32 s4, s15;
	[dreg:$0xc] =	wrdreg s17  }
0x14: {  	s14 =	sadd.s32 $0x2800, s0;
	s19 =	sadd.s32 s4, s13;
	[dreg:$0x10] =	wrdreg s21  }
0x15: {  	s18 =	sadd.s32 $0x3800, s0;
	s20 =	sadd.s32 s4, s14;
	[dreg:$0xe] =	wrdreg s19  }
0x16: {  	s16 =	sadd.s32 $0x3000, s0;
	s24 =	sadd.s32 s4, s18;
	[dreg:$0xf] =	wrdreg s20  }
0x17: {  	s17 =	sadd.s32 $0x3400, s0;
	s22 =	sadd.s32 s4, s16;
	[dreg:$0x13] =	wrdreg s24  }
0x18: {  	s21 =	sadd.s32 $0x4400, s0;
	s23 =	sadd.s32 s4, s17;
	[dreg:$0x11] =	wrdreg s22  }
0x19: {  	s19 =	sadd.s32 $0x3C00, s0;
	s3 =	sadd.s32 s4, s21;
	[dreg:$0x12] =	wrdreg s23  }
0x1a: {  	s20 =	sadd.s32 $0x4000, s0;
	s25 =	sadd.s32 s4, s19;
	[dreg:$0x16] =	wrdreg s3  }
0x1b: {  	s24 =	sadd.s32 $0x5000, s0;
	s26 =	sadd.s32 s4, s20;
	[dreg:$0x14] =	wrdreg s25  }
0x1c: {  	s28 =	sadd.s32 $0x5C00, s0;
	s7 =	sadd.s32 s4, s24;
	[dreg:$0x15] =	wrdreg s26  }
0x1d: {  	s22 =	sadd.s32 $0x4800, s0;
	s3 =	sadd.s32 s4, s28;
	[dreg:$0x19] =	wrdreg s7  }
0x1e: {  	s23 =	sadd.s32 $0x4C00, s0;
	s5 =	sadd.s32 s4, s22;
	[dreg:$0x1c] =	wrdreg s3  }
0x1f: {  	s31 =	sadd.s32 $0x6800, s0;
	s6 =	sadd.s32 s4, s23;
	[dreg:$0x17] =	wrdreg s5  }
0x20: {  	s25 =	sadd.s32 $0x5400, s0;
	s7 =	sadd.s32 s4, s31;
	[dreg:$0x18] =	wrdreg s6  }
0x21: {  	s26 =	sadd.s32 $0x5800, s0;
	s9 =	sadd.s32 s4, s25;
	[dreg:$0x1f] =	wrdreg s7  }
0x22: {  	s29 =	sadd.s32 $0x6000, s0;
	s12 =	sadd.s32 s4, s26;
	[dreg:$0x1a] =	wrdreg s9  }
0x23: {  	s30 =	sadd.s32 $0x6400, s0;
	s5 =	sadd.s32 s4, s29;
	[dreg:$0x1b] =	wrdreg s12  }
0x24: {  	s2 =	sadd.s32 $0x6C00, s0;
	s6 =	sadd.s32 s4, s30;
	[dreg:$0x1d] =	wrdreg s5  }
0x25: {  	s3 =	sadd.s32 $0x7000, s0;
	[dreg:$0x1e] =	wrdreg s6;
	s9 =	sadd.s32 s4, s2  }
0x26: {  	s7 =	sadd.s32 $0x7400, s0;
	s12 =	sadd.s32 s4, s3;
	[smem:$0x7E1] =	sst s9  }
0x27: {  	s6 =	sadd.s32 s4, s7;
	s5 =	sadd.s32 $0x7800, s0;
	[smem:$0x7E2] =	sst s12  }
0x28: {  	[smem:$0x7E3] =	sst s6;
	s9 =	sadd.s32 s4, s5  }
0x29: {  	s6 =	sadd.s32 $0x7C00, s0;
	[smem:$0x7E4] =	sst s9  }
0x2a: {  	s12 =	sshllo.u32 s8, $0x1;
	s4 =	sadd.s32 s4, s6;
	s9 =	sld [smem:$0x7E7]  }
0x2b: {  	s1 =	simm.s32 $0x0;
	[smem:$0x7E5] =	sst s4;
	s4 =	sshll.u32 s12, $0xF  }
0x2c: {  	[smem:$0x7FF] =	sst s1;
	s0 =	sadd.s32 s0, s4  }
0x2d: {  	[smem:$0x7E6] =	sst s0  }
0x2e: {  	s13 =	sadd.s32 s4, s13;
	s0 =	sadd.s32 s4, s9;
	s9 =	sld [smem:$0x7E9]  }
0x2f: {  	s14 =	sadd.s32 s4, s14;
	[smem:$0x7F5] =	sst s13  }
0x30: {  	[smem:$0x7F6] =	sst s14  }
0x31: {  	[smem:$0x7E8] =	sst s0  }
0x32: {  	s15 =	sadd.s32 s4, s15;
	s0 =	sadd.s32 s4, s9;
	s9 =	sld [smem:$0x7EB]  }
0x33: {  	[smem:$0x7F7] =	sst s15  }
0x34: {  	[smem:$0x7EA] =	sst s0  }
0x35: {  	s0 =	sadd.s32 s4, s9;
	s9 =	sld [smem:$0x7ED]  }
0x36: {  	s15 =	rddreg [dreg:$0x0]  }
0x37: {  	[smem:$0x7EC] =	sst s0  }
0x38: {  	s13 =	sadd.s32 s4, s19;
	s0 =	sadd.s32 s4, s9;
	s9 =	sld [smem:$0x7EF]  }
0x39: {  	v0 =	vmov s12;
	s12 =	simm.s32 $0x2D00;
	s14 =	sadd.s32 s4, s20;
	[smem:$0x7FB] =	sst s13  }
0x3a: {  	s21 =	sadd.s32 s4, s21;
	s22 =	sadd.s32 s4, s22;
	[smem:$0x7FC] =	sst s14  }
0x3b: {  	s23 =	sadd.s32 s4, s23;
	[smem:$0x7EE] =	sst s0;
	s0 =	sadd.s32 s4, s9  }
0x3c: {  	s9 =	sadd.s32 s4, s10;
	s10 =	sadd.s32 s4, s11;
	s11 =	sld [smem:$0x7F3]  }
0x3d: {  	s24 =	sadd.s32 s4, s24;
	s25 =	sadd.s32 s4, s25;
	[smem:$0x7F0] =	sst s0  }
0x3e: {  	s26 =	sadd.s32 s4, s26;
	s28 =	sadd.s32 s4, s28;
	[smem:$0x7F1] =	sst s9  }
0x3f: {  	s29 =	sadd.s32 s4, s29;
	[smem:$0x7F2] =	sst s10;
	s9 =	sadd.s32 s4, s16  }
0x40: {  	s30 =	sadd.s32 s4, s30;
	s10 =	sadd.s32 s4, s17;
	[smem:$0x7F8] =	sst s9  }
0x41: {  	s31 =	sadd.s32 s4, s31;
	[smem:$0x7F9] =	sst s10;
	s0 =	sadd.s32 s4, s11  }
0x42: {  	s19 =	sadd.s32 s4, s5;
	s11 =	sadd.s32 s4, s18;
	[smem:$0x7F4] =	sst s0  }
0x43: {  	s5 =	sadd.s32 s4, s6;
	s6 =	sadd.s32 $0x2400, s15;
	[smem:$0x7FA] =	sst s11  }
0x44: {  	s13 =	simm.s32 $0x2;
	s16 =	smul.u32 $0xFA, s8;
	_ =	strace $0x80000047  }
0x45: {  	s14 =	simm.s32 $0x0;
	s9 =	simm.s32 $0xC00;
	s20 =	sld [smem:$0x7FD]  }
0x46: {  	s10 =	simm.s32 $0x1;
	s17 =	sadd.s32 s16, s15;
	s18 =	sshll.u32 s8, $0x1  }
0x47: {  	s0 =	sadd.s32 s4, s2;
	s2 =	sadd.s32 s4, s3;
	s3 =	sadd.s32 s4, s7;
	v1 =	vmov s18  }
0x48: {  	vm0 =	vmmov $0xff;
	s7 =	sadd.s32 $0x400, s17;
	s11 =	simm.s32 $0xD00;
	v1 =	vbroadcast v1, $0x0;
	s8 =	smax.u32 s20, $0x1  }
.LBB2_1:
0x49: {  	[tilespmem:s1], [sflag:$0x1] =	stream.linear.gather [hbm4b:s7+s1], $0x7D0, $0x38;
	[tilespmem:$0x4D00] =	vst v63  }
0x4a: {  	s4 =	rddreg [dreg:$0x1];
	s15 =	simm.s32 $0x800  }
0x4b: {  	[tilespmem:s15], [sflag:$0x1] =	stream.linear.gather [hbm4b:s4+s1], $0x400, $0x38;
	[tilespmem:$0x4D00] =	vst v63  }
0x4c: {  	s17 =	rddreg [dreg:$0x2]  }
0x4d: {  	[tilespmem:s9], [sflag:$0x1] =	stream.linear.gather [hbm4b:s17+s1], $0x80, $0x38;
	[tilespmem:$0x4D00] =	vst v63  }
0x4e: {  	s18 =	simm.s32 $0xC80  }
0x4f: {  	[tilespmem:s18], [sflag:$0x1] =	stream.linear.gather [hbm4b:s6+s1], $0x80, $0x38;
	[tilespmem:$0x4D00] =	vst v63  }
0x50: {  	_ =	swait.ge [sflag:s10], $0x7D0  }
0x51: {  	[sflag:s10] =	ssyncset.done $0x0  }
0x52: {  	[sflag:s10] =	ssyncadd.s32 $0xFFFFF830  }
0x53: {  	_ =	swait.ge [sflag:s10], $0x400  }
0x54: {  	[sflag:s10] =	ssyncset.done $0x0  }
0x55: {  	[sflag:s10] =	ssyncadd.s32 $0xFFFFFC00  }
0x56: {  	_ =	swait.ge [sflag:s10], $0x80  }
0x57: {  	[sflag:s10] =	ssyncset.done $0x0  }
0x58: {  	[sflag:s10] =	ssyncadd.s32 $0xFFFFFF80  }
0x59: {  	_ =	swait.ge [sflag:s10], $0x80  }
0x5a: {  	[sflag:s10] =	ssyncset.done $0x0  }
0x5b: {  	[sflag:s10] =	ssyncadd.s32 $0xFFFFFF80  }
0x5c: {  	v2 =	vld [tilespmem:$0xC80]  }
0x5d: {  	s20 =	simm.s32 $0x0;
	v3 =	vld.idx.msk [tilespmem:v1+s9+$0x0], $0xffff  }
0x5e: {  	v4 =	vimm.f32 $0.0e+00;
	s15 =	simm.s32 $0x40;
	v5 =	vld [tilespmem:s20+$0x0]  }
.LBB2_2:
0x5f: {  	p0 =	sne.s32 s15, $0xF40  }
.Ltmp0:
0x60: {  	_ = 	snop;
	(pc) =	sbr.rel @p0 .LBB2_2-.Ltmp0, $3  }
0x61: {  	_ =	sdelay $0x1  }
0x62: {  	s4 =	sshra.s32 s15, $0x2;
	s15 =	sadd.s32 $0x40, s15;
	v4 =	vadd.f32 v5, v4  }
0x63: {  	v5 =	vld [tilespmem:s4+$0x0]  }
0x64: {  	v6 =	vld [tilespmem:$0x3E0];
	_ =	sdelay $0x3  }
0x65: {  	v4 =	vadd.f32 v5, v4  }
0x66: {  	v5 =	vnsel vm0, $0x0, v6  }
0x67: {  	v4 =	vadd.f32 v5, v4;
	_ =	sdelay $0x1  }
0x68: {  	(xrf2) =	vadd.scan.msk.f32 $0xffff, v4;
	_ =	sdelay $0x6  }
0x69: {  	v4 =	vld [tilespmem:$0x0];
	_ =	sdelay $0x2  }
0x6a: {  	v5, _, _ =	vpop (xrf2)  }
0x6b: {  	(v2sf) =	vpush v5, $0xF  }
0x6c: {  	(v2sf) =	vpush v4, $0x0;
	_ =	sdelay $0x1  }
0x6d: {  	s4 =	simm.s32 $0x800  }
0x6e: {  	v5 =	vld [tilespmem:s4+$0x0];
	_ =	sdelay $0x4  }
0x6f: {  	vm1 =	vlt.s32 v5, $0x3E7  }
0x70: {  	v4 =	vnsel vm1, $0x3E7, v5;
	_ =	sdelay $0x4  }
0x71: {  	v6 =	vld.idx.msk [tilespmem:v4+s1+$0x0], $0xffff;
	s18 =	spop (v2sf)  }
0x72: {  	s15 =	spop (v2sf)  }
0x73: {  	s4 =	ssub.f32 s18, s15;
	_ =	sdelay $0x1  }
0x74: {  	vm1 =	vlt.s32 v5, $0x3E8;
	v4 =	vmov s4  }
0x75: {  	v5 =	vsel vm1, v6, v4  }
0x76: {  	v5 =	vadd.f32 v5, v3  }
0x77: {  	s15 =	simm.s32 $0x0  }
0x78: {  	s20 =	sand.u32 $0x70, s15;
	s16 =	sand.u32 $0x1C00, s15;
	v5 =	vmul.f32 v5, v2  }
0x79: {  	s4 =	sor.u32 s20, s16  }
0x7a: {  	[tilespmem:s4+$0xD00] =	vst v5  }
0x7b: {  	[tilespmem:s4+$0xD80] =	vst v5  }
0x7c: {  	[tilespmem:s4+$0xE00] =	vst v5  }
0x7d: {  	[tilespmem:s4+$0xE80] =	vst v5  }
0x7e: {  	[tilespmem:s4+$0xF00] =	vst v5  }
0x7f: {  	[tilespmem:s4+$0xF80] =	vst v5  }
0x80: {  	[tilespmem:s4+$0x1000] =	vst v5  }
0x81: {  	s17 =	simm.s32 $0x810;
	[tilespmem:s4+$0x1080] =	vst v5  }
0x82: {  	s18 =	simm.s32 $0x100;
	s16 =	simm.s32 $0x80;
	v5 =	vld [tilespmem:s17+$0x0]  }
.LBB2_4:
0x83: {  	p0 =	sne.s32 s18, $0x1F80;
	_ =	sdelay $0x3  }
0x84: {  	vm1 =	vlt.s32 v5, $0x3E7  }
0x85: {  	v6 =	vnsel vm1, $0x3E7, v5;
	_ =	sdelay $0x4  }
0x86: {  	v6 =	vld.idx.msk [tilespmem:v6+s1+$0x0], $0xffff;
	_ =	sdelay $0x4  }
0x87: {  	vm1 =	vlt.s32 v5, $0x3E8  }
0x88: {  	v5 =	vsel vm1, v6, v4  }
0x89: {  	v5 =	vadd.f32 v5, v3  }
0x8a: {  	s15 =	sadd.s32 $0x10, s15  }
0x8b: {  	s20 =	sand.u32 $0x1C00, s16;
	s16 =	smov.u32 s18;
	s4 =	sand.u32 $0x70, s15;
	v5 =	vmul.f32 v5, v2  }
0x8c: {  	s4 =	sor.u32 s4, s20  }
0x8d: {  	[tilespmem:s4+$0xD00] =	vst v5  }
0x8e: {  	[tilespmem:s4+$0xD80] =	vst v5  }
0x8f: {  	[tilespmem:s4+$0xE00] =	vst v5  }
0x90: {  	[tilespmem:s4+$0xE80] =	vst v5  }
.Ltmp1:
0x91: {  	[tilespmem:s4+$0xF00] =	vst v5;
	(pc) =	sbr.rel @p0 .LBB2_4-.Ltmp1, $4  }
0x92: {  	[tilespmem:s4+$0xF80] =	vst v5  }
0x93: {  	[tilespmem:s4+$0x1000] =	vst v5  }
0x94: {  	s17 =	sadd.s32 $0x10, s17;
	[tilespmem:s4+$0x1080] =	vst v5  }
0x95: {  	s18 =	sadd.s32 $0x80, s18;
	v5 =	vld [tilespmem:s17+$0x0]  }
0x96: {  	_ =	sdelay $0x3  }
0x97: {  	vm1 =	vlt.s32 v5, $0x3E7  }
0x98: {  	v6 =	vnsel vm1, $0x3E7, v5;
	_ =	sdelay $0x4  }
0x99: {  	v6 =	vld.idx.msk [tilespmem:v6+s1+$0x0], $0xffff;
	_ =	sdelay $0x3  }
0x9a: {  	vm1 =	vlt.s32 v5, $0x3E8  }
0x9b: {  	v4 =	vsel vm1, v6, v4  }
0x9c: {  	v3 =	vadd.f32 v4, v3  }
0x9d: {  	s4 =	sadd.s32 $0x10, s15  }
0x9e: {  	s18 =	sand.u32 $0x1C00, s16;
	s4 =	sand.u32 $0x70, s4;
	v3 =	vmul.f32 v3, v2  }
0x9f: {  	s4 =	sor.u32 s4, s18  }
0xa0: {  	[tilespmem:s4+$0xD00] =	vst v3  }
0xa1: {  	[tilespmem:s4+$0xD80] =	vst v3  }
0xa2: {  	[tilespmem:s4+$0xE00] =	vst v3  }
0xa3: {  	[tilespmem:s4+$0xE80] =	vst v3  }
0xa4: {  	[tilespmem:s4+$0xF00] =	vst v3  }
0xa5: {  	[tilespmem:s4+$0xF80] =	vst v3  }
0xa6: {  	s20 =	rddreg [dreg:$0x5];
	[tilespmem:s4+$0x1000] =	vst v3  }
0xa7: {  	s16 =	rddreg [dreg:$0x6];
	[tilespmem:s4+$0x1080] =	vst v3;
	s4 =	simm.s32 $0x0  }
0xa8: {  	[hbm4b:s20+s4] =	stream.linear.scatter [tilespmem:s11], [sflag:$0x1], $0x2000, $0x38;
	[tilespmem:$0x4D00] =	vst v63  }
0xa9: {  	s17 =	rddreg [dreg:$0x7]  }
0xaa: {  	[hbm4b:s16+s4] =	stream.linear.scatter [tilespmem:s11], [sflag:$0x1], $0x2000, $0x38;
	[tilespmem:$0x4D00] =	vst v63  }
0xab: {  	s18 =	rddreg [dreg:$0x8]  }
0xac: {  	[hbm4b:s17+s4] =	stream.linear.scatter [tilespmem:s11], [sflag:$0x1], $0x2000, $0x38;
	[tilespmem:$0x4D00] =	vst v63  }
0xad: {  	s20 =	rddreg [dreg:$0x9]  }
0xae: {  	[hbm4b:s18+s4] =	stream.linear.scatter [tilespmem:s11], [sflag:$0x1], $0x2000, $0x38;
	[tilespmem:$0x4D00] =	vst v63  }
0xaf: {  	s16 =	rddreg [dreg:$0xa]  }
0xb0: {  	[hbm4b:s20+s4] =	stream.linear.scatter [tilespmem:s11], [sflag:$0x1], $0x2000, $0x38;
	[tilespmem:$0x4D00] =	vst v63  }
0xb1: {  	s17 =	rddreg [dreg:$0xb]  }
0xb2: {  	[hbm4b:s16+s4] =	stream.linear.scatter [tilespmem:s11], [sflag:$0x1], $0x2000, $0x38;
	[tilespmem:$0x4D00] =	vst v63  }
0xb3: {  	s18 =	rddreg [dreg:$0xc]  }
0xb4: {  	[hbm4b:s17+s4] =	stream.linear.scatter [tilespmem:s11], [sflag:$0x1], $0x2000, $0x38;
	[tilespmem:$0x4D00] =	vst v63  }
0xb5: {  	s20 =	rddreg [dreg:$0xd]  }
0xb6: {  	[hbm4b:s18+s4] =	stream.linear.scatter [tilespmem:s11], [sflag:$0x1], $0x2000, $0x38;
	[tilespmem:$0x4D00] =	vst v63  }
0xb7: {  	s16 =	rddreg [dreg:$0xe]  }
0xb8: {  	[hbm4b:s20+s4] =	stream.linear.scatter [tilespmem:s11], [sflag:$0x1], $0x2000, $0x38;
	[tilespmem:$0x4D00] =	vst v63  }
0xb9: {  	s17 =	rddreg [dreg:$0xf]  }
0xba: {  	[hbm4b:s16+s4] =	stream.linear.scatter [tilespmem:s11], [sflag:$0x1], $0x2000, $0x38;
	[tilespmem:$0x4D00] =	vst v63  }
0xbb: {  	s18 =	rddreg [dreg:$0x10]  }
0xbc: {  	[hbm4b:s17+s4] =	stream.linear.scatter [tilespmem:s11], [sflag:$0x1], $0x2000, $0x38;
	[tilespmem:$0x4D00] =	vst v63  }
0xbd: {  	s20 =	rddreg [dreg:$0x11]  }
0xbe: {  	[hbm4b:s18+s4] =	stream.linear.scatter [tilespmem:s11], [sflag:$0x1], $0x2000, $0x38;
	[tilespmem:$0x4D00] =	vst v63  }
0xbf: {  	s16 =	rddreg [dreg:$0x12]  }
0xc0: {  	[hbm4b:s20+s4] =	stream.linear.scatter [tilespmem:s11], [sflag:$0x1], $0x2000, $0x38;
	[tilespmem:$0x4D00] =	vst v63  }
0xc1: {  	s17 =	rddreg [dreg:$0x13]  }
0xc2: {  	[hbm4b:s16+s4] =	stream.linear.scatter [tilespmem:s11], [sflag:$0x1], $0x2000, $0x38;
	[tilespmem:$0x4D00] =	vst v63  }
0xc3: {  	s18 =	rddreg [dreg:$0x14]  }
0xc4: {  	[hbm4b:s17+s4] =	stream.linear.scatter [tilespmem:s11], [sflag:$0x1], $0x2000, $0x38;
	[tilespmem:$0x4D00] =	vst v63  }
0xc5: {  	s20 =	rddreg [dreg:$0x15]  }
0xc6: {  	[hbm4b:s18+s4] =	stream.linear.scatter [tilespmem:s11], [sflag:$0x1], $0x2000, $0x38;
	[tilespmem:$0x4D00] =	vst v63  }
0xc7: {  	s16 =	rddreg [dreg:$0x16]  }
0xc8: {  	[hbm4b:s20+s4] =	stream.linear.scatter [tilespmem:s11], [sflag:$0x1], $0x2000, $0x38;
	[tilespmem:$0x4D00] =	vst v63  }
0xc9: {  	s17 =	rddreg [dreg:$0x17]  }
0xca: {  	[hbm4b:s16+s4] =	stream.linear.scatter [tilespmem:s11], [sflag:$0x1], $0x2000, $0x38;
	[tilespmem:$0x4D00] =	vst v63  }
0xcb: {  	s18 =	rddreg [dreg:$0x18]  }
0xcc: {  	[hbm4b:s17+s4] =	stream.linear.scatter [tilespmem:s11], [sflag:$0x1], $0x2000, $0x38;
	[tilespmem:$0x4D00] =	vst v63  }
0xcd: {  	s20 =	rddreg [dreg:$0x19]  }
0xce: {  	[hbm4b:s18+s4] =	stream.linear.scatter [tilespmem:s11], [sflag:$0x1], $0x2000, $0x38;
	[tilespmem:$0x4D00] =	vst v63  }
0xcf: {  	s16 =	rddreg [dreg:$0x1a]  }
0xd0: {  	[hbm4b:s20+s4] =	stream.linear.scatter [tilespmem:s11], [sflag:$0x1], $0x2000, $0x38;
	[tilespmem:$0x4D00] =	vst v63  }
0xd1: {  	s17 =	rddreg [dreg:$0x1b]  }
0xd2: {  	[hbm4b:s16+s4] =	stream.linear.scatter [tilespmem:s11], [sflag:$0x1], $0x2000, $0x38;
	[tilespmem:$0x4D00] =	vst v63  }
0xd3: {  	s18 =	rddreg [dreg:$0x1c]  }
0xd4: {  	[hbm4b:s17+s4] =	stream.linear.scatter [tilespmem:s11], [sflag:$0x1], $0x2000, $0x38;
	[tilespmem:$0x4D00] =	vst v63  }
0xd5: {  	s20 =	rddreg [dreg:$0x1d]  }
0xd6: {  	[hbm4b:s18+s4] =	stream.linear.scatter [tilespmem:s11], [sflag:$0x1], $0x2000, $0x38;
	[tilespmem:$0x4D00] =	vst v63  }
0xd7: {  	s16 =	rddreg [dreg:$0x1e]  }
0xd8: {  	[hbm4b:s20+s4] =	stream.linear.scatter [tilespmem:s11], [sflag:$0x1], $0x2000, $0x38;
	[tilespmem:$0x4D00] =	vst v63  }
0xd9: {  	s17 =	rddreg [dreg:$0x1f]  }
0xda: {  	[hbm4b:s16+s4] =	stream.linear.scatter [tilespmem:s11], [sflag:$0x1], $0x2000, $0x38;
	[tilespmem:$0x4D00] =	vst v63  }
0xdb: {  	s18 =	sld [smem:$0x7E1]  }
0xdc: {  	[hbm4b:s17+s4] =	stream.linear.scatter [tilespmem:s11], [sflag:$0x1], $0x2000, $0x38;
	[tilespmem:$0x4D00] =	vst v63  }
0xdd: {  	s20 =	sld [smem:$0x7E2]  }
0xde: {  	[hbm4b:s18+s4] =	stream.linear.scatter [tilespmem:s11], [sflag:$0x1], $0x2000, $0x38;
	[tilespmem:$0x4D00] =	vst v63  }
0xdf: {  	s16 =	sld [smem:$0x7E3]  }
0xe0: {  	[hbm4b:s20+s4] =	stream.linear.scatter [tilespmem:s11], [sflag:$0x1], $0x2000, $0x38;
	[tilespmem:$0x4D00] =	vst v63  }
0xe1: {  	s17 =	sld [smem:$0x7E4]  }
0xe2: {  	[hbm4b:s16+s4] =	stream.linear.scatter [tilespmem:s11], [sflag:$0x1], $0x2000, $0x38;
	[tilespmem:$0x4D00] =	vst v63  }
0xe3: {  	s18 =	sld [smem:$0x7E5]  }
0xe4: {  	[hbm4b:s17+s4] =	stream.linear.scatter [tilespmem:s11], [sflag:$0x1], $0x2000, $0x38;
	[tilespmem:$0x4D00] =	vst v63  }
0xe5: {  	_ = 	snop  }
0xe6: {  	[hbm4b:s18+s4] =	stream.linear.scatter [tilespmem:s11], [sflag:$0x1], $0x2000, $0x38;
	[tilespmem:$0x4D00] =	vst v63  }
0xe7: {  	s20 =	simm.s32 $0x0;
	v3 =	vld.idx.msk [tilespmem:v0+s9+$0x0], $0xffff  }
0xe8: {  	s15 =	simm.s32 $0x40;
	v4 =	vimm.f32 $0.0e+00;
	v5 =	vld [tilespmem:s20+$0x3E8]  }
.LBB2_6:
0xe9: {  	p0 =	sne.s32 s15, $0xF40  }
.Ltmp2:
0xea: {  	_ = 	snop;
	(pc) =	sbr.rel @p0 .LBB2_6-.Ltmp2, $3  }
0xeb: {  	_ =	sdelay $0x1  }
0xec: {  	s4 =	sshra.s32 s15, $0x2;
	s15 =	sadd.s32 $0x40, s15;
	v4 =	vadd.f32 v5, v4  }
0xed: {  	v5 =	vld [tilespmem:s4+$0x3E8]  }
0xee: {  	v6 =	vld [tilespmem:$0x7C8];
	_ =	sdelay $0x3  }
0xef: {  	v4 =	vadd.f32 v5, v4  }
0xf0: {  	v5 =	vnsel vm0, $0x0, v6  }
0xf1: {  	v4 =	vadd.f32 v5, v4;
	_ =	sdelay $0x1  }
0xf2: {  	(xrf2) =	vadd.scan.msk.f32 $0xffff, v4;
	_ =	sdelay $0x6  }
0xf3: {  	v4 =	vld [tilespmem:$0x3E8];
	_ =	sdelay $0x2  }
0xf4: {  	v5, _, _ =	vpop (xrf2)  }
0xf5: {  	(v2sf) =	vpush v5, $0xF  }
0xf6: {  	(v2sf) =	vpush v4, $0x0  }
0xf7: {  	s4 =	simm.s32 $0x800  }
0xf8: {  	v5 =	vld [tilespmem:s4+$0x0];
	_ =	sdelay $0x4  }
0xf9: {  	vm1 =	vlt.s32 v5, $0x3E7  }
0xfa: {  	v4 =	vnsel vm1, $0x3E7, v5  }
0xfb: {  	v4 =	vadd.s32 $0x3E8, v4;
	_ =	sdelay $0x4  }
0xfc: {  	v6 =	vld.idx.msk [tilespmem:v4+s1+$0x0], $0xffff;
	s18 =	spop (v2sf)  }
0xfd: {  	s15 =	spop (v2sf)  }
0xfe: {  	s4 =	ssub.f32 s18, s15;
	_ =	sdelay $0x1  }
0xff: {  	vm1 =	vlt.s32 v5, $0x3E8;
	v4 =	vmov s4  }
0x100: {  	v5 =	vsel vm1, v6, v4  }
0x101: {  	v5 =	vadd.f32 v5, v3  }
0x102: {  	s15 =	simm.s32 $0x0  }
0x103: {  	s20 =	sand.u32 $0x70, s15;
	s16 =	sand.u32 $0x1C00, s15;
	v5 =	vmul.f32 v5, v2  }
0x104: {  	s4 =	sor.u32 s20, s16  }
0x105: {  	[tilespmem:s4+$0x2D00] =	vst v5  }
0x106: {  	[tilespmem:s4+$0x2D80] =	vst v5  }
0x107: {  	[tilespmem:s4+$0x2E00] =	vst v5  }
0x108: {  	[tilespmem:s4+$0x2E80] =	vst v5  }
0x109: {  	[tilespmem:s4+$0x2F00] =	vst v5  }
0x10a: {  	[tilespmem:s4+$0x2F80] =	vst v5  }
0x10b: {  	[tilespmem:s4+$0x3000] =	vst v5  }
0x10c: {  	s17 =	simm.s32 $0x810;
	[tilespmem:s4+$0x3080] =	vst v5  }
0x10d: {  	s18 =	simm.s32 $0x100;
	s16 =	simm.s32 $0x80;
	v5 =	vld [tilespmem:s17+$0x0]  }
.LBB2_8:
0x10e: {  	p0 =	sne.s32 s18, $0x1F80;
	_ =	sdelay $0x3  }
0x10f: {  	vm1 =	vlt.s32 v5, $0x3E7  }
0x110: {  	v6 =	vnsel vm1, $0x3E7, v5  }
0x111: {  	v6 =	vadd.s32 $0x3E8, v6;
	_ =	sdelay $0x4  }
0x112: {  	v6 =	vld.idx.msk [tilespmem:v6+s1+$0x0], $0xffff;
	_ =	sdelay $0x4  }
0x113: {  	vm1 =	vlt.s32 v5, $0x3E8  }
0x114: {  	v5 =	vsel vm1, v6, v4  }
0x115: {  	v5 =	vadd.f32 v5, v3  }
0x116: {  	s15 =	sadd.s32 $0x10, s15  }
0x117: {  	s20 =	sand.u32 $0x1C00, s16;
	s16 =	smov.u32 s18;
	s4 =	sand.u32 $0x70, s15;
	v5 =	vmul.f32 v5, v2  }
0x118: {  	s4 =	sor.u32 s4, s20  }
0x119: {  	[tilespmem:s4+$0x2D00] =	vst v5  }
0x11a: {  	[tilespmem:s4+$0x2D80] =	vst v5  }
0x11b: {  	[tilespmem:s4+$0x2E00] =	vst v5  }
0x11c: {  	[tilespmem:s4+$0x2E80] =	vst v5  }
.Ltmp3:
0x11d: {  	[tilespmem:s4+$0x2F00] =	vst v5;
	(pc) =	sbr.rel @p0 .LBB2_8-.Ltmp3, $4  }
0x11e: {  	[tilespmem:s4+$0x2F80] =	vst v5  }
0x11f: {  	[tilespmem:s4+$0x3000] =	vst v5  }
0x120: {  	s17 =	sadd.s32 $0x10, s17;
	[tilespmem:s4+$0x3080] =	vst v5  }
0x121: {  	s18 =	sadd.s32 $0x80, s18;
	v5 =	vld [tilespmem:s17+$0x0]  }
0x122: {  	_ =	sdelay $0x3  }
0x123: {  	vm1 =	vlt.s32 v5, $0x3E7  }
0x124: {  	v6 =	vnsel vm1, $0x3E7, v5  }
0x125: {  	v6 =	vadd.s32 $0x3E8, v6;
	_ =	sdelay $0x4  }
0x126: {  	v6 =	vld.idx.msk [tilespmem:v6+s1+$0x0], $0xffff;
	_ =	sdelay $0x3  }
0x127: {  	vm1 =	vlt.s32 v5, $0x3E8  }
0x128: {  	v4 =	vsel vm1, v6, v4  }
0x129: {  	v3 =	vadd.f32 v4, v3  }
0x12a: {  	s4 =	sadd.s32 $0x10, s15  }
0x12b: {  	s17 =	sand.u32 $0x1C00, s16;
	s4 =	sand.u32 $0x70, s4;
	v2 =	vmul.f32 v3, v2  }
0x12c: {  	s4 =	sor.u32 s4, s17  }
0x12d: {  	[tilespmem:s4+$0x2D00] =	vst v2  }
0x12e: {  	[tilespmem:s4+$0x2D80] =	vst v2  }
0x12f: {  	[tilespmem:s4+$0x2E00] =	vst v2  }
0x130: {  	[tilespmem:s4+$0x2E80] =	vst v2  }
0x131: {  	[tilespmem:s4+$0x2F00] =	vst v2  }
0x132: {  	s18 =	sld [smem:$0x7E6];
	[tilespmem:s4+$0x2F80] =	vst v2  }
0x133: {  	[tilespmem:s4+$0x3000] =	vst v2  }
0x134: {  	s20 =	sld [smem:$0x7E8];
	[tilespmem:s4+$0x3080] =	vst v2  }
0x135: {  	[hbm4b:s18+s1] =	stream.linear.scatter [tilespmem:s12], [sflag:$0x2], $0x2000, $0x38;
	[tilespmem:$0x4D00] =	vst v63  }
0x136: {  	s15 =	sld [smem:$0x7EA]  }
0x137: {  	[hbm4b:s20+s1] =	stream.linear.scatter [tilespmem:s12], [sflag:$0x2], $0x2000, $0x38;
	[tilespmem:$0x4D00] =	vst v63  }
0x138: {  	s16 =	sld [smem:$0x7EC]  }
0x139: {  	[hbm4b:s15+s1] =	stream.linear.scatter [tilespmem:s12], [sflag:$0x2], $0x2000, $0x38;
	[tilespmem:$0x4D00] =	vst v63  }
0x13a: {  	s17 =	sld [smem:$0x7EE]  }
0x13b: {  	[hbm4b:s16+s1] =	stream.linear.scatter [tilespmem:s12], [sflag:$0x2], $0x2000, $0x38;
	[tilespmem:$0x4D00] =	vst v63  }
0x13c: {  	s18 =	sld [smem:$0x7F0]  }
0x13d: {  	[hbm4b:s17+s1] =	stream.linear.scatter [tilespmem:s12], [sflag:$0x2], $0x2000, $0x38;
	[tilespmem:$0x4D00] =	vst v63  }
0x13e: {  	s20 =	sld [smem:$0x7F1]  }
0x13f: {  	[hbm4b:s18+s1] =	stream.linear.scatter [tilespmem:s12], [sflag:$0x2], $0x2000, $0x38;
	[tilespmem:$0x4D00] =	vst v63  }
0x140: {  	s15 =	sld [smem:$0x7F2]  }
0x141: {  	[hbm4b:s20+s1] =	stream.linear.scatter [tilespmem:s12], [sflag:$0x2], $0x2000, $0x38;
	[tilespmem:$0x4D00] =	vst v63  }
0x142: {  	s16 =	sld [smem:$0x7F4]  }
0x143: {  	[hbm4b:s15+s1] =	stream.linear.scatter [tilespmem:s12], [sflag:$0x2], $0x2000, $0x38;
	[tilespmem:$0x4D00] =	vst v63  }
0x144: {  	s17 =	sld [smem:$0x7F5]  }
0x145: {  	[hbm4b:s16+s1] =	stream.linear.scatter [tilespmem:s12], [sflag:$0x2], $0x2000, $0x38;
	[tilespmem:$0x4D00] =	vst v63  }
0x146: {  	s18 =	sld [smem:$0x7F6]  }
0x147: {  	[hbm4b:s17+s1] =	stream.linear.scatter [tilespmem:s12], [sflag:$0x2], $0x2000, $0x38;
	[tilespmem:$0x4D00] =	vst v63  }
0x148: {  	s20 =	sld [smem:$0x7F7]  }
0x149: {  	[hbm4b:s18+s1] =	stream.linear.scatter [tilespmem:s12], [sflag:$0x2], $0x2000, $0x38;
	[tilespmem:$0x4D00] =	vst v63  }
0x14a: {  	s15 =	sld [smem:$0x7F8]  }
0x14b: {  	[hbm4b:s20+s1] =	stream.linear.scatter [tilespmem:s12], [sflag:$0x2], $0x2000, $0x38;
	[tilespmem:$0x4D00] =	vst v63  }
0x14c: {  	s16 =	sld [smem:$0x7F9]  }
0x14d: {  	[hbm4b:s15+s1] =	stream.linear.scatter [tilespmem:s12], [sflag:$0x2], $0x2000, $0x38;
	[tilespmem:$0x4D00] =	vst v63  }
0x14e: {  	s17 =	sld [smem:$0x7FA]  }
0x14f: {  	[hbm4b:s16+s1] =	stream.linear.scatter [tilespmem:s12], [sflag:$0x2], $0x2000, $0x38;
	[tilespmem:$0x4D00] =	vst v63  }
0x150: {  	s18 =	sld [smem:$0x7FB]  }
0x151: {  	[hbm4b:s17+s1] =	stream.linear.scatter [tilespmem:s12], [sflag:$0x2], $0x2000, $0x38;
	[tilespmem:$0x4D00] =	vst v63  }
0x152: {  	s20 =	sld [smem:$0x7FC]  }
0x153: {  	[hbm4b:s18+s1] =	stream.linear.scatter [tilespmem:s12], [sflag:$0x2], $0x2000, $0x38;
	[tilespmem:$0x4D00] =	vst v63  }
0x154: {  	_ = 	snop  }
0x155: {  	[hbm4b:s20+s1] =	stream.linear.scatter [tilespmem:s12], [sflag:$0x2], $0x2000, $0x38;
	[tilespmem:$0x4D00] =	vst v63  }
0x156: {  	_ = 	snop  }
0x157: {  	[hbm4b:s21+s1] =	stream.linear.scatter [tilespmem:s12], [sflag:$0x2], $0x2000, $0x38;
	[tilespmem:$0x4D00] =	vst v63  }
0x158: {  	_ = 	snop  }
0x159: {  	[hbm4b:s22+s1] =	stream.linear.scatter [tilespmem:s12], [sflag:$0x2], $0x2000, $0x38;
	[tilespmem:$0x4D00] =	vst v63  }
0x15a: {  	_ = 	snop  }
0x15b: {  	[hbm4b:s23+s1] =	stream.linear.scatter [tilespmem:s12], [sflag:$0x2], $0x2000, $0x38;
	[tilespmem:$0x4D00] =	vst v63  }
0x15c: {  	_ = 	snop  }
0x15d: {  	[hbm4b:s24+s1] =	stream.linear.scatter [tilespmem:s12], [sflag:$0x2], $0x2000, $0x38;
	[tilespmem:$0x4D00] =	vst v63  }
0x15e: {  	_ = 	snop  }
0x15f: {  	[hbm4b:s25+s1] =	stream.linear.scatter [tilespmem:s12], [sflag:$0x2], $0x2000, $0x38;
	[tilespmem:$0x4D00] =	vst v63  }
0x160: {  	_ = 	snop  }
0x161: {  	[hbm4b:s26+s1] =	stream.linear.scatter [tilespmem:s12], [sflag:$0x2], $0x2000, $0x38;
	[tilespmem:$0x4D00] =	vst v63  }
0x162: {  	_ = 	snop  }
0x163: {  	[hbm4b:s28+s1] =	stream.linear.scatter [tilespmem:s12], [sflag:$0x2], $0x2000, $0x38;
	[tilespmem:$0x4D00] =	vst v63  }
0x164: {  	_ = 	snop  }
0x165: {  	[hbm4b:s29+s1] =	stream.linear.scatter [tilespmem:s12], [sflag:$0x2], $0x2000, $0x38;
	[tilespmem:$0x4D00] =	vst v63  }
0x166: {  	_ = 	snop  }
0x167: {  	[hbm4b:s30+s1] =	stream.linear.scatter [tilespmem:s12], [sflag:$0x2], $0x2000, $0x38;
	[tilespmem:$0x4D00] =	vst v63  }
0x168: {  	_ = 	snop  }
0x169: {  	[hbm4b:s31+s1] =	stream.linear.scatter [tilespmem:s12], [sflag:$0x2], $0x2000, $0x38;
	[tilespmem:$0x4D00] =	vst v63  }
0x16a: {  	_ = 	snop  }
0x16b: {  	[hbm4b:s0+s1] =	stream.linear.scatter [tilespmem:s12], [sflag:$0x2], $0x2000, $0x38;
	[tilespmem:$0x4D00] =	vst v63  }
0x16c: {  	_ = 	snop  }
0x16d: {  	[hbm4b:s2+s1] =	stream.linear.scatter [tilespmem:s12], [sflag:$0x2], $0x2000, $0x38;
	[tilespmem:$0x4D00] =	vst v63  }
0x16e: {  	_ = 	snop  }
0x16f: {  	[hbm4b:s3+s1] =	stream.linear.scatter [tilespmem:s12], [sflag:$0x2], $0x2000, $0x38;
	[tilespmem:$0x4D00] =	vst v63  }
0x170: {  	_ = 	snop  }
0x171: {  	[hbm4b:s19+s1] =	stream.linear.scatter [tilespmem:s12], [sflag:$0x2], $0x2000, $0x38;
	[tilespmem:$0x4D00] =	vst v63  }
0x172: {  	_ = 	snop  }
0x173: {  	[hbm4b:s5+s1] =	stream.linear.scatter [tilespmem:s12], [sflag:$0x2], $0x2000, $0x38;
	[tilespmem:$0x4D00] =	vst v63  }
0x174: {  	_ =	swait.ge [sflag:s10], $0x2000  }
0x175: {  	[sflag:s10] =	ssyncset.done $0x0  }
0x176: {  	[sflag:s10] =	ssyncadd.s32 $0xFFFFE000  }
0x177: {  	_ =	swait.ge [sflag:s10], $0x2000  }
0x178: {  	[sflag:s10] =	ssyncset.done $0x0  }
0x179: {  	[sflag:s10] =	ssyncadd.s32 $0xFFFFE000  }
0x17a: {  	_ =	swait.ge [sflag:s10], $0x2000  }
0x17b: {  	[sflag:s10] =	ssyncset.done $0x0  }
0x17c: {  	[sflag:s10] =	ssyncadd.s32 $0xFFFFE000  }
0x17d: {  	_ =	swait.ge [sflag:s10], $0x2000  }
0x17e: {  	[sflag:s10] =	ssyncset.done $0x0  }
0x17f: {  	[sflag:s10] =	ssyncadd.s32 $0xFFFFE000  }
0x180: {  	_ =	swait.ge [sflag:s10], $0x2000  }
0x181: {  	[sflag:s10] =	ssyncset.done $0x0  }
0x182: {  	[sflag:s10] =	ssyncadd.s32 $0xFFFFE000  }
0x183: {  	_ =	swait.ge [sflag:s10], $0x2000  }
0x184: {  	[sflag:s10] =	ssyncset.done $0x0  }
0x185: {  	[sflag:s10] =	ssyncadd.s32 $0xFFFFE000  }
0x186: {  	_ =	swait.ge [sflag:s10], $0x2000  }
0x187: {  	[sflag:s10] =	ssyncset.done $0x0  }
0x188: {  	[sflag:s10] =	ssyncadd.s32 $0xFFFFE000  }
0x189: {  	_ =	swait.ge [sflag:s10], $0x2000  }
0x18a: {  	[sflag:s10] =	ssyncset.done $0x0  }
0x18b: {  	[sflag:s10] =	ssyncadd.s32 $0xFFFFE000  }
0x18c: {  	_ =	swait.ge [sflag:s10], $0x2000  }
0x18d: {  	[sflag:s10] =	ssyncset.done $0x0  }
0x18e: {  	[sflag:s10] =	ssyncadd.s32 $0xFFFFE000  }
0x18f: {  	_ =	swait.ge [sflag:s10], $0x2000  }
0x190: {  	[sflag:s10] =	ssyncset.done $0x0  }
0x191: {  	[sflag:s10] =	ssyncadd.s32 $0xFFFFE000  }
0x192: {  	_ =	swait.ge [sflag:s10], $0x2000  }
0x193: {  	[sflag:s10] =	ssyncset.done $0x0  }
0x194: {  	[sflag:s10] =	ssyncadd.s32 $0xFFFFE000  }
0x195: {  	_ =	swait.ge [sflag:s10], $0x2000  }
0x196: {  	[sflag:s10] =	ssyncset.done $0x0  }
0x197: {  	[sflag:s10] =	ssyncadd.s32 $0xFFFFE000  }
0x198: {  	_ =	swait.ge [sflag:s10], $0x2000  }
0x199: {  	[sflag:s10] =	ssyncset.done $0x0  }
0x19a: {  	[sflag:s10] =	ssyncadd.s32 $0xFFFFE000  }
0x19b: {  	_ =	swait.ge [sflag:s10], $0x2000  }
0x19c: {  	[sflag:s10] =	ssyncset.done $0x0  }
0x19d: {  	[sflag:s10] =	ssyncadd.s32 $0xFFFFE000  }
0x19e: {  	_ =	swait.ge [sflag:s10], $0x2000  }
0x19f: {  	[sflag:s10] =	ssyncset.done $0x0  }
0x1a0: {  	[sflag:s10] =	ssyncadd.s32 $0xFFFFE000  }
0x1a1: {  	_ =	swait.ge [sflag:s10], $0x2000  }
0x1a2: {  	[sflag:s10] =	ssyncset.done $0x0  }
0x1a3: {  	[sflag:s10] =	ssyncadd.s32 $0xFFFFE000  }
0x1a4: {  	_ =	swait.ge [sflag:s10], $0x2000  }
0x1a5: {  	[sflag:s10] =	ssyncset.done $0x0  }
0x1a6: {  	[sflag:s10] =	ssyncadd.s32 $0xFFFFE000  }
0x1a7: {  	_ =	swait.ge [sflag:s10], $0x2000  }
0x1a8: {  	[sflag:s10] =	ssyncset.done $0x0  }
0x1a9: {  	[sflag:s10] =	ssyncadd.s32 $0xFFFFE000  }
0x1aa: {  	_ =	swait.ge [sflag:s10], $0x2000  }
0x1ab: {  	[sflag:s10] =	ssyncset.done $0x0  }
0x1ac: {  	[sflag:s10] =	ssyncadd.s32 $0xFFFFE000  }
0x1ad: {  	_ =	swait.ge [sflag:s10], $0x2000  }
0x1ae: {  	[sflag:s10] =	ssyncset.done $0x0  }
0x1af: {  	[sflag:s10] =	ssyncadd.s32 $0xFFFFE000  }
0x1b0: {  	_ =	swait.ge [sflag:s10], $0x2000  }
0x1b1: {  	[sflag:s10] =	ssyncset.done $0x0  }
0x1b2: {  	[sflag:s10] =	ssyncadd.s32 $0xFFFFE000  }
0x1b3: {  	_ =	swait.ge [sflag:s10], $0x2000  }
0x1b4: {  	[sflag:s10] =	ssyncset.done $0x0  }
0x1b5: {  	[sflag:s10] =	ssyncadd.s32 $0xFFFFE000  }
0x1b6: {  	_ =	swait.ge [sflag:s10], $0x2000  }
0x1b7: {  	[sflag:s10] =	ssyncset.done $0x0  }
0x1b8: {  	[sflag:s10] =	ssyncadd.s32 $0xFFFFE000  }
0x1b9: {  	_ =	swait.ge [sflag:s10], $0x2000  }
0x1ba: {  	[sflag:s10] =	ssyncset.done $0x0  }
0x1bb: {  	[sflag:s10] =	ssyncadd.s32 $0xFFFFE000  }
0x1bc: {  	_ =	swait.ge [sflag:s10], $0x2000  }
0x1bd: {  	[sflag:s10] =	ssyncset.done $0x0  }
0x1be: {  	[sflag:s10] =	ssyncadd.s32 $0xFFFFE000  }
0x1bf: {  	_ =	swait.ge [sflag:s10], $0x2000  }
0x1c0: {  	[sflag:s10] =	ssyncset.done $0x0  }
0x1c1: {  	[sflag:s10] =	ssyncadd.s32 $0xFFFFE000  }
0x1c2: {  	_ =	swait.ge [sflag:s10], $0x2000  }
0x1c3: {  	[sflag:s10] =	ssyncset.done $0x0  }
0x1c4: {  	[sflag:s10] =	ssyncadd.s32 $0xFFFFE000  }
0x1c5: {  	_ =	swait.ge [sflag:s10], $0x2000  }
0x1c6: {  	[sflag:s10] =	ssyncset.done $0x0  }
0x1c7: {  	[sflag:s10] =	ssyncadd.s32 $0xFFFFE000  }
0x1c8: {  	_ =	swait.ge [sflag:s10], $0x2000  }
0x1c9: {  	[sflag:s10] =	ssyncset.done $0x0  }
0x1ca: {  	[sflag:s10] =	ssyncadd.s32 $0xFFFFE000  }
0x1cb: {  	_ =	swait.ge [sflag:s10], $0x2000  }
0x1cc: {  	[sflag:s10] =	ssyncset.done $0x0  }
0x1cd: {  	[sflag:s10] =	ssyncadd.s32 $0xFFFFE000  }
0x1ce: {  	_ =	swait.ge [sflag:s10], $0x2000  }
0x1cf: {  	[sflag:s10] =	ssyncset.done $0x0  }
0x1d0: {  	[sflag:s10] =	ssyncadd.s32 $0xFFFFE000  }
0x1d1: {  	_ =	swait.ge [sflag:s10], $0x2000  }
0x1d2: {  	[sflag:s10] =	ssyncset.done $0x0  }
0x1d3: {  	[sflag:s10] =	ssyncadd.s32 $0xFFFFE000  }
0x1d4: {  	_ =	swait.ge [sflag:s13], $0x2000  }
0x1d5: {  	[sflag:s13] =	ssyncset.done $0x0  }
0x1d6: {  	[sflag:s13] =	ssyncadd.s32 $0xFFFFE000  }
0x1d7: {  	_ =	swait.ge [sflag:s13], $0x2000  }
0x1d8: {  	[sflag:s13] =	ssyncset.done $0x0  }
0x1d9: {  	[sflag:s13] =	ssyncadd.s32 $0xFFFFE000  }
0x1da: {  	_ =	swait.ge [sflag:s13], $0x2000  }
0x1db: {  	[sflag:s13] =	ssyncset.done $0x0  }
0x1dc: {  	[sflag:s13] =	ssyncadd.s32 $0xFFFFE000  }
0x1dd: {  	_ =	swait.ge [sflag:s13], $0x2000  }
0x1de: {  	[sflag:s13] =	ssyncset.done $0x0  }
0x1df: {  	[sflag:s13] =	ssyncadd.s32 $0xFFFFE000  }
0x1e0: {  	_ =	swait.ge [sflag:s13], $0x2000  }
0x1e1: {  	[sflag:s13] =	ssyncset.done $0x0  }
0x1e2: {  	[sflag:s13] =	ssyncadd.s32 $0xFFFFE000  }
0x1e3: {  	_ =	swait.ge [sflag:s13], $0x2000  }
0x1e4: {  	[sflag:s13] =	ssyncset.done $0x0  }
0x1e5: {  	[sflag:s13] =	ssyncadd.s32 $0xFFFFE000  }
0x1e6: {  	_ =	swait.ge [sflag:s13], $0x2000  }
0x1e7: {  	[sflag:s13] =	ssyncset.done $0x0  }
0x1e8: {  	[sflag:s13] =	ssyncadd.s32 $0xFFFFE000  }
0x1e9: {  	_ =	swait.ge [sflag:s13], $0x2000  }
0x1ea: {  	[sflag:s13] =	ssyncset.done $0x0  }
0x1eb: {  	[sflag:s13] =	ssyncadd.s32 $0xFFFFE000  }
0x1ec: {  	_ =	swait.ge [sflag:s13], $0x2000  }
0x1ed: {  	[sflag:s13] =	ssyncset.done $0x0  }
0x1ee: {  	[sflag:s13] =	ssyncadd.s32 $0xFFFFE000  }
0x1ef: {  	_ =	swait.ge [sflag:s13], $0x2000  }
0x1f0: {  	[sflag:s13] =	ssyncset.done $0x0  }
0x1f1: {  	[sflag:s13] =	ssyncadd.s32 $0xFFFFE000  }
0x1f2: {  	_ =	swait.ge [sflag:s13], $0x2000  }
0x1f3: {  	[sflag:s13] =	ssyncset.done $0x0  }
0x1f4: {  	[sflag:s13] =	ssyncadd.s32 $0xFFFFE000  }
0x1f5: {  	_ =	swait.ge [sflag:s13], $0x2000  }
0x1f6: {  	[sflag:s13] =	ssyncset.done $0x0  }
0x1f7: {  	[sflag:s13] =	ssyncadd.s32 $0xFFFFE000  }
0x1f8: {  	_ =	swait.ge [sflag:s13], $0x2000  }
0x1f9: {  	[sflag:s13] =	ssyncset.done $0x0  }
0x1fa: {  	[sflag:s13] =	ssyncadd.s32 $0xFFFFE000  }
0x1fb: {  	_ =	swait.ge [sflag:s13], $0x2000  }
0x1fc: {  	[sflag:s13] =	ssyncset.done $0x0  }
0x1fd: {  	[sflag:s13] =	ssyncadd.s32 $0xFFFFE000  }
0x1fe: {  	_ =	swait.ge [sflag:s13], $0x2000  }
0x1ff: {  	[sflag:s13] =	ssyncset.done $0x0  }
0x200: {  	[sflag:s13] =	ssyncadd.s32 $0xFFFFE000  }
0x201: {  	_ =	swait.ge [sflag:s13], $0x2000  }
0x202: {  	[sflag:s13] =	ssyncset.done $0x0  }
0x203: {  	[sflag:s13] =	ssyncadd.s32 $0xFFFFE000  }
0x204: {  	_ =	swait.ge [sflag:s13], $0x2000  }
0x205: {  	[sflag:s13] =	ssyncset.done $0x0  }
0x206: {  	[sflag:s13] =	ssyncadd.s32 $0xFFFFE000  }
0x207: {  	_ =	swait.ge [sflag:s13], $0x2000  }
0x208: {  	[sflag:s13] =	ssyncset.done $0x0  }
0x209: {  	[sflag:s13] =	ssyncadd.s32 $0xFFFFE000  }
0x20a: {  	_ =	swait.ge [sflag:s13], $0x2000  }
0x20b: {  	[sflag:s13] =	ssyncset.done $0x0  }
0x20c: {  	[sflag:s13] =	ssyncadd.s32 $0xFFFFE000  }
0x20d: {  	_ =	swait.ge [sflag:s13], $0x2000  }
0x20e: {  	[sflag:s13] =	ssyncset.done $0x0  }
0x20f: {  	[sflag:s13] =	ssyncadd.s32 $0xFFFFE000  }
0x210: {  	_ =	swait.ge [sflag:s13], $0x2000  }
0x211: {  	[sflag:s13] =	ssyncset.done $0x0  }
0x212: {  	[sflag:s13] =	ssyncadd.s32 $0xFFFFE000  }
0x213: {  	_ =	swait.ge [sflag:s13], $0x2000  }
0x214: {  	[sflag:s13] =	ssyncset.done $0x0  }
0x215: {  	[sflag:s13] =	ssyncadd.s32 $0xFFFFE000  }
0x216: {  	_ =	swait.ge [sflag:s13], $0x2000  }
0x217: {  	[sflag:s13] =	ssyncset.done $0x0  }
0x218: {  	[sflag:s13] =	ssyncadd.s32 $0xFFFFE000  }
0x219: {  	_ =	swait.ge [sflag:s13], $0x2000  }
0x21a: {  	[sflag:s13] =	ssyncset.done $0x0  }
0x21b: {  	[sflag:s13] =	ssyncadd.s32 $0xFFFFE000  }
0x21c: {  	_ =	swait.ge [sflag:s13], $0x2000  }
0x21d: {  	[sflag:s13] =	ssyncset.done $0x0  }
0x21e: {  	[sflag:s13] =	ssyncadd.s32 $0xFFFFE000  }
0x21f: {  	_ =	swait.ge [sflag:s13], $0x2000  }
0x220: {  	[sflag:s13] =	ssyncset.done $0x0  }
0x221: {  	[sflag:s13] =	ssyncadd.s32 $0xFFFFE000  }
0x222: {  	_ =	swait.ge [sflag:s13], $0x2000  }
0x223: {  	[sflag:s13] =	ssyncset.done $0x0  }
0x224: {  	[sflag:s13] =	ssyncadd.s32 $0xFFFFE000  }
0x225: {  	_ =	swait.ge [sflag:s13], $0x2000  }
0x226: {  	[sflag:s13] =	ssyncset.done $0x0  }
0x227: {  	[sflag:s13] =	ssyncadd.s32 $0xFFFFE000  }
0x228: {  	_ =	swait.ge [sflag:s13], $0x2000  }
0x229: {  	[sflag:s13] =	ssyncset.done $0x0  }
0x22a: {  	[sflag:s13] =	ssyncadd.s32 $0xFFFFE000  }
0x22b: {  	_ =	swait.ge [sflag:s13], $0x2000  }
0x22c: {  	[sflag:s13] =	ssyncset.done $0x0  }
0x22d: {  	s14 =	sadd.s32 $0x1, s14;
	[sflag:s13] =	ssyncadd.s32 $0xFFFFE000  }
0x22e: {  	p0 =	sne.s32 s14, s8;
	_ =	swait.ge [sflag:s13], $0x2000  }
.Ltmp4:
0x22f: {  	[sflag:s13] =	ssyncset.done $0x0;
	(pc) =	sbr.rel @p0 .LBB2_1-.Ltmp4, $4  }
0x230: {  	[sflag:s13] =	ssyncadd.s32 $0xFFFFE000  }
0x231: {  	_ =	swait.ge [sflag:s13], $0x2000  }
0x232: {  	[sflag:s13] =	ssyncset.done $0x0  }
0x233: {  	[sflag:s13] =	ssyncadd.s32 $0xFFFFE000  }
0x234: {  	_ =	sfence.sel $0x180000  }
0x235: {  	[bflag:$0x0] =	sbarrier.arrive $0xFFFF  }
0x236: {  	_ =	strace $0x90000047  }
0x237: {  	s0 =	stileid.u32;
	[bflag:$0x2] =	sbarrier.arrive $0xFFFF  }
0x238: {  	p0 =	sne.s32 s0, $0x0;
	s0 =	rddreg [dreg:$0x4]  }
0x239: {  	s0 =	sadd.s32 @!p0 $0x100000, s0  }
0x23a: {  	[sflag:s0] =	ssyncadd.tile.s32 @!p0 $0x1;
	_ =	shalt  }
.Lfunc_end2:
_tile_overlayer_lowered:
.L_overlay_start_2:
0x23b: {  	(tag) =	ssettag $0x2  }
0x23c: {  	s0 =	rddreg [dreg:$0x0];
	s2 =	stileid.u32  }
0x23d: {  	s1 =	rddreg [dreg:$0x1];
	p0 =	sne.s32 s2, $0x0  }
0x23e: {  	s3 =	rddreg [dreg:$0x2];
	[bflag:$0x3] =	sbarrier.arrive $0xFFFF;
	s2 =	simm.s32 @!p0 $0x1C03  }
0x23f: {  	[timem:s3], [sflag:s2] =	dma.local @!p0 [hbm:s0], s1  }
0x240: {  	s0 =	simm.s32 @!p0 $0x3  }
0x241: {  	_ =	swait.ge @!p0 [sflag:s0], s1  }
0x242: {  	s1 =	ssub.s32 @!p0 $0x0, s1;
	[sflag:s0] =	ssyncset.done @!p0 $0x0  }
0x243: {  	[sflag:s0] =	ssyncadd.s32 @!p0 s1  }
0x244: {  	[bflag:$0x3] =	sbarrier.arrive $0xFFFF  }
0x245: {  	_ =	shalt  }

</sc_bundles>
